<compile_context>
chip_gen: v7x
topology: tpu7x:2x2x1
jax: 0.10.2.dev20260603
libtpu: 0.0.44.dev20260713+nightly
codegen_flags: <defaults>
</compile_context>

<pallas_src>
import functools

import jax
import jax.numpy as jnp
from jax import lax
from jax.experimental import pallas as pl
from jax.experimental.pallas import tpu as pltpu
from jax.experimental.pallas import tpu_sc as plsc

N = 10000
D = 64
E = 320000
CHUNK = 128
EPAD = 327680
EROWS = EPAD // CHUNK
NWORK = 32
RPT = EROWS // NWORK
HALF = RPT // 2
NACC = 10016
NPT = 624
NTAIL = N - 16 * NPT
DUMMY = N

_MESH = plsc.VectorSubcoreMesh(core_axis_name="c", subcore_axis_name="s")


def _sc_agg_body(with_deg, *refs):
    if with_deg:
        (y, srci, dsti, z64, z16, ones_h,
         part, degp,
         acc, dega, src_v, dst_v, buf_a, buf_b, ones_v, sem_a, sem_b) = refs
    else:
        (y, srci, dsti, z64,
         part,
         acc, src_v, dst_v, buf_a, buf_b, sem_a, sem_b) = refs

    c = lax.axis_index("c")
    s = lax.axis_index("s")
    wid = s * 2 + c

    r0 = s * NPT
    pltpu.sync_copy(z64.at[pl.ds(r0, NPT)], acc.at[pl.ds(r0, NPT)])
    if with_deg:
        pltpu.sync_copy(z16.at[pl.ds(r0, NPT)], dega.at[pl.ds(r0, NPT)])
        pltpu.sync_copy(ones_h, ones_v)

    @pl.when(s == 15)
    def _():
        t0 = 16 * NPT
        pltpu.sync_copy(z64.at[pl.ds(t0, NTAIL)], acc.at[pl.ds(t0, NTAIL)])
        if with_deg:
            pltpu.sync_copy(z16.at[pl.ds(t0, NTAIL)], dega.at[pl.ds(t0, NTAIL)])

    plsc.subcore_barrier()

    e0 = wid * RPT
    pltpu.sync_copy(srci.at[pl.ds(e0, RPT)], src_v)
    pltpu.sync_copy(dsti.at[pl.ds(e0, RPT)], dst_v)

    def fire(j, buf, sem):
        pltpu.async_copy(y.at[src_v.at[j]], buf, sem)

    def wait(j, buf, sem):
        pltpu.make_async_copy(y.at[src_v.at[j]], buf, sem).wait()

    def scat(j, buf):
        pltpu.sync_copy(buf, acc.at[dst_v.at[j]], add=True)
        if with_deg:
            pltpu.sync_copy(ones_v, dega.at[dst_v.at[j]], add=True)

    fire(0, buf_a, sem_a)
    fire(1, buf_b, sem_b)

    def body(g, carry):
        j0 = 2 * g
        wait(j0, buf_a, sem_a)
        scat(j0, buf_a)
        fire(j0 + 2, buf_a, sem_a)
        wait(j0 + 1, buf_b, sem_b)
        scat(j0 + 1, buf_b)
        fire(j0 + 3, buf_b, sem_b)
        return carry

    lax.fori_loop(0, HALF - 1, body, 0)
    wait(RPT - 2, buf_a, sem_a)
    scat(RPT - 2, buf_a)
    wait(RPT - 1, buf_b, sem_b)
    scat(RPT - 1, buf_b)

    plsc.subcore_barrier()

    pltpu.sync_copy(acc.at[pl.ds(r0, NPT)], part.at[c].at[pl.ds(r0, NPT)])
    if with_deg:
        pltpu.sync_copy(dega.at[pl.ds(r0, NPT)], degp.at[c].at[pl.ds(r0, NPT)])

    @pl.when(s == 15)
    def _():
        t0 = 16 * NPT
        pltpu.sync_copy(acc.at[pl.ds(t0, NTAIL)], part.at[c].at[pl.ds(t0, NTAIL)])
        if with_deg:
            pltpu.sync_copy(dega.at[pl.ds(t0, NTAIL)],
                            degp.at[c].at[pl.ds(t0, NTAIL)])


def _make_sc_agg(with_deg):
    out_type = [jax.ShapeDtypeStruct((2, N, D), jnp.float32)]
    scratch = {
        "acc": pltpu.VMEM_SHARED((NACC, D), jnp.float32),
        "src_v": pltpu.VMEM((RPT, CHUNK), jnp.int32),
        "dst_v": pltpu.VMEM((RPT, CHUNK), jnp.int32),
        "buf_a": pltpu.VMEM((CHUNK, D), jnp.float32),
        "buf_b": pltpu.VMEM((CHUNK, D), jnp.float32),
        "sem_a": pltpu.SemaphoreType.DMA,
        "sem_b": pltpu.SemaphoreType.DMA,
    }
    if with_deg:
        out_type.append(jax.ShapeDtypeStruct((2, N, 16), jnp.float32))
        scratch["dega"] = pltpu.VMEM_SHARED((NACC, 16), jnp.float32)
        scratch["ones_v"] = pltpu.VMEM((CHUNK, 16), jnp.float32)

    order = ["acc", "dega", "src_v", "dst_v", "buf_a", "buf_b", "ones_v",
             "sem_a", "sem_b"]
    scratch_types = [scratch[k] for k in order if k in scratch]

    return pl.kernel(
        functools.partial(_sc_agg_body, with_deg),
        out_type=out_type,
        mesh=_MESH,
        scratch_types=scratch_types,
        compiler_params=pltpu.CompilerParams(use_tc_tiling_on_sc=False),
        name="sc_segsum_deg" if with_deg else "sc_segsum",
    )


_sc_agg_deg = _make_sc_agg(True)
_sc_agg = _make_sc_agg(False)


def _segment_partials(y, srci, dsti, with_deg):
    z64 = jnp.zeros((N, D), jnp.float32)
    if with_deg:
        z16 = jnp.zeros((N, 16), jnp.float32)
        ones_h = jnp.ones((CHUNK, 16), jnp.float32)
        part, degp = _sc_agg_deg(y, srci, dsti, z64, z16, ones_h)
        return part, degp
    (part,) = _sc_agg(y, srci, dsti, z64)
    return part



_BR = 1000
_GRID = (N // _BR,)


def _full(shape):
    return pl.BlockSpec(shape, lambda i: (0,) * len(shape))


def _rows(shape):
    if len(shape) == 3:
        return pl.BlockSpec(shape, lambda i: (0, i, 0))
    return pl.BlockSpec(shape, lambda i: (i, 0))


def _inv_deg(dp):
    deg = dp[0] + dp[1]
    return 1.0 / jnp.maximum(deg[:, 0:1], 1.0)


def _tc1_body(x_ref, wl_ref, wr_ref, y_ref, z_ref):
    xb = x_ref[...]
    y_ref[...] = jnp.dot(xb, wl_ref[...], preferred_element_type=jnp.float32)
    z_ref[...] = jnp.dot(xb, wr_ref[...], preferred_element_type=jnp.float32)


_tc1 = pl.pallas_call(
    _tc1_body,
    grid=_GRID,
    in_specs=[_rows((_BR, 128)), _full((128, D)), _full((128, D))],
    out_specs=[_rows((_BR, D)), _rows((_BR, D))],
    out_shape=[jax.ShapeDtypeStruct((N, D), jnp.float32)] * 2,
)


def _tc2_body(p_ref, dp_ref, z_ref, b_ref, h_ref):
    p = p_ref[...]
    inv = _inv_deg(dp_ref[...])
    mean = (p[0] + p[1]) * inv
    h_ref[...] = jnp.maximum(mean + z_ref[...] + b_ref[...], 0.0)


_tc2 = pl.pallas_call(
    _tc2_body,
    grid=_GRID,
    in_specs=[_rows((2, _BR, D)), _rows((2, _BR, 16)), _rows((_BR, D)),
              _full((1, D))],
    out_specs=_rows((_BR, D)),
    out_shape=jax.ShapeDtypeStruct((N, D), jnp.float32),
)


def _tc3_body(p_ref, dp_ref, h1_ref, wl2_ref, wr2_ref, b2_ref, wl3_ref,
              wr3_ref, y3_ref, z3_ref):
    p = p_ref[...]
    inv = _inv_deg(dp_ref[...])
    mean2 = (p[0] + p[1]) * inv
    h2 = jnp.dot(mean2, wl2_ref[...], preferred_element_type=jnp.float32)
    h2 += jnp.dot(h1_ref[...], wr2_ref[...], preferred_element_type=jnp.float32)
    h2 = jnp.maximum(h2 + b2_ref[...], 0.0)
    y3_ref[...] = jnp.dot(h2, wl3_ref[...], preferred_element_type=jnp.float32)
    z3_ref[...] = jnp.dot(h2, wr3_ref[...], preferred_element_type=jnp.float32)


_tc3 = pl.pallas_call(
    _tc3_body,
    grid=_GRID,
    in_specs=[_rows((2, _BR, D)), _rows((2, _BR, 16)), _rows((_BR, D)),
              _full((D, 128)), _full((D, 128)), _full((1, 128)),
              _full((128, D)), _full((128, D))],
    out_specs=[_rows((_BR, D)), _rows((_BR, D))],
    out_shape=[jax.ShapeDtypeStruct((N, D), jnp.float32)] * 2,
)


def _tc4_body(p_ref, dp_ref, z3_ref, b3_ref, wfc_ref, bfc_ref, o_ref):
    p = p_ref[...]
    inv = _inv_deg(dp_ref[...])
    h3 = jnp.maximum((p[0] + p[1]) * inv + z3_ref[...] + b3_ref[...], 0.0)
    o_ref[...] = jnp.dot(h3, wfc_ref[...],
                         preferred_element_type=jnp.float32) + bfc_ref[...]


_tc4 = pl.pallas_call(
    _tc4_body,
    grid=_GRID,
    in_specs=[_rows((2, _BR, D)), _rows((2, _BR, 16)), _rows((_BR, D)),
              _full((1, D)), _full((D, 128)), _full((1, 128))],
    out_specs=_rows((_BR, 128)),
    out_shape=jax.ShapeDtypeStruct((N, 128), jnp.float32),
)


def kernel(x, edge_index, W_l1, W_r1, b1, W_l2, W_r2, b2, W_l3, W_r3, b3,
           W_fc, b_fc):
    src = edge_index[0]
    dst = edge_index[1]
    pad = EPAD - E
    srci = jnp.concatenate([src, jnp.zeros((pad,), jnp.int32)])
    dsti = jnp.concatenate([dst, jnp.full((pad,), DUMMY, jnp.int32)])
    srci = srci.reshape(EROWS, CHUNK)
    dsti = dsti.reshape(EROWS, CHUNK)

    y1, z1 = _tc1(x, W_l1.T, W_r1.T)
    p1, degp = _segment_partials(y1, srci, dsti, True)
    h1 = _tc2(p1, degp, z1, b1.reshape(1, D))

    p2 = _segment_partials(h1, srci, dsti, False)

    y3, z3 = _tc3(p2, degp, h1, W_l2.T, W_r2.T, b2.reshape(1, 128),
                  W_l3.T, W_r3.T)
    p3 = _segment_partials(y3, srci, dsti, False)

    wfc = jnp.zeros((D, 128), jnp.float32).at[:, :2].set(W_fc.T)
    bfc = jnp.zeros((1, 128), jnp.float32).at[:, :2].set(b_fc.reshape(1, 2))
    out = _tc4(p3, degp, z3, b3.reshape(1, D), wfc, bfc)
    return out[:, :2]

# --- scband reference (transcript-rebuilt; emitter-appended) ---
"""Pipeline reference for scband-amlgraph-sage-52656299049380 (READ-ONLY COPY).

The authoritative reference and input builder live on the scoring server;
editing this copy changes nothing except your own understanding.
"""

import jax, jax.numpy as jnp
import numpy as np

N = 10000
E = 320000
D_IN = 128
OUT = 2


def sage_conv(x, src, dst, W_l, W_r, b):
    # PyG SAGEConv with mean aggregation:
    # out = lin_l(mean_{j in N(i)} x_j) + lin_r(x_i)
    msg = x[src]
    summed = jax.ops.segment_sum(msg, dst, num_segments=N)
    deg = jax.ops.segment_sum(jnp.ones((src.shape[0],), dtype=x.dtype), dst, num_segments=N)
    mean = summed / jnp.clip(deg, 1.0)[:, None]
    return mean @ W_l.T + x @ W_r.T + b


def setup_inputs(seed: int = 0) -> dict:
    key = jax.random.key(seed)
    ks = jax.random.split(key, 13)
    x = jax.random.normal(ks[0], (N, D_IN), dtype=jnp.float32)
    edge_index = jax.random.randint(ks[1], (2, E), 0, N, dtype=jnp.int32)
    s = 0.05
    params = {
        'W_l1': jax.random.normal(ks[2], (64, D_IN), dtype=jnp.float32) * s,
        'W_r1': jax.random.normal(ks[3], (64, D_IN), dtype=jnp.float32) * s,
        'b1': jnp.zeros((64,), dtype=jnp.float32),
        'W_l2': jax.random.normal(ks[4], (128, 64), dtype=jnp.float32) * s,
        'W_r2': jax.random.normal(ks[5], (128, 64), dtype=jnp.float32) * s,
        'b2': jnp.zeros((128,), dtype=jnp.float32),
        'W_l3': jax.random.normal(ks[6], (64, 128), dtype=jnp.float32) * s,
        'W_r3': jax.random.normal(ks[7], (64, 128), dtype=jnp.float32) * s,
        'b3': jnp.zeros((64,), dtype=jnp.float32),
        'W_fc': jax.random.normal(ks[8], (OUT, 64), dtype=jnp.float32) * s,
        'b_fc': jnp.zeros((OUT,), dtype=jnp.float32),
    }
    return {'x': x, 'edge_index': edge_index, **params}


def reference(x, edge_index, W_l1, W_r1, b1, W_l2, W_r2, b2, W_l3, W_r3, b3, W_fc, b_fc):
    src = edge_index[0]
    dst = edge_index[1]
    h = jax.nn.relu(sage_conv(x, src, dst, W_l1, W_r1, b1))
    # dropout is identity at inference
    h = jax.nn.relu(sage_conv(h, src, dst, W_l2, W_r2, b2))
    h = jax.nn.relu(sage_conv(h, src, dst, W_l3, W_r3, b3))
    out = h @ W_fc.T + b_fc
    return out

if __name__ == "__main__":
    import jax
    _d = setup_inputs()
    print(jax.jit(kernel)(*tuple(_d.values())))

</pallas_src>

<mosaic_0001>
#map = affine_map<(d0, d1) -> (0, 0)>
#map1 = affine_map<(d0, d1) -> (0, 0, 0)>
module attributes {stable_mosaic.version = 14 : i64} {
  func.func @sc_segsum(%arg0: i32, %arg1: i32, %arg2: memref<10000x64xf32, #tpu.memory_space<hbm>>, %arg3: memref<2560x128xi32, #tpu.memory_space<hbm>>, %arg4: memref<2560x128xi32, #tpu.memory_space<hbm>>, %arg5: memref<10000x64xf32, #tpu.memory_space<hbm>>, %arg6: memref<2x10000x64xf32, #tpu.memory_space<hbm>>, %arg7: memref<10016x64xf32, #tpu.memory_space<vmem_shared>>, %arg8: memref<80x128xi32, #tpu.memory_space<vmem>>, %arg9: memref<80x128xi32, #tpu.memory_space<vmem>>, %arg10: memref<128x64xf32, #tpu.memory_space<vmem>>, %arg11: memref<128x64xf32, #tpu.memory_space<vmem>>, %arg12: memref<!tpu.dma_semaphore, #tpu.memory_space<semaphore_mem>>, %arg13: memref<!tpu.dma_semaphore, #tpu.memory_space<semaphore_mem>>) attributes {dimension_semantics = [#tpu.dimension_semantics<core_parallel>, #tpu.dimension_semantics<subcore_parallel>], iteration_bounds = array<i64: 2, 16>, scalar_prefetch = 0 : i64, scratch_operands = 7 : i64, tpu.core_type = #tpu.core_type<sc_vector_subcore>, window_params = [{transform_indices = #map}, {transform_indices = #map}, {transform_indices = #map}, {transform_indices = #map}, {transform_indices = #map1}]} {
    %mul3A = arith.constant 2 : i32
    %mul3A_0 = arith.muli %arg1, %mul3A : i32
    %add3A = arith.addi %mul3A_0, %arg0 : i32
    %mul3A_1 = arith.constant 624 : i32
    %mul3A_2 = arith.muli %arg1, %mul3A_1 : i32
    "tpu.region"() ({
      %run_scoped3A_45 = tpu.sem_alloc : memref<!tpu.dma_semaphore, #tpu.memory_space<semaphore_mem>>
      %dma_start3A_46 = arith.constant 0 : i32
      %dma_start3A_47 = tpu.memref_slice %arg7[%mul3A_2, %dma_start3A_46] : memref<10016x64xf32, #tpu.memory_space<vmem_shared>> -> memref<624x64xf32, #tpu.memory_space<vmem_shared>>
      %dma_start3A_48 = arith.constant 0 : i32
      %dma_start3A_49 = tpu.memref_slice %arg5[%mul3A_2, %dma_start3A_48] : memref<10000x64xf32, #tpu.memory_space<hbm>> -> memref<624x64xf32, #tpu.memory_space<hbm>>
      tpu.enqueue_dma source(%dma_start3A_49 : memref<624x64xf32, #tpu.memory_space<hbm>>) target(%dma_start3A_47 : memref<624x64xf32, #tpu.memory_space<vmem_shared>>) target_semaphore(%run_scoped3A_45 : memref<!tpu.dma_semaphore, #tpu.memory_space<semaphore_mem>>)
      %dma_wait3A_50 = arith.constant 0 : i32
      %dma_wait3A_51 = tpu.memref_slice %arg7[%mul3A_2, %dma_wait3A_50] : memref<10016x64xf32, #tpu.memory_space<vmem_shared>> -> memref<624x64xf32, #tpu.memory_space<vmem_shared>>
      %dma_wait3A_52 = arith.constant 0 : i32
      %dma_wait3A_53 = tpu.memref_slice %arg5[%mul3A_2, %dma_wait3A_52] : memref<10000x64xf32, #tpu.memory_space<hbm>> -> memref<624x64xf32, #tpu.memory_space<hbm>>
      tpu.wait_dma2 semaphore(%run_scoped3A_45 : memref<!tpu.dma_semaphore, #tpu.memory_space<semaphore_mem>>) src(%dma_wait3A_53 : memref<624x64xf32, #tpu.memory_space<hbm>>) dst(%dma_wait3A_51 : memref<624x64xf32, #tpu.memory_space<vmem_shared>>)
      tpu.yield
    }) : () -> ()
    %eq3A = arith.constant 15 : i32
    %eq3A_3 = arith.cmpi eq, %arg1, %eq3A : i32
    %convert_element_type3A = arith.extui %eq3A_3 : i1 to i32
    %cond3A = arith.constant 0 : i32
    %cond3A_4 = arith.cmpi ne, %convert_element_type3A, %cond3A : i32
    scf.if %cond3A_4 {
      "tpu.region"() ({
        %run_scoped3A_45 = tpu.sem_alloc : memref<!tpu.dma_semaphore, #tpu.memory_space<semaphore_mem>>
        %dma_start3A_46 = arith.constant 9984 : i32
        %dma_start3A_47 = arith.constant 0 : i32
        %dma_start3A_48 = tpu.memref_slice %arg7[%dma_start3A_46, %dma_start3A_47] : memref<10016x64xf32, #tpu.memory_space<vmem_shared>> -> memref<16x64xf32, #tpu.memory_space<vmem_shared>>
        %dma_start3A_49 = arith.constant 9984 : i32
        %dma_start3A_50 = arith.constant 0 : i32
        %dma_start3A_51 = tpu.memref_slice %arg5[%dma_start3A_49, %dma_start3A_50] : memref<10000x64xf32, #tpu.memory_space<hbm>> -> memref<16x64xf32, #tpu.memory_space<hbm>>
        tpu.enqueue_dma source(%dma_start3A_51 : memref<16x64xf32, #tpu.memory_space<hbm>>) target(%dma_start3A_48 : memref<16x64xf32, #tpu.memory_space<vmem_shared>>) target_semaphore(%run_scoped3A_45 : memref<!tpu.dma_semaphore, #tpu.memory_space<semaphore_mem>>)
        %dma_wait3A_52 = arith.constant 9984 : i32
        %dma_wait3A_53 = arith.constant 0 : i32
        %dma_wait3A_54 = tpu.memref_slice %arg7[%dma_wait3A_52, %dma_wait3A_53] : memref<10016x64xf32, #tpu.memory_space<vmem_shared>> -> memref<16x64xf32, #tpu.memory_space<vmem_shared>>
        %dma_wait3A_55 = arith.constant 9984 : i32
        %dma_wait3A_56 = arith.constant 0 : i32
        %dma_wait3A_57 = tpu.memref_slice %arg5[%dma_wait3A_55, %dma_wait3A_56] : memref<10000x64xf32, #tpu.memory_space<hbm>> -> memref<16x64xf32, #tpu.memory_space<hbm>>
        tpu.wait_dma2 semaphore(%run_scoped3A_45 : memref<!tpu.dma_semaphore, #tpu.memory_space<semaphore_mem>>) src(%dma_wait3A_57 : memref<16x64xf32, #tpu.memory_space<hbm>>) dst(%dma_wait3A_54 : memref<16x64xf32, #tpu.memory_space<vmem_shared>>)
        tpu.yield
      }) : () -> ()
    } else {
    }
    %barrier3A = arith.constant 0 : index
    tpu.barrier barrier_id(%barrier3A)
    %mul3A_5 = arith.constant 80 : i32
    %mul3A_6 = arith.muli %add3A, %mul3A_5 : i32
    "tpu.region"() ({
      %run_scoped3A_45 = tpu.sem_alloc : memref<!tpu.dma_semaphore, #tpu.memory_space<semaphore_mem>>
      %dma_start3A_46 = arith.constant 0 : i32
      %dma_start3A_47 = tpu.memref_slice %arg3[%mul3A_6, %dma_start3A_46] : memref<2560x128xi32, #tpu.memory_space<hbm>> -> memref<80x128xi32, #tpu.memory_space<hbm>>
      %dma_start3A_48 = arith.constant 0 : i32
      %dma_start3A_49 = tpu.memref_slice %arg3[%mul3A_6, %dma_start3A_48] : memref<2560x128xi32, #tpu.memory_space<hbm>> -> memref<80x128xi32, #tpu.memory_space<hbm>>
      tpu.enqueue_dma source(%dma_start3A_49 : memref<80x128xi32, #tpu.memory_space<hbm>>) target(%arg8 : memref<80x128xi32, #tpu.memory_space<vmem>>) target_semaphore(%run_scoped3A_45 : memref<!tpu.dma_semaphore, #tpu.memory_space<semaphore_mem>>)
      %dma_wait3A_50 = arith.constant 0 : i32
      %dma_wait3A_51 = tpu.memref_slice %arg3[%mul3A_6, %dma_wait3A_50] : memref<2560x128xi32, #tpu.memory_space<hbm>> -> memref<80x128xi32, #tpu.memory_space<hbm>>
      %dma_wait3A_52 = arith.constant 0 : i32
      %dma_wait3A_53 = tpu.memref_slice %arg3[%mul3A_6, %dma_wait3A_52] : memref<2560x128xi32, #tpu.memory_space<hbm>> -> memref<80x128xi32, #tpu.memory_space<hbm>>
      tpu.wait_dma2 semaphore(%run_scoped3A_45 : memref<!tpu.dma_semaphore, #tpu.memory_space<semaphore_mem>>) src(%dma_wait3A_53 : memref<80x128xi32, #tpu.memory_space<hbm>>) dst(%arg8 : memref<80x128xi32, #tpu.memory_space<vmem>>)
      tpu.yield
    }) : () -> ()
    "tpu.region"() ({
      %run_scoped3A_45 = tpu.sem_alloc : memref<!tpu.dma_semaphore, #tpu.memory_space<semaphore_mem>>
      %dma_start3A_46 = arith.constant 0 : i32
      %dma_start3A_47 = tpu.memref_slice %arg4[%mul3A_6, %dma_start3A_46] : memref<2560x128xi32, #tpu.memory_space<hbm>> -> memref<80x128xi32, #tpu.memory_space<hbm>>
      %dma_start3A_48 = arith.constant 0 : i32
      %dma_start3A_49 = tpu.memref_slice %arg4[%mul3A_6, %dma_start3A_48] : memref<2560x128xi32, #tpu.memory_space<hbm>> -> memref<80x128xi32, #tpu.memory_space<hbm>>
      tpu.enqueue_dma source(%dma_start3A_49 : memref<80x128xi32, #tpu.memory_space<hbm>>) target(%arg9 : memref<80x128xi32, #tpu.memory_space<vmem>>) target_semaphore(%run_scoped3A_45 : memref<!tpu.dma_semaphore, #tpu.memory_space<semaphore_mem>>)
      %dma_wait3A_50 = arith.constant 0 : i32
      %dma_wait3A_51 = tpu.memref_slice %arg4[%mul3A_6, %dma_wait3A_50] : memref<2560x128xi32, #tpu.memory_space<hbm>> -> memref<80x128xi32, #tpu.memory_space<hbm>>
      %dma_wait3A_52 = arith.constant 0 : i32
      %dma_wait3A_53 = tpu.memref_slice %arg4[%mul3A_6, %dma_wait3A_52] : memref<2560x128xi32, #tpu.memory_space<hbm>> -> memref<80x128xi32, #tpu.memory_space<hbm>>
      tpu.wait_dma2 semaphore(%run_scoped3A_45 : memref<!tpu.dma_semaphore, #tpu.memory_space<semaphore_mem>>) src(%dma_wait3A_53 : memref<80x128xi32, #tpu.memory_space<hbm>>) dst(%arg9 : memref<80x128xi32, #tpu.memory_space<vmem>>)
      tpu.yield
    }) : () -> ()
    %dma_start3A = arith.constant 0 : i32
    %dma_start3A_7 = arith.constant 0 : i32
    %dma_start3A_8 = tpu.memref_slice %arg8[%dma_start3A, %dma_start3A_7] : memref<80x128xi32, #tpu.memory_space<vmem>> -> memref<1x128xi32, #tpu.memory_space<vmem>>
    %dma_start3A_9 = tpu.memref_squeeze %dma_start3A_8 : memref<1x128xi32, #tpu.memory_space<vmem>> -> memref<128xi32, #tpu.memory_space<vmem>>
    %dma_start3A_10 = arith.constant 0 : i32
    %dma_start3A_11 = arith.constant 0 : i32
    %dma_start3A_12 = tpu.memref_slice %arg2[%dma_start3A_10, %dma_start3A_11] : memref<10000x64xf32, #tpu.memory_space<hbm>> -> memref<10000x64xf32, #tpu.memory_space<hbm>>
    tpu.enqueue_indirect_dma source(%dma_start3A_12 : memref<10000x64xf32, #tpu.memory_space<hbm>>) target(%arg10 : memref<128x64xf32, #tpu.memory_space<vmem>>) offsets(%dma_start3A_9 : memref<128xi32, #tpu.memory_space<vmem>>) semaphore(%arg12 : memref<!tpu.dma_semaphore, #tpu.memory_space<semaphore_mem>>)
    %dma_start3A_13 = arith.constant 1 : i32
    %dma_start3A_14 = arith.constant 0 : i32
    %dma_start3A_15 = tpu.memref_slice %arg8[%dma_start3A_13, %dma_start3A_14] : memref<80x128xi32, #tpu.memory_space<vmem>> -> memref<1x128xi32, #tpu.memory_space<vmem>>
    %dma_start3A_16 = tpu.memref_squeeze %dma_start3A_15 : memref<1x128xi32, #tpu.memory_space<vmem>> -> memref<128xi32, #tpu.memory_space<vmem>>
    %dma_start3A_17 = arith.constant 0 : i32
    %dma_start3A_18 = arith.constant 0 : i32
    %dma_start3A_19 = tpu.memref_slice %arg2[%dma_start3A_17, %dma_start3A_18] : memref<10000x64xf32, #tpu.memory_space<hbm>> -> memref<10000x64xf32, #tpu.memory_space<hbm>>
    tpu.enqueue_indirect_dma source(%dma_start3A_19 : memref<10000x64xf32, #tpu.memory_space<hbm>>) target(%arg11 : memref<128x64xf32, #tpu.memory_space<vmem>>) offsets(%dma_start3A_16 : memref<128xi32, #tpu.memory_space<vmem>>) semaphore(%arg13 : memref<!tpu.dma_semaphore, #tpu.memory_space<semaphore_mem>>)
    %scan3A = arith.constant 0 : i32
    %scan3A_20 = arith.constant 0 : i32
    %scan3A_21 = arith.constant 39 : i32
    %scan3A_22 = arith.addi %scan3A_20, %scan3A_21 : i32
    %scan3A_23 = arith.constant 1 : i32
    scf.for %scan3A_45 = %scan3A_20 to %scan3A_22 step %scan3A_23  : i32 {
      %mul3A_46 = arith.constant 2 : i32
      %mul3A_47 = arith.muli %mul3A_46, %scan3A_45 : i32
      %dma_wait3A_48 = arith.constant 0 : i32
      %dma_wait3A_49 = tpu.memref_slice %arg8[%mul3A_47, %dma_wait3A_48] : memref<80x128xi32, #tpu.memory_space<vmem>> -> memref<1x128xi32, #tpu.memory_space<vmem>>
      %dma_wait3A_50 = tpu.memref_squeeze %dma_wait3A_49 : memref<1x128xi32, #tpu.memory_space<vmem>> -> memref<128xi32, #tpu.memory_space<vmem>>
      %dma_wait3A_51 = arith.constant 0 : i32
      %dma_wait3A_52 = arith.constant 0 : i32
      %dma_wait3A_53 = tpu.memref_slice %arg2[%dma_wait3A_51, %dma_wait3A_52] : memref<10000x64xf32, #tpu.memory_space<hbm>> -> memref<10000x64xf32, #tpu.memory_space<hbm>>
      tpu.wait_indirect_dma semaphore(%arg12 : memref<!tpu.dma_semaphore, #tpu.memory_space<semaphore_mem>>) src(%dma_wait3A_53 : memref<10000x64xf32, #tpu.memory_space<hbm>>) dst(%arg10 : memref<128x64xf32, #tpu.memory_space<vmem>>)
      "tpu.region"() ({
        %run_scoped3A_80 = tpu.sem_alloc : memref<!tpu.dma_semaphore, #tpu.memory_space<semaphore_mem>>
        %dma_start3A_81 = arith.constant 0 : i32
        %dma_start3A_82 = tpu.memref_slice %arg9[%mul3A_47, %dma_start3A_81] : memref<80x128xi32, #tpu.memory_space<vmem>> -> memref<1x128xi32, #tpu.memory_space<vmem>>
        %dma_start3A_83 = tpu.memref_squeeze %dma_start3A_82 : memref<1x128xi32, #tpu.memory_space<vmem>> -> memref<128xi32, #tpu.memory_space<vmem>>
        %dma_start3A_84 = arith.constant 0 : i32
        %dma_start3A_85 = arith.constant 0 : i32
        %dma_start3A_86 = tpu.memref_slice %arg7[%dma_start3A_84, %dma_start3A_85] : memref<10016x64xf32, #tpu.memory_space<vmem_shared>> -> memref<10016x64xf32, #tpu.memory_space<vmem_shared>>
        tpu.enqueue_indirect_dma source(%arg10 : memref<128x64xf32, #tpu.memory_space<vmem>>) target(%dma_start3A_86 : memref<10016x64xf32, #tpu.memory_space<vmem_shared>>) offsets(%dma_start3A_83 : memref<128xi32, #tpu.memory_space<vmem>>) semaphore(%run_scoped3A_80 : memref<!tpu.dma_semaphore, #tpu.memory_space<semaphore_mem>>) {add = true}
        %dma_wait3A_87 = arith.constant 0 : i32
        %dma_wait3A_88 = tpu.memref_slice %arg9[%mul3A_47, %dma_wait3A_87] : memref<80x128xi32, #tpu.memory_space<vmem>> -> memref<1x128xi32, #tpu.memory_space<vmem>>
        %dma_wait3A_89 = tpu.memref_squeeze %dma_wait3A_88 : memref<1x128xi32, #tpu.memory_space<vmem>> -> memref<128xi32, #tpu.memory_space<vmem>>
        %dma_wait3A_90 = arith.constant 0 : i32
        %dma_wait3A_91 = arith.constant 0 : i32
        %dma_wait3A_92 = tpu.memref_slice %arg7[%dma_wait3A_90, %dma_wait3A_91] : memref<10016x64xf32, #tpu.memory_space<vmem_shared>> -> memref<10016x64xf32, #tpu.memory_space<vmem_shared>>
        tpu.wait_indirect_dma semaphore(%run_scoped3A_80 : memref<!tpu.dma_semaphore, #tpu.memory_space<semaphore_mem>>) src(%arg10 : memref<128x64xf32, #tpu.memory_space<vmem>>) dst(%dma_wait3A_92 : memref<10016x64xf32, #tpu.memory_space<vmem_shared>>)
        tpu.yield
      }) : () -> ()
      %add3A_54 = arith.constant 2 : i32
      %add3A_55 = arith.addi %mul3A_47, %add3A_54 : i32
      %dma_start3A_56 = arith.constant 0 : i32
      %dma_start3A_57 = tpu.memref_slice %arg8[%add3A_55, %dma_start3A_56] : memref<80x128xi32, #tpu.memory_space<vmem>> -> memref<1x128xi32, #tpu.memory_space<vmem>>
      %dma_start3A_58 = tpu.memref_squeeze %dma_start3A_57 : memref<1x128xi32, #tpu.memory_space<vmem>> -> memref<128xi32, #tpu.memory_space<vmem>>
      %dma_start3A_59 = arith.constant 0 : i32
      %dma_start3A_60 = arith.constant 0 : i32
      %dma_start3A_61 = tpu.memref_slice %arg2[%dma_start3A_59, %dma_start3A_60] : memref<10000x64xf32, #tpu.memory_space<hbm>> -> memref<10000x64xf32, #tpu.memory_space<hbm>>
      tpu.enqueue_indirect_dma source(%dma_start3A_61 : memref<10000x64xf32, #tpu.memory_space<hbm>>) target(%arg10 : memref<128x64xf32, #tpu.memory_space<vmem>>) offsets(%dma_start3A_58 : memref<128xi32, #tpu.memory_space<vmem>>) semaphore(%arg12 : memref<!tpu.dma_semaphore, #tpu.memory_space<semaphore_mem>>)
      %add3A_62 = arith.constant 1 : i32
      %add3A_63 = arith.addi %mul3A_47, %add3A_62 : i32
      %dma_wait3A_64 = arith.constant 0 : i32
      %dma_wait3A_65 = tpu.memref_slice %arg8[%add3A_63, %dma_wait3A_64] : memref<80x128xi32, #tpu.memory_space<vmem>> -> memref<1x128xi32, #tpu.memory_space<vmem>>
      %dma_wait3A_66 = tpu.memref_squeeze %dma_wait3A_65 : memref<1x128xi32, #tpu.memory_space<vmem>> -> memref<128xi32, #tpu.memory_space<vmem>>
      %dma_wait3A_67 = arith.constant 0 : i32
      %dma_wait3A_68 = arith.constant 0 : i32
      %dma_wait3A_69 = tpu.memref_slice %arg2[%dma_wait3A_67, %dma_wait3A_68] : memref<10000x64xf32, #tpu.memory_space<hbm>> -> memref<10000x64xf32, #tpu.memory_space<hbm>>
      tpu.wait_indirect_dma semaphore(%arg13 : memref<!tpu.dma_semaphore, #tpu.memory_space<semaphore_mem>>) src(%dma_wait3A_69 : memref<10000x64xf32, #tpu.memory_space<hbm>>) dst(%arg11 : memref<128x64xf32, #tpu.memory_space<vmem>>)
      %add3A_70 = arith.constant 1 : i32
      %add3A_71 = arith.addi %mul3A_47, %add3A_70 : i32
      "tpu.region"() ({
        %run_scoped3A_80 = tpu.sem_alloc : memref<!tpu.dma_semaphore, #tpu.memory_space<semaphore_mem>>
        %dma_start3A_81 = arith.constant 0 : i32
        %dma_start3A_82 = tpu.memref_slice %arg9[%add3A_71, %dma_start3A_81] : memref<80x128xi32, #tpu.memory_space<vmem>> -> memref<1x128xi32, #tpu.memory_space<vmem>>
        %dma_start3A_83 = tpu.memref_squeeze %dma_start3A_82 : memref<1x128xi32, #tpu.memory_space<vmem>> -> memref<128xi32, #tpu.memory_space<vmem>>
        %dma_start3A_84 = arith.constant 0 : i32
        %dma_start3A_85 = arith.constant 0 : i32
        %dma_start3A_86 = tpu.memref_slice %arg7[%dma_start3A_84, %dma_start3A_85] : memref<10016x64xf32, #tpu.memory_space<vmem_shared>> -> memref<10016x64xf32, #tpu.memory_space<vmem_shared>>
        tpu.enqueue_indirect_dma source(%arg11 : memref<128x64xf32, #tpu.memory_space<vmem>>) target(%dma_start3A_86 : memref<10016x64xf32, #tpu.memory_space<vmem_shared>>) offsets(%dma_start3A_83 : memref<128xi32, #tpu.memory_space<vmem>>) semaphore(%run_scoped3A_80 : memref<!tpu.dma_semaphore, #tpu.memory_space<semaphore_mem>>) {add = true}
        %dma_wait3A_87 = arith.constant 0 : i32
        %dma_wait3A_88 = tpu.memref_slice %arg9[%add3A_71, %dma_wait3A_87] : memref<80x128xi32, #tpu.memory_space<vmem>> -> memref<1x128xi32, #tpu.memory_space<vmem>>
        %dma_wait3A_89 = tpu.memref_squeeze %dma_wait3A_88 : memref<1x128xi32, #tpu.memory_space<vmem>> -> memref<128xi32, #tpu.memory_space<vmem>>
        %dma_wait3A_90 = arith.constant 0 : i32
        %dma_wait3A_91 = arith.constant 0 : i32
        %dma_wait3A_92 = tpu.memref_slice %arg7[%dma_wait3A_90, %dma_wait3A_91] : memref<10016x64xf32, #tpu.memory_space<vmem_shared>> -> memref<10016x64xf32, #tpu.memory_space<vmem_shared>>
        tpu.wait_indirect_dma semaphore(%run_scoped3A_80 : memref<!tpu.dma_semaphore, #tpu.memory_space<semaphore_mem>>) src(%arg11 : memref<128x64xf32, #tpu.memory_space<vmem>>) dst(%dma_wait3A_92 : memref<10016x64xf32, #tpu.memory_space<vmem_shared>>)
        tpu.yield
      }) : () -> ()
      %add3A_72 = arith.constant 3 : i32
      %add3A_73 = arith.addi %mul3A_47, %add3A_72 : i32
      %dma_start3A_74 = arith.constant 0 : i32
      %dma_start3A_75 = tpu.memref_slice %arg8[%add3A_73, %dma_start3A_74] : memref<80x128xi32, #tpu.memory_space<vmem>> -> memref<1x128xi32, #tpu.memory_space<vmem>>
      %dma_start3A_76 = tpu.memref_squeeze %dma_start3A_75 : memref<1x128xi32, #tpu.memory_space<vmem>> -> memref<128xi32, #tpu.memory_space<vmem>>
      %dma_start3A_77 = arith.constant 0 : i32
      %dma_start3A_78 = arith.constant 0 : i32
      %dma_start3A_79 = tpu.memref_slice %arg2[%dma_start3A_77, %dma_start3A_78] : memref<10000x64xf32, #tpu.memory_space<hbm>> -> memref<10000x64xf32, #tpu.memory_space<hbm>>
      tpu.enqueue_indirect_dma source(%dma_start3A_79 : memref<10000x64xf32, #tpu.memory_space<hbm>>) target(%arg11 : memref<128x64xf32, #tpu.memory_space<vmem>>) offsets(%dma_start3A_76 : memref<128xi32, #tpu.memory_space<vmem>>) semaphore(%arg13 : memref<!tpu.dma_semaphore, #tpu.memory_space<semaphore_mem>>)
    }
    %scan3A_24 = arith.constant 39 : i32
    %dma_wait3A = arith.constant 78 : i32
    %dma_wait3A_25 = arith.constant 0 : i32
    %dma_wait3A_26 = tpu.memref_slice %arg8[%dma_wait3A, %dma_wait3A_25] : memref<80x128xi32, #tpu.memory_space<vmem>> -> memref<1x128xi32, #tpu.memory_space<vmem>>
    %dma_wait3A_27 = tpu.memref_squeeze %dma_wait3A_26 : memref<1x128xi32, #tpu.memory_space<vmem>> -> memref<128xi32, #tpu.memory_space<vmem>>
    %dma_wait3A_28 = arith.constant 0 : i32
    %dma_wait3A_29 = arith.constant 0 : i32
    %dma_wait3A_30 = tpu.memref_slice %arg2[%dma_wait3A_28, %dma_wait3A_29] : memref<10000x64xf32, #tpu.memory_space<hbm>> -> memref<10000x64xf32, #tpu.memory_space<hbm>>
    tpu.wait_indirect_dma semaphore(%arg12 : memref<!tpu.dma_semaphore, #tpu.memory_space<semaphore_mem>>) src(%dma_wait3A_30 : memref<10000x64xf32, #tpu.memory_space<hbm>>) dst(%arg10 : memref<128x64xf32, #tpu.memory_space<vmem>>)
    %run_scoped3A = arith.constant 78 : i32
    "tpu.region"() ({
      %run_scoped3A_45 = tpu.sem_alloc : memref<!tpu.dma_semaphore, #tpu.memory_space<semaphore_mem>>
      %dma_start3A_46 = arith.constant 0 : i32
      %dma_start3A_47 = tpu.memref_slice %arg9[%run_scoped3A, %dma_start3A_46] : memref<80x128xi32, #tpu.memory_space<vmem>> -> memref<1x128xi32, #tpu.memory_space<vmem>>
      %dma_start3A_48 = tpu.memref_squeeze %dma_start3A_47 : memref<1x128xi32, #tpu.memory_space<vmem>> -> memref<128xi32, #tpu.memory_space<vmem>>
      %dma_start3A_49 = arith.constant 0 : i32
      %dma_start3A_50 = arith.constant 0 : i32
      %dma_start3A_51 = tpu.memref_slice %arg7[%dma_start3A_49, %dma_start3A_50] : memref<10016x64xf32, #tpu.memory_space<vmem_shared>> -> memref<10016x64xf32, #tpu.memory_space<vmem_shared>>
      tpu.enqueue_indirect_dma source(%arg10 : memref<128x64xf32, #tpu.memory_space<vmem>>) target(%dma_start3A_51 : memref<10016x64xf32, #tpu.memory_space<vmem_shared>>) offsets(%dma_start3A_48 : memref<128xi32, #tpu.memory_space<vmem>>) semaphore(%run_scoped3A_45 : memref<!tpu.dma_semaphore, #tpu.memory_space<semaphore_mem>>) {add = true}
      %dma_wait3A_52 = arith.constant 0 : i32
      %dma_wait3A_53 = tpu.memref_slice %arg9[%run_scoped3A, %dma_wait3A_52] : memref<80x128xi32, #tpu.memory_space<vmem>> -> memref<1x128xi32, #tpu.memory_space<vmem>>
      %dma_wait3A_54 = tpu.memref_squeeze %dma_wait3A_53 : memref<1x128xi32, #tpu.memory_space<vmem>> -> memref<128xi32, #tpu.memory_space<vmem>>
      %dma_wait3A_55 = arith.constant 0 : i32
      %dma_wait3A_56 = arith.constant 0 : i32
      %dma_wait3A_57 = tpu.memref_slice %arg7[%dma_wait3A_55, %dma_wait3A_56] : memref<10016x64xf32, #tpu.memory_space<vmem_shared>> -> memref<10016x64xf32, #tpu.memory_space<vmem_shared>>
      tpu.wait_indirect_dma semaphore(%run_scoped3A_45 : memref<!tpu.dma_semaphore, #tpu.memory_space<semaphore_mem>>) src(%arg10 : memref<128x64xf32, #tpu.memory_space<vmem>>) dst(%dma_wait3A_57 : memref<10016x64xf32, #tpu.memory_space<vmem_shared>>)
      tpu.yield
    }) : () -> ()
    %dma_wait3A_31 = arith.constant 79 : i32
    %dma_wait3A_32 = arith.constant 0 : i32
    %dma_wait3A_33 = tpu.memref_slice %arg8[%dma_wait3A_31, %dma_wait3A_32] : memref<80x128xi32, #tpu.memory_space<vmem>> -> memref<1x128xi32, #tpu.memory_space<vmem>>
    %dma_wait3A_34 = tpu.memref_squeeze %dma_wait3A_33 : memref<1x128xi32, #tpu.memory_space<vmem>> -> memref<128xi32, #tpu.memory_space<vmem>>
    %dma_wait3A_35 = arith.constant 0 : i32
    %dma_wait3A_36 = arith.constant 0 : i32
    %dma_wait3A_37 = tpu.memref_slice %arg2[%dma_wait3A_35, %dma_wait3A_36] : memref<10000x64xf32, #tpu.memory_space<hbm>> -> memref<10000x64xf32, #tpu.memory_space<hbm>>
    tpu.wait_indirect_dma semaphore(%arg13 : memref<!tpu.dma_semaphore, #tpu.memory_space<semaphore_mem>>) src(%dma_wait3A_37 : memref<10000x64xf32, #tpu.memory_space<hbm>>) dst(%arg11 : memref<128x64xf32, #tpu.memory_space<vmem>>)
    %run_scoped3A_38 = arith.constant 79 : i32
    "tpu.region"() ({
      %run_scoped3A_45 = tpu.sem_alloc : memref<!tpu.dma_semaphore, #tpu.memory_space<semaphore_mem>>
      %dma_start3A_46 = arith.constant 0 : i32
      %dma_start3A_47 = tpu.memref_slice %arg9[%run_scoped3A_38, %dma_start3A_46] : memref<80x128xi32, #tpu.memory_space<vmem>> -> memref<1x128xi32, #tpu.memory_space<vmem>>
      %dma_start3A_48 = tpu.memref_squeeze %dma_start3A_47 : memref<1x128xi32, #tpu.memory_space<vmem>> -> memref<128xi32, #tpu.memory_space<vmem>>
      %dma_start3A_49 = arith.constant 0 : i32
      %dma_start3A_50 = arith.constant 0 : i32
      %dma_start3A_51 = tpu.memref_slice %arg7[%dma_start3A_49, %dma_start3A_50] : memref<10016x64xf32, #tpu.memory_space<vmem_shared>> -> memref<10016x64xf32, #tpu.memory_space<vmem_shared>>
      tpu.enqueue_indirect_dma source(%arg11 : memref<128x64xf32, #tpu.memory_space<vmem>>) target(%dma_start3A_51 : memref<10016x64xf32, #tpu.memory_space<vmem_shared>>) offsets(%dma_start3A_48 : memref<128xi32, #tpu.memory_space<vmem>>) semaphore(%run_scoped3A_45 : memref<!tpu.dma_semaphore, #tpu.memory_space<semaphore_mem>>) {add = true}
      %dma_wait3A_52 = arith.constant 0 : i32
      %dma_wait3A_53 = tpu.memref_slice %arg9[%run_scoped3A_38, %dma_wait3A_52] : memref<80x128xi32, #tpu.memory_space<vmem>> -> memref<1x128xi32, #tpu.memory_space<vmem>>
      %dma_wait3A_54 = tpu.memref_squeeze %dma_wait3A_53 : memref<1x128xi32, #tpu.memory_space<vmem>> -> memref<128xi32, #tpu.memory_space<vmem>>
      %dma_wait3A_55 = arith.constant 0 : i32
      %dma_wait3A_56 = arith.constant 0 : i32
      %dma_wait3A_57 = tpu.memref_slice %arg7[%dma_wait3A_55, %dma_wait3A_56] : memref<10016x64xf32, #tpu.memory_space<vmem_shared>> -> memref<10016x64xf32, #tpu.memory_space<vmem_shared>>
      tpu.wait_indirect_dma semaphore(%run_scoped3A_45 : memref<!tpu.dma_semaphore, #tpu.memory_space<semaphore_mem>>) src(%arg11 : memref<128x64xf32, #tpu.memory_space<vmem>>) dst(%dma_wait3A_57 : memref<10016x64xf32, #tpu.memory_space<vmem_shared>>)
      tpu.yield
    }) : () -> ()
    %barrier3A_39 = arith.constant 0 : index
    tpu.barrier barrier_id(%barrier3A_39)
    "tpu.region"() ({
      %run_scoped3A_45 = tpu.sem_alloc : memref<!tpu.dma_semaphore, #tpu.memory_space<semaphore_mem>>
      %dma_start3A_46 = arith.constant 0 : i32
      %dma_start3A_47 = arith.constant 0 : i32
      %dma_start3A_48 = tpu.memref_slice %arg6[%arg0, %dma_start3A_46, %dma_start3A_47] : memref<2x10000x64xf32, #tpu.memory_space<hbm>> -> memref<1x10000x64xf32, #tpu.memory_space<hbm>>
      %dma_start3A_49 = tpu.memref_squeeze %dma_start3A_48 : memref<1x10000x64xf32, #tpu.memory_space<hbm>> -> memref<10000x64xf32, #tpu.memory_space<hbm>>
      %dma_start3A_50 = arith.constant 0 : i32
      %dma_start3A_51 = tpu.memref_slice %dma_start3A_49[%mul3A_2, %dma_start3A_50] : memref<10000x64xf32, #tpu.memory_space<hbm>> -> memref<624x64xf32, #tpu.memory_space<hbm>>
      %dma_start3A_52 = arith.constant 0 : i32
      %dma_start3A_53 = tpu.memref_slice %arg7[%mul3A_2, %dma_start3A_52] : memref<10016x64xf32, #tpu.memory_space<vmem_shared>> -> memref<624x64xf32, #tpu.memory_space<vmem_shared>>
      tpu.enqueue_dma source(%dma_start3A_53 : memref<624x64xf32, #tpu.memory_space<vmem_shared>>) target(%dma_start3A_51 : memref<624x64xf32, #tpu.memory_space<hbm>>) target_semaphore(%run_scoped3A_45 : memref<!tpu.dma_semaphore, #tpu.memory_space<semaphore_mem>>)
      %dma_wait3A_54 = arith.constant 0 : i32
      %dma_wait3A_55 = arith.constant 0 : i32
      %dma_wait3A_56 = tpu.memref_slice %arg6[%arg0, %dma_wait3A_54, %dma_wait3A_55] : memref<2x10000x64xf32, #tpu.memory_space<hbm>> -> memref<1x10000x64xf32, #tpu.memory_space<hbm>>
      %dma_wait3A_57 = tpu.memref_squeeze %dma_wait3A_56 : memref<1x10000x64xf32, #tpu.memory_space<hbm>> -> memref<10000x64xf32, #tpu.memory_space<hbm>>
      %dma_wait3A_58 = arith.constant 0 : i32
      %dma_wait3A_59 = tpu.memref_slice %dma_wait3A_57[%mul3A_2, %dma_wait3A_58] : memref<10000x64xf32, #tpu.memory_space<hbm>> -> memref<624x64xf32, #tpu.memory_space<hbm>>
      %dma_wait3A_60 = arith.constant 0 : i32
      %dma_wait3A_61 = tpu.memref_slice %arg7[%mul3A_2, %dma_wait3A_60] : memref<10016x64xf32, #tpu.memory_space<vmem_shared>> -> memref<624x64xf32, #tpu.memory_space<vmem_shared>>
      tpu.wait_dma2 semaphore(%run_scoped3A_45 : memref<!tpu.dma_semaphore, #tpu.memory_space<semaphore_mem>>) src(%dma_wait3A_61 : memref<624x64xf32, #tpu.memory_space<vmem_shared>>) dst(%dma_wait3A_59 : memref<624x64xf32, #tpu.memory_space<hbm>>)
      tpu.yield
    }) : () -> ()
    %eq3A_40 = arith.constant 15 : i32
    %eq3A_41 = arith.cmpi eq, %arg1, %eq3A_40 : i32
    %convert_element_type3A_42 = arith.extui %eq3A_41 : i1 to i32
    %cond3A_43 = arith.constant 0 : i32
    %cond3A_44 = arith.cmpi ne, %convert_element_type3A_42, %cond3A_43 : i32
    scf.if %cond3A_44 {
      "tpu.region"() ({
        %run_scoped3A_45 = tpu.sem_alloc : memref<!tpu.dma_semaphore, #tpu.memory_space<semaphore_mem>>
        %dma_start3A_46 = arith.constant 0 : i32
        %dma_start3A_47 = arith.constant 0 : i32
        %dma_start3A_48 = tpu.memref_slice %arg6[%arg0, %dma_start3A_46, %dma_start3A_47] : memref<2x10000x64xf32, #tpu.memory_space<hbm>> -> memref<1x10000x64xf32, #tpu.memory_space<hbm>>
        %dma_start3A_49 = tpu.memref_squeeze %dma_start3A_48 : memref<1x10000x64xf32, #tpu.memory_space<hbm>> -> memref<10000x64xf32, #tpu.memory_space<hbm>>
        %dma_start3A_50 = arith.constant 9984 : i32
        %dma_start3A_51 = arith.constant 0 : i32
        %dma_start3A_52 = tpu.memref_slice %dma_start3A_49[%dma_start3A_50, %dma_start3A_51] : memref<10000x64xf32, #tpu.memory_space<hbm>> -> memref<16x64xf32, #tpu.memory_space<hbm>>
        %dma_start3A_53 = arith.constant 9984 : i32
        %dma_start3A_54 = arith.constant 0 : i32
        %dma_start3A_55 = tpu.memref_slice %arg7[%dma_start3A_53, %dma_start3A_54] : memref<10016x64xf32, #tpu.memory_space<vmem_shared>> -> memref<16x64xf32, #tpu.memory_space<vmem_shared>>
        tpu.enqueue_dma source(%dma_start3A_55 : memref<16x64xf32, #tpu.memory_space<vmem_shared>>) target(%dma_start3A_52 : memref<16x64xf32, #tpu.memory_space<hbm>>) target_semaphore(%run_scoped3A_45 : memref<!tpu.dma_semaphore, #tpu.memory_space<semaphore_mem>>)
        %dma_wait3A_56 = arith.constant 0 : i32
        %dma_wait3A_57 = arith.constant 0 : i32
        %dma_wait3A_58 = tpu.memref_slice %arg6[%arg0, %dma_wait3A_56, %dma_wait3A_57] : memref<2x10000x64xf32, #tpu.memory_space<hbm>> -> memref<1x10000x64xf32, #tpu.memory_space<hbm>>
        %dma_wait3A_59 = tpu.memref_squeeze %dma_wait3A_58 : memref<1x10000x64xf32, #tpu.memory_space<hbm>> -> memref<10000x64xf32, #tpu.memory_space<hbm>>
        %dma_wait3A_60 = arith.constant 9984 : i32
        %dma_wait3A_61 = arith.constant 0 : i32
        %dma_wait3A_62 = tpu.memref_slice %dma_wait3A_59[%dma_wait3A_60, %dma_wait3A_61] : memref<10000x64xf32, #tpu.memory_space<hbm>> -> memref<16x64xf32, #tpu.memory_space<hbm>>
        %dma_wait3A_63 = arith.constant 9984 : i32
        %dma_wait3A_64 = arith.constant 0 : i32
        %dma_wait3A_65 = tpu.memref_slice %arg7[%dma_wait3A_63, %dma_wait3A_64] : memref<10016x64xf32, #tpu.memory_space<vmem_shared>> -> memref<16x64xf32, #tpu.memory_space<vmem_shared>>
        tpu.wait_dma2 semaphore(%run_scoped3A_45 : memref<!tpu.dma_semaphore, #tpu.memory_space<semaphore_mem>>) src(%dma_wait3A_65 : memref<16x64xf32, #tpu.memory_space<vmem_shared>>) dst(%dma_wait3A_62 : memref<16x64xf32, #tpu.memory_space<hbm>>)
        tpu.yield
      }) : () -> ()
    } else {
    }
    return
  }
}

#map = affine_map<(d0, d1) -> (0, 0)>
#map1 = affine_map<(d0, d1) -> (0, 0, 0)>
module attributes {stable_mosaic.version = 14 : i64} {
  func.func @sc_segsum_deg(%arg0: i32, %arg1: i32, %arg2: memref<10000x64xf32, #tpu.memory_space<hbm>>, %arg3: memref<2560x128xi32, #tpu.memory_space<hbm>>, %arg4: memref<2560x128xi32, #tpu.memory_space<hbm>>, %arg5: memref<10000x64xf32, #tpu.memory_space<hbm>>, %arg6: memref<10000x16xf32, #tpu.memory_space<hbm>>, %arg7: memref<128x16xf32, #tpu.memory_space<hbm>>, %arg8: memref<2x10000x64xf32, #tpu.memory_space<hbm>>, %arg9: memref<2x10000x16xf32, #tpu.memory_space<hbm>>, %arg10: memref<10016x64xf32, #tpu.memory_space<vmem_shared>>, %arg11: memref<10016x16xf32, #tpu.memory_space<vmem_shared>>, %arg12: memref<80x128xi32, #tpu.memory_space<vmem>>, %arg13: memref<80x128xi32, #tpu.memory_space<vmem>>, %arg14: memref<128x64xf32, #tpu.memory_space<vmem>>, %arg15: memref<128x64xf32, #tpu.memory_space<vmem>>, %arg16: memref<128x16xf32, #tpu.memory_space<vmem>>, %arg17: memref<!tpu.dma_semaphore, #tpu.memory_space<semaphore_mem>>, %arg18: memref<!tpu.dma_semaphore, #tpu.memory_space<semaphore_mem>>) attributes {dimension_semantics = [#tpu.dimension_semantics<core_parallel>, #tpu.dimension_semantics<subcore_parallel>], iteration_bounds = array<i64: 2, 16>, scalar_prefetch = 0 : i64, scratch_operands = 9 : i64, tpu.core_type = #tpu.core_type<sc_vector_subcore>, window_params = [{transform_indices = #map}, {transform_indices = #map}, {transform_indices = #map}, {transform_indices = #map}, {transform_indices = #map}, {transform_indices = #map}, {transform_indices = #map1}, {transform_indices = #map1}]} {
    %mul3A = arith.constant 2 : i32
    %mul3A_0 = arith.muli %arg1, %mul3A : i32
    %add3A = arith.addi %mul3A_0, %arg0 : i32
    %mul3A_1 = arith.constant 624 : i32
    %mul3A_2 = arith.muli %arg1, %mul3A_1 : i32
    "tpu.region"() ({
      %run_scoped3A_47 = tpu.sem_alloc : memref<!tpu.dma_semaphore, #tpu.memory_space<semaphore_mem>>
      %dma_start3A_48 = arith.constant 0 : i32
      %dma_start3A_49 = tpu.memref_slice %arg10[%mul3A_2, %dma_start3A_48] : memref<10016x64xf32, #tpu.memory_space<vmem_shared>> -> memref<624x64xf32, #tpu.memory_space<vmem_shared>>
      %dma_start3A_50 = arith.constant 0 : i32
      %dma_start3A_51 = tpu.memref_slice %arg5[%mul3A_2, %dma_start3A_50] : memref<10000x64xf32, #tpu.memory_space<hbm>> -> memref<624x64xf32, #tpu.memory_space<hbm>>
      tpu.enqueue_dma source(%dma_start3A_51 : memref<624x64xf32, #tpu.memory_space<hbm>>) target(%dma_start3A_49 : memref<624x64xf32, #tpu.memory_space<vmem_shared>>) target_semaphore(%run_scoped3A_47 : memref<!tpu.dma_semaphore, #tpu.memory_space<semaphore_mem>>)
      %dma_wait3A_52 = arith.constant 0 : i32
      %dma_wait3A_53 = tpu.memref_slice %arg10[%mul3A_2, %dma_wait3A_52] : memref<10016x64xf32, #tpu.memory_space<vmem_shared>> -> memref<624x64xf32, #tpu.memory_space<vmem_shared>>
      %dma_wait3A_54 = arith.constant 0 : i32
      %dma_wait3A_55 = tpu.memref_slice %arg5[%mul3A_2, %dma_wait3A_54] : memref<10000x64xf32, #tpu.memory_space<hbm>> -> memref<624x64xf32, #tpu.memory_space<hbm>>
      tpu.wait_dma2 semaphore(%run_scoped3A_47 : memref<!tpu.dma_semaphore, #tpu.memory_space<semaphore_mem>>) src(%dma_wait3A_55 : memref<624x64xf32, #tpu.memory_space<hbm>>) dst(%dma_wait3A_53 : memref<624x64xf32, #tpu.memory_space<vmem_shared>>)
      tpu.yield
    }) : () -> ()
    "tpu.region"() ({
      %run_scoped3A_47 = tpu.sem_alloc : memref<!tpu.dma_semaphore, #tpu.memory_space<semaphore_mem>>
      %dma_start3A_48 = arith.constant 0 : i32
      %dma_start3A_49 = tpu.memref_slice %arg11[%mul3A_2, %dma_start3A_48] : memref<10016x16xf32, #tpu.memory_space<vmem_shared>> -> memref<624x16xf32, #tpu.memory_space<vmem_shared>>
      %dma_start3A_50 = arith.constant 0 : i32
      %dma_start3A_51 = tpu.memref_slice %arg6[%mul3A_2, %dma_start3A_50] : memref<10000x16xf32, #tpu.memory_space<hbm>> -> memref<624x16xf32, #tpu.memory_space<hbm>>
      tpu.enqueue_dma source(%dma_start3A_51 : memref<624x16xf32, #tpu.memory_space<hbm>>) target(%dma_start3A_49 : memref<624x16xf32, #tpu.memory_space<vmem_shared>>) target_semaphore(%run_scoped3A_47 : memref<!tpu.dma_semaphore, #tpu.memory_space<semaphore_mem>>)
      %dma_wait3A_52 = arith.constant 0 : i32
      %dma_wait3A_53 = tpu.memref_slice %arg11[%mul3A_2, %dma_wait3A_52] : memref<10016x16xf32, #tpu.memory_space<vmem_shared>> -> memref<624x16xf32, #tpu.memory_space<vmem_shared>>
      %dma_wait3A_54 = arith.constant 0 : i32
      %dma_wait3A_55 = tpu.memref_slice %arg6[%mul3A_2, %dma_wait3A_54] : memref<10000x16xf32, #tpu.memory_space<hbm>> -> memref<624x16xf32, #tpu.memory_space<hbm>>
      tpu.wait_dma2 semaphore(%run_scoped3A_47 : memref<!tpu.dma_semaphore, #tpu.memory_space<semaphore_mem>>) src(%dma_wait3A_55 : memref<624x16xf32, #tpu.memory_space<hbm>>) dst(%dma_wait3A_53 : memref<624x16xf32, #tpu.memory_space<vmem_shared>>)
      tpu.yield
    }) : () -> ()
    "tpu.region"() ({
      %run_scoped3A_47 = tpu.sem_alloc : memref<!tpu.dma_semaphore, #tpu.memory_space<semaphore_mem>>
      tpu.enqueue_dma source(%arg7 : memref<128x16xf32, #tpu.memory_space<hbm>>) target(%arg16 : memref<128x16xf32, #tpu.memory_space<vmem>>) target_semaphore(%run_scoped3A_47 : memref<!tpu.dma_semaphore, #tpu.memory_space<semaphore_mem>>)
      tpu.wait_dma2 semaphore(%run_scoped3A_47 : memref<!tpu.dma_semaphore, #tpu.memory_space<semaphore_mem>>) src(%arg7 : memref<128x16xf32, #tpu.memory_space<hbm>>) dst(%arg16 : memref<128x16xf32, #tpu.memory_space<vmem>>)
      tpu.yield
    }) : () -> ()
    %eq3A = arith.constant 15 : i32
    %eq3A_3 = arith.cmpi eq, %arg1, %eq3A : i32
    %convert_element_type3A = arith.extui %eq3A_3 : i1 to i32
    %cond3A = arith.constant 0 : i32
    %cond3A_4 = arith.cmpi ne, %convert_element_type3A, %cond3A : i32
    scf.if %cond3A_4 {
      "tpu.region"() ({
        %run_scoped3A_47 = tpu.sem_alloc : memref<!tpu.dma_semaphore, #tpu.memory_space<semaphore_mem>>
        %dma_start3A_48 = arith.constant 9984 : i32
        %dma_start3A_49 = arith.constant 0 : i32
        %dma_start3A_50 = tpu.memref_slice %arg10[%dma_start3A_48, %dma_start3A_49] : memref<10016x64xf32, #tpu.memory_space<vmem_shared>> -> memref<16x64xf32, #tpu.memory_space<vmem_shared>>
        %dma_start3A_51 = arith.constant 9984 : i32
        %dma_start3A_52 = arith.constant 0 : i32
        %dma_start3A_53 = tpu.memref_slice %arg5[%dma_start3A_51, %dma_start3A_52] : memref<10000x64xf32, #tpu.memory_space<hbm>> -> memref<16x64xf32, #tpu.memory_space<hbm>>
        tpu.enqueue_dma source(%dma_start3A_53 : memref<16x64xf32, #tpu.memory_space<hbm>>) target(%dma_start3A_50 : memref<16x64xf32, #tpu.memory_space<vmem_shared>>) target_semaphore(%run_scoped3A_47 : memref<!tpu.dma_semaphore, #tpu.memory_space<semaphore_mem>>)
        %dma_wait3A_54 = arith.constant 9984 : i32
        %dma_wait3A_55 = arith.constant 0 : i32
        %dma_wait3A_56 = tpu.memref_slice %arg10[%dma_wait3A_54, %dma_wait3A_55] : memref<10016x64xf32, #tpu.memory_space<vmem_shared>> -> memref<16x64xf32, #tpu.memory_space<vmem_shared>>
        %dma_wait3A_57 = arith.constant 9984 : i32
        %dma_wait3A_58 = arith.constant 0 : i32
        %dma_wait3A_59 = tpu.memref_slice %arg5[%dma_wait3A_57, %dma_wait3A_58] : memref<10000x64xf32, #tpu.memory_space<hbm>> -> memref<16x64xf32, #tpu.memory_space<hbm>>
        tpu.wait_dma2 semaphore(%run_scoped3A_47 : memref<!tpu.dma_semaphore, #tpu.memory_space<semaphore_mem>>) src(%dma_wait3A_59 : memref<16x64xf32, #tpu.memory_space<hbm>>) dst(%dma_wait3A_56 : memref<16x64xf32, #tpu.memory_space<vmem_shared>>)
        tpu.yield
      }) : () -> ()
      "tpu.region"() ({
        %run_scoped3A_47 = tpu.sem_alloc : memref<!tpu.dma_semaphore, #tpu.memory_space<semaphore_mem>>
        %dma_start3A_48 = arith.constant 9984 : i32
        %dma_start3A_49 = arith.constant 0 : i32
        %dma_start3A_50 = tpu.memref_slice %arg11[%dma_start3A_48, %dma_start3A_49] : memref<10016x16xf32, #tpu.memory_space<vmem_shared>> -> memref<16x16xf32, #tpu.memory_space<vmem_shared>>
        %dma_start3A_51 = arith.constant 9984 : i32
        %dma_start3A_52 = arith.constant 0 : i32
        %dma_start3A_53 = tpu.memref_slice %arg6[%dma_start3A_51, %dma_start3A_52] : memref<10000x16xf32, #tpu.memory_space<hbm>> -> memref<16x16xf32, #tpu.memory_space<hbm>>
        tpu.enqueue_dma source(%dma_start3A_53 : memref<16x16xf32, #tpu.memory_space<hbm>>) target(%dma_start3A_50 : memref<16x16xf32, #tpu.memory_space<vmem_shared>>) target_semaphore(%run_scoped3A_47 : memref<!tpu.dma_semaphore, #tpu.memory_space<semaphore_mem>>)
        %dma_wait3A_54 = arith.constant 9984 : i32
        %dma_wait3A_55 = arith.constant 0 : i32
        %dma_wait3A_56 = tpu.memref_slice %arg11[%dma_wait3A_54, %dma_wait3A_55] : memref<10016x16xf32, #tpu.memory_space<vmem_shared>> -> memref<16x16xf32, #tpu.memory_space<vmem_shared>>
        %dma_wait3A_57 = arith.constant 9984 : i32
        %dma_wait3A_58 = arith.constant 0 : i32
        %dma_wait3A_59 = tpu.memref_slice %arg6[%dma_wait3A_57, %dma_wait3A_58] : memref<10000x16xf32, #tpu.memory_space<hbm>> -> memref<16x16xf32, #tpu.memory_space<hbm>>
        tpu.wait_dma2 semaphore(%run_scoped3A_47 : memref<!tpu.dma_semaphore, #tpu.memory_space<semaphore_mem>>) src(%dma_wait3A_59 : memref<16x16xf32, #tpu.memory_space<hbm>>) dst(%dma_wait3A_56 : memref<16x16xf32, #tpu.memory_space<vmem_shared>>)
        tpu.yield
      }) : () -> ()
    } else {
    }
    %barrier3A = arith.constant 0 : index
    tpu.barrier barrier_id(%barrier3A)
    %mul3A_5 = arith.constant 80 : i32
    %mul3A_6 = arith.muli %add3A, %mul3A_5 : i32
    "tpu.region"() ({
      %run_scoped3A_47 = tpu.sem_alloc : memref<!tpu.dma_semaphore, #tpu.memory_space<semaphore_mem>>
      %dma_start3A_48 = arith.constant 0 : i32
      %dma_start3A_49 = tpu.memref_slice %arg3[%mul3A_6, %dma_start3A_48] : memref<2560x128xi32, #tpu.memory_space<hbm>> -> memref<80x128xi32, #tpu.memory_space<hbm>>
      %dma_start3A_50 = arith.constant 0 : i32
      %dma_start3A_51 = tpu.memref_slice %arg3[%mul3A_6, %dma_start3A_50] : memref<2560x128xi32, #tpu.memory_space<hbm>> -> memref<80x128xi32, #tpu.memory_space<hbm>>
      tpu.enqueue_dma source(%dma_start3A_51 : memref<80x128xi32, #tpu.memory_space<hbm>>) target(%arg12 : memref<80x128xi32, #tpu.memory_space<vmem>>) target_semaphore(%run_scoped3A_47 : memref<!tpu.dma_semaphore, #tpu.memory_space<semaphore_mem>>)
      %dma_wait3A_52 = arith.constant 0 : i32
      %dma_wait3A_53 = tpu.memref_slice %arg3[%mul3A_6, %dma_wait3A_52] : memref<2560x128xi32, #tpu.memory_space<hbm>> -> memref<80x128xi32, #tpu.memory_space<hbm>>
      %dma_wait3A_54 = arith.constant 0 : i32
      %dma_wait3A_55 = tpu.memref_slice %arg3[%mul3A_6, %dma_wait3A_54] : memref<2560x128xi32, #tpu.memory_space<hbm>> -> memref<80x128xi32, #tpu.memory_space<hbm>>
      tpu.wait_dma2 semaphore(%run_scoped3A_47 : memref<!tpu.dma_semaphore, #tpu.memory_space<semaphore_mem>>) src(%dma_wait3A_55 : memref<80x128xi32, #tpu.memory_space<hbm>>) dst(%arg12 : memref<80x128xi32, #tpu.memory_space<vmem>>)
      tpu.yield
    }) : () -> ()
    "tpu.region"() ({
      %run_scoped3A_47 = tpu.sem_alloc : memref<!tpu.dma_semaphore, #tpu.memory_space<semaphore_mem>>
      %dma_start3A_48 = arith.constant 0 : i32
      %dma_start3A_49 = tpu.memref_slice %arg4[%mul3A_6, %dma_start3A_48] : memref<2560x128xi32, #tpu.memory_space<hbm>> -> memref<80x128xi32, #tpu.memory_space<hbm>>
      %dma_start3A_50 = arith.constant 0 : i32
      %dma_start3A_51 = tpu.memref_slice %arg4[%mul3A_6, %dma_start3A_50] : memref<2560x128xi32, #tpu.memory_space<hbm>> -> memref<80x128xi32, #tpu.memory_space<hbm>>
      tpu.enqueue_dma source(%dma_start3A_51 : memref<80x128xi32, #tpu.memory_space<hbm>>) target(%arg13 : memref<80x128xi32, #tpu.memory_space<vmem>>) target_semaphore(%run_scoped3A_47 : memref<!tpu.dma_semaphore, #tpu.memory_space<semaphore_mem>>)
      %dma_wait3A_52 = arith.constant 0 : i32
      %dma_wait3A_53 = tpu.memref_slice %arg4[%mul3A_6, %dma_wait3A_52] : memref<2560x128xi32, #tpu.memory_space<hbm>> -> memref<80x128xi32, #tpu.memory_space<hbm>>
      %dma_wait3A_54 = arith.constant 0 : i32
      %dma_wait3A_55 = tpu.memref_slice %arg4[%mul3A_6, %dma_wait3A_54] : memref<2560x128xi32, #tpu.memory_space<hbm>> -> memref<80x128xi32, #tpu.memory_space<hbm>>
      tpu.wait_dma2 semaphore(%run_scoped3A_47 : memref<!tpu.dma_semaphore, #tpu.memory_space<semaphore_mem>>) src(%dma_wait3A_55 : memref<80x128xi32, #tpu.memory_space<hbm>>) dst(%arg13 : memref<80x128xi32, #tpu.memory_space<vmem>>)
      tpu.yield
    }) : () -> ()
    %dma_start3A = arith.constant 0 : i32
    %dma_start3A_7 = arith.constant 0 : i32
    %dma_start3A_8 = tpu.memref_slice %arg12[%dma_start3A, %dma_start3A_7] : memref<80x128xi32, #tpu.memory_space<vmem>> -> memref<1x128xi32, #tpu.memory_space<vmem>>
    %dma_start3A_9 = tpu.memref_squeeze %dma_start3A_8 : memref<1x128xi32, #tpu.memory_space<vmem>> -> memref<128xi32, #tpu.memory_space<vmem>>
    %dma_start3A_10 = arith.constant 0 : i32
    %dma_start3A_11 = arith.constant 0 : i32
    %dma_start3A_12 = tpu.memref_slice %arg2[%dma_start3A_10, %dma_start3A_11] : memref<10000x64xf32, #tpu.memory_space<hbm>> -> memref<10000x64xf32, #tpu.memory_space<hbm>>
    tpu.enqueue_indirect_dma source(%dma_start3A_12 : memref<10000x64xf32, #tpu.memory_space<hbm>>) target(%arg14 : memref<128x64xf32, #tpu.memory_space<vmem>>) offsets(%dma_start3A_9 : memref<128xi32, #tpu.memory_space<vmem>>) semaphore(%arg17 : memref<!tpu.dma_semaphore, #tpu.memory_space<semaphore_mem>>)
    %dma_start3A_13 = arith.constant 1 : i32
    %dma_start3A_14 = arith.constant 0 : i32
    %dma_start3A_15 = tpu.memref_slice %arg12[%dma_start3A_13, %dma_start3A_14] : memref<80x128xi32, #tpu.memory_space<vmem>> -> memref<1x128xi32, #tpu.memory_space<vmem>>
    %dma_start3A_16 = tpu.memref_squeeze %dma_start3A_15 : memref<1x128xi32, #tpu.memory_space<vmem>> -> memref<128xi32, #tpu.memory_space<vmem>>
    %dma_start3A_17 = arith.constant 0 : i32
    %dma_start3A_18 = arith.constant 0 : i32
    %dma_start3A_19 = tpu.memref_slice %arg2[%dma_start3A_17, %dma_start3A_18] : memref<10000x64xf32, #tpu.memory_space<hbm>> -> memref<10000x64xf32, #tpu.memory_space<hbm>>
    tpu.enqueue_indirect_dma source(%dma_start3A_19 : memref<10000x64xf32, #tpu.memory_space<hbm>>) target(%arg15 : memref<128x64xf32, #tpu.memory_space<vmem>>) offsets(%dma_start3A_16 : memref<128xi32, #tpu.memory_space<vmem>>) semaphore(%arg18 : memref<!tpu.dma_semaphore, #tpu.memory_space<semaphore_mem>>)
    %scan3A = arith.constant 0 : i32
    %scan3A_20 = arith.constant 0 : i32
    %scan3A_21 = arith.constant 39 : i32
    %scan3A_22 = arith.addi %scan3A_20, %scan3A_21 : i32
    %scan3A_23 = arith.constant 1 : i32
    scf.for %scan3A_47 = %scan3A_20 to %scan3A_22 step %scan3A_23  : i32 {
      %mul3A_48 = arith.constant 2 : i32
      %mul3A_49 = arith.muli %mul3A_48, %scan3A_47 : i32
      %dma_wait3A_50 = arith.constant 0 : i32
      %dma_wait3A_51 = tpu.memref_slice %arg12[%mul3A_49, %dma_wait3A_50] : memref<80x128xi32, #tpu.memory_space<vmem>> -> memref<1x128xi32, #tpu.memory_space<vmem>>
      %dma_wait3A_52 = tpu.memref_squeeze %dma_wait3A_51 : memref<1x128xi32, #tpu.memory_space<vmem>> -> memref<128xi32, #tpu.memory_space<vmem>>
      %dma_wait3A_53 = arith.constant 0 : i32
      %dma_wait3A_54 = arith.constant 0 : i32
      %dma_wait3A_55 = tpu.memref_slice %arg2[%dma_wait3A_53, %dma_wait3A_54] : memref<10000x64xf32, #tpu.memory_space<hbm>> -> memref<10000x64xf32, #tpu.memory_space<hbm>>
      tpu.wait_indirect_dma semaphore(%arg17 : memref<!tpu.dma_semaphore, #tpu.memory_space<semaphore_mem>>) src(%dma_wait3A_55 : memref<10000x64xf32, #tpu.memory_space<hbm>>) dst(%arg14 : memref<128x64xf32, #tpu.memory_space<vmem>>)
      "tpu.region"() ({
        %run_scoped3A_82 = tpu.sem_alloc : memref<!tpu.dma_semaphore, #tpu.memory_space<semaphore_mem>>
        %dma_start3A_83 = arith.constant 0 : i32
        %dma_start3A_84 = tpu.memref_slice %arg13[%mul3A_49, %dma_start3A_83] : memref<80x128xi32, #tpu.memory_space<vmem>> -> memref<1x128xi32, #tpu.memory_space<vmem>>
        %dma_start3A_85 = tpu.memref_squeeze %dma_start3A_84 : memref<1x128xi32, #tpu.memory_space<vmem>> -> memref<128xi32, #tpu.memory_space<vmem>>
        %dma_start3A_86 = arith.constant 0 : i32
        %dma_start3A_87 = arith.constant 0 : i32
        %dma_start3A_88 = tpu.memref_slice %arg10[%dma_start3A_86, %dma_start3A_87] : memref<10016x64xf32, #tpu.memory_space<vmem_shared>> -> memref<10016x64xf32, #tpu.memory_space<vmem_shared>>
        tpu.enqueue_indirect_dma source(%arg14 : memref<128x64xf32, #tpu.memory_space<vmem>>) target(%dma_start3A_88 : memref<10016x64xf32, #tpu.memory_space<vmem_shared>>) offsets(%dma_start3A_85 : memref<128xi32, #tpu.memory_space<vmem>>) semaphore(%run_scoped3A_82 : memref<!tpu.dma_semaphore, #tpu.memory_space<semaphore_mem>>) {add = true}
        %dma_wait3A_89 = arith.constant 0 : i32
        %dma_wait3A_90 = tpu.memref_slice %arg13[%mul3A_49, %dma_wait3A_89] : memref<80x128xi32, #tpu.memory_space<vmem>> -> memref<1x128xi32, #tpu.memory_space<vmem>>
        %dma_wait3A_91 = tpu.memref_squeeze %dma_wait3A_90 : memref<1x128xi32, #tpu.memory_space<vmem>> -> memref<128xi32, #tpu.memory_space<vmem>>
        %dma_wait3A_92 = arith.constant 0 : i32
        %dma_wait3A_93 = arith.constant 0 : i32
        %dma_wait3A_94 = tpu.memref_slice %arg10[%dma_wait3A_92, %dma_wait3A_93] : memref<10016x64xf32, #tpu.memory_space<vmem_shared>> -> memref<10016x64xf32, #tpu.memory_space<vmem_shared>>
        tpu.wait_indirect_dma semaphore(%run_scoped3A_82 : memref<!tpu.dma_semaphore, #tpu.memory_space<semaphore_mem>>) src(%arg14 : memref<128x64xf32, #tpu.memory_space<vmem>>) dst(%dma_wait3A_94 : memref<10016x64xf32, #tpu.memory_space<vmem_shared>>)
        tpu.yield
      }) : () -> ()
      "tpu.region"() ({
        %run_scoped3A_82 = tpu.sem_alloc : memref<!tpu.dma_semaphore, #tpu.memory_space<semaphore_mem>>
        %dma_start3A_83 = arith.constant 0 : i32
        %dma_start3A_84 = tpu.memref_slice %arg13[%mul3A_49, %dma_start3A_83] : memref<80x128xi32, #tpu.memory_space<vmem>> -> memref<1x128xi32, #tpu.memory_space<vmem>>
        %dma_start3A_85 = tpu.memref_squeeze %dma_start3A_84 : memref<1x128xi32, #tpu.memory_space<vmem>> -> memref<128xi32, #tpu.memory_space<vmem>>
        %dma_start3A_86 = arith.constant 0 : i32
        %dma_start3A_87 = arith.constant 0 : i32
        %dma_start3A_88 = tpu.memref_slice %arg11[%dma_start3A_86, %dma_start3A_87] : memref<10016x16xf32, #tpu.memory_space<vmem_shared>> -> memref<10016x16xf32, #tpu.memory_space<vmem_shared>>
        tpu.enqueue_indirect_dma source(%arg16 : memref<128x16xf32, #tpu.memory_space<vmem>>) target(%dma_start3A_88 : memref<10016x16xf32, #tpu.memory_space<vmem_shared>>) offsets(%dma_start3A_85 : memref<128xi32, #tpu.memory_space<vmem>>) semaphore(%run_scoped3A_82 : memref<!tpu.dma_semaphore, #tpu.memory_space<semaphore_mem>>) {add = true}
        %dma_wait3A_89 = arith.constant 0 : i32
        %dma_wait3A_90 = tpu.memref_slice %arg13[%mul3A_49, %dma_wait3A_89] : memref<80x128xi32, #tpu.memory_space<vmem>> -> memref<1x128xi32, #tpu.memory_space<vmem>>
        %dma_wait3A_91 = tpu.memref_squeeze %dma_wait3A_90 : memref<1x128xi32, #tpu.memory_space<vmem>> -> memref<128xi32, #tpu.memory_space<vmem>>
        %dma_wait3A_92 = arith.constant 0 : i32
        %dma_wait3A_93 = arith.constant 0 : i32
        %dma_wait3A_94 = tpu.memref_slice %arg11[%dma_wait3A_92, %dma_wait3A_93] : memref<10016x16xf32, #tpu.memory_space<vmem_shared>> -> memref<10016x16xf32, #tpu.memory_space<vmem_shared>>
        tpu.wait_indirect_dma semaphore(%run_scoped3A_82 : memref<!tpu.dma_semaphore, #tpu.memory_space<semaphore_mem>>) src(%arg16 : memref<128x16xf32, #tpu.memory_space<vmem>>) dst(%dma_wait3A_94 : memref<10016x16xf32, #tpu.memory_space<vmem_shared>>)
        tpu.yield
      }) : () -> ()
      %add3A_56 = arith.constant 2 : i32
      %add3A_57 = arith.addi %mul3A_49, %add3A_56 : i32
      %dma_start3A_58 = arith.constant 0 : i32
      %dma_start3A_59 = tpu.memref_slice %arg12[%add3A_57, %dma_start3A_58] : memref<80x128xi32, #tpu.memory_space<vmem>> -> memref<1x128xi32, #tpu.memory_space<vmem>>
      %dma_start3A_60 = tpu.memref_squeeze %dma_start3A_59 : memref<1x128xi32, #tpu.memory_space<vmem>> -> memref<128xi32, #tpu.memory_space<vmem>>
      %dma_start3A_61 = arith.constant 0 : i32
      %dma_start3A_62 = arith.constant 0 : i32
      %dma_start3A_63 = tpu.memref_slice %arg2[%dma_start3A_61, %dma_start3A_62] : memref<10000x64xf32, #tpu.memory_space<hbm>> -> memref<10000x64xf32, #tpu.memory_space<hbm>>
      tpu.enqueue_indirect_dma source(%dma_start3A_63 : memref<10000x64xf32, #tpu.memory_space<hbm>>) target(%arg14 : memref<128x64xf32, #tpu.memory_space<vmem>>) offsets(%dma_start3A_60 : memref<128xi32, #tpu.memory_space<vmem>>) semaphore(%arg17 : memref<!tpu.dma_semaphore, #tpu.memory_space<semaphore_mem>>)
      %add3A_64 = arith.constant 1 : i32
      %add3A_65 = arith.addi %mul3A_49, %add3A_64 : i32
      %dma_wait3A_66 = arith.constant 0 : i32
      %dma_wait3A_67 = tpu.memref_slice %arg12[%add3A_65, %dma_wait3A_66] : memref<80x128xi32, #tpu.memory_space<vmem>> -> memref<1x128xi32, #tpu.memory_space<vmem>>
      %dma_wait3A_68 = tpu.memref_squeeze %dma_wait3A_67 : memref<1x128xi32, #tpu.memory_space<vmem>> -> memref<128xi32, #tpu.memory_space<vmem>>
      %dma_wait3A_69 = arith.constant 0 : i32
      %dma_wait3A_70 = arith.constant 0 : i32
      %dma_wait3A_71 = tpu.memref_slice %arg2[%dma_wait3A_69, %dma_wait3A_70] : memref<10000x64xf32, #tpu.memory_space<hbm>> -> memref<10000x64xf32, #tpu.memory_space<hbm>>
      tpu.wait_indirect_dma semaphore(%arg18 : memref<!tpu.dma_semaphore, #tpu.memory_space<semaphore_mem>>) src(%dma_wait3A_71 : memref<10000x64xf32, #tpu.memory_space<hbm>>) dst(%arg15 : memref<128x64xf32, #tpu.memory_space<vmem>>)
      %add3A_72 = arith.constant 1 : i32
      %add3A_73 = arith.addi %mul3A_49, %add3A_72 : i32
      "tpu.region"() ({
        %run_scoped3A_82 = tpu.sem_alloc : memref<!tpu.dma_semaphore, #tpu.memory_space<semaphore_mem>>
        %dma_start3A_83 = arith.constant 0 : i32
        %dma_start3A_84 = tpu.memref_slice %arg13[%add3A_73, %dma_start3A_83] : memref<80x128xi32, #tpu.memory_space<vmem>> -> memref<1x128xi32, #tpu.memory_space<vmem>>
        %dma_start3A_85 = tpu.memref_squeeze %dma_start3A_84 : memref<1x128xi32, #tpu.memory_space<vmem>> -> memref<128xi32, #tpu.memory_space<vmem>>
        %dma_start3A_86 = arith.constant 0 : i32
        %dma_start3A_87 = arith.constant 0 : i32
        %dma_start3A_88 = tpu.memref_slice %arg10[%dma_start3A_86, %dma_start3A_87] : memref<10016x64xf32, #tpu.memory_space<vmem_shared>> -> memref<10016x64xf32, #tpu.memory_space<vmem_shared>>
        tpu.enqueue_indirect_dma source(%arg15 : memref<128x64xf32, #tpu.memory_space<vmem>>) target(%dma_start3A_88 : memref<10016x64xf32, #tpu.memory_space<vmem_shared>>) offsets(%dma_start3A_85 : memref<128xi32, #tpu.memory_space<vmem>>) semaphore(%run_scoped3A_82 : memref<!tpu.dma_semaphore, #tpu.memory_space<semaphore_mem>>) {add = true}
        %dma_wait3A_89 = arith.constant 0 : i32
        %dma_wait3A_90 = tpu.memref_slice %arg13[%add3A_73, %dma_wait3A_89] : memref<80x128xi32, #tpu.memory_space<vmem>> -> memref<1x128xi32, #tpu.memory_space<vmem>>
        %dma_wait3A_91 = tpu.memref_squeeze %dma_wait3A_90 : memref<1x128xi32, #tpu.memory_space<vmem>> -> memref<128xi32, #tpu.memory_space<vmem>>
        %dma_wait3A_92 = arith.constant 0 : i32
        %dma_wait3A_93 = arith.constant 0 : i32
        %dma_wait3A_94 = tpu.memref_slice %arg10[%dma_wait3A_92, %dma_wait3A_93] : memref<10016x64xf32, #tpu.memory_space<vmem_shared>> -> memref<10016x64xf32, #tpu.memory_space<vmem_shared>>
        tpu.wait_indirect_dma semaphore(%run_scoped3A_82 : memref<!tpu.dma_semaphore, #tpu.memory_space<semaphore_mem>>) src(%arg15 : memref<128x64xf32, #tpu.memory_space<vmem>>) dst(%dma_wait3A_94 : memref<10016x64xf32, #tpu.memory_space<vmem_shared>>)
        tpu.yield
      }) : () -> ()
      "tpu.region"() ({
        %run_scoped3A_82 = tpu.sem_alloc : memref<!tpu.dma_semaphore, #tpu.memory_space<semaphore_mem>>
        %dma_start3A_83 = arith.constant 0 : i32
        %dma_start3A_84 = tpu.memref_slice %arg13[%add3A_73, %dma_start3A_83] : memref<80x128xi32, #tpu.memory_space<vmem>> -> memref<1x128xi32, #tpu.memory_space<vmem>>
        %dma_start3A_85 = tpu.memref_squeeze %dma_start3A_84 : memref<1x128xi32, #tpu.memory_space<vmem>> -> memref<128xi32, #tpu.memory_space<vmem>>
        %dma_start3A_86 = arith.constant 0 : i32
        %dma_start3A_87 = arith.constant 0 : i32
        %dma_start3A_88 = tpu.memref_slice %arg11[%dma_start3A_86, %dma_start3A_87] : memref<10016x16xf32, #tpu.memory_space<vmem_shared>> -> memref<10016x16xf32, #tpu.memory_space<vmem_shared>>
        tpu.enqueue_indirect_dma source(%arg16 : memref<128x16xf32, #tpu.memory_space<vmem>>) target(%dma_start3A_88 : memref<10016x16xf32, #tpu.memory_space<vmem_shared>>) offsets(%dma_start3A_85 : memref<128xi32, #tpu.memory_space<vmem>>) semaphore(%run_scoped3A_82 : memref<!tpu.dma_semaphore, #tpu.memory_space<semaphore_mem>>) {add = true}
        %dma_wait3A_89 = arith.constant 0 : i32
        %dma_wait3A_90 = tpu.memref_slice %arg13[%add3A_73, %dma_wait3A_89] : memref<80x128xi32, #tpu.memory_space<vmem>> -> memref<1x128xi32, #tpu.memory_space<vmem>>
        %dma_wait3A_91 = tpu.memref_squeeze %dma_wait3A_90 : memref<1x128xi32, #tpu.memory_space<vmem>> -> memref<128xi32, #tpu.memory_space<vmem>>
        %dma_wait3A_92 = arith.constant 0 : i32
        %dma_wait3A_93 = arith.constant 0 : i32
        %dma_wait3A_94 = tpu.memref_slice %arg11[%dma_wait3A_92, %dma_wait3A_93] : memref<10016x16xf32, #tpu.memory_space<vmem_shared>> -> memref<10016x16xf32, #tpu.memory_space<vmem_shared>>
        tpu.wait_indirect_dma semaphore(%run_scoped3A_82 : memref<!tpu.dma_semaphore, #tpu.memory_space<semaphore_mem>>) src(%arg16 : memref<128x16xf32, #tpu.memory_space<vmem>>) dst(%dma_wait3A_94 : memref<10016x16xf32, #tpu.memory_space<vmem_shared>>)
        tpu.yield
      }) : () -> ()
      %add3A_74 = arith.constant 3 : i32
      %add3A_75 = arith.addi %mul3A_49, %add3A_74 : i32
      %dma_start3A_76 = arith.constant 0 : i32
      %dma_start3A_77 = tpu.memref_slice %arg12[%add3A_75, %dma_start3A_76] : memref<80x128xi32, #tpu.memory_space<vmem>> -> memref<1x128xi32, #tpu.memory_space<vmem>>
      %dma_start3A_78 = tpu.memref_squeeze %dma_start3A_77 : memref<1x128xi32, #tpu.memory_space<vmem>> -> memref<128xi32, #tpu.memory_space<vmem>>
      %dma_start3A_79 = arith.constant 0 : i32
      %dma_start3A_80 = arith.constant 0 : i32
      %dma_start3A_81 = tpu.memref_slice %arg2[%dma_start3A_79, %dma_start3A_80] : memref<10000x64xf32, #tpu.memory_space<hbm>> -> memref<10000x64xf32, #tpu.memory_space<hbm>>
      tpu.enqueue_indirect_dma source(%dma_start3A_81 : memref<10000x64xf32, #tpu.memory_space<hbm>>) target(%arg15 : memref<128x64xf32, #tpu.memory_space<vmem>>) offsets(%dma_start3A_78 : memref<128xi32, #tpu.memory_space<vmem>>) semaphore(%arg18 : memref<!tpu.dma_semaphore, #tpu.memory_space<semaphore_mem>>)
    }
    %scan3A_24 = arith.constant 39 : i32
    %dma_wait3A = arith.constant 78 : i32
    %dma_wait3A_25 = arith.constant 0 : i32
    %dma_wait3A_26 = tpu.memref_slice %arg12[%dma_wait3A, %dma_wait3A_25] : memref<80x128xi32, #tpu.memory_space<vmem>> -> memref<1x128xi32, #tpu.memory_space<vmem>>
    %dma_wait3A_27 = tpu.memref_squeeze %dma_wait3A_26 : memref<1x128xi32, #tpu.memory_space<vmem>> -> memref<128xi32, #tpu.memory_space<vmem>>
    %dma_wait3A_28 = arith.constant 0 : i32
    %dma_wait3A_29 = arith.constant 0 : i32
    %dma_wait3A_30 = tpu.memref_slice %arg2[%dma_wait3A_28, %dma_wait3A_29] : memref<10000x64xf32, #tpu.memory_space<hbm>> -> memref<10000x64xf32, #tpu.memory_space<hbm>>
    tpu.wait_indirect_dma semaphore(%arg17 : memref<!tpu.dma_semaphore, #tpu.memory_space<semaphore_mem>>) src(%dma_wait3A_30 : memref<10000x64xf32, #tpu.memory_space<hbm>>) dst(%arg14 : memref<128x64xf32, #tpu.memory_space<vmem>>)
    %run_scoped3A = arith.constant 78 : i32
    "tpu.region"() ({
      %run_scoped3A_47 = tpu.sem_alloc : memref<!tpu.dma_semaphore, #tpu.memory_space<semaphore_mem>>
      %dma_start3A_48 = arith.constant 0 : i32
      %dma_start3A_49 = tpu.memref_slice %arg13[%run_scoped3A, %dma_start3A_48] : memref<80x128xi32, #tpu.memory_space<vmem>> -> memref<1x128xi32, #tpu.memory_space<vmem>>
      %dma_start3A_50 = tpu.memref_squeeze %dma_start3A_49 : memref<1x128xi32, #tpu.memory_space<vmem>> -> memref<128xi32, #tpu.memory_space<vmem>>
      %dma_start3A_51 = arith.constant 0 : i32
      %dma_start3A_52 = arith.constant 0 : i32
      %dma_start3A_53 = tpu.memref_slice %arg10[%dma_start3A_51, %dma_start3A_52] : memref<10016x64xf32, #tpu.memory_space<vmem_shared>> -> memref<10016x64xf32, #tpu.memory_space<vmem_shared>>
      tpu.enqueue_indirect_dma source(%arg14 : memref<128x64xf32, #tpu.memory_space<vmem>>) target(%dma_start3A_53 : memref<10016x64xf32, #tpu.memory_space<vmem_shared>>) offsets(%dma_start3A_50 : memref<128xi32, #tpu.memory_space<vmem>>) semaphore(%run_scoped3A_47 : memref<!tpu.dma_semaphore, #tpu.memory_space<semaphore_mem>>) {add = true}
      %dma_wait3A_54 = arith.constant 0 : i32
      %dma_wait3A_55 = tpu.memref_slice %arg13[%run_scoped3A, %dma_wait3A_54] : memref<80x128xi32, #tpu.memory_space<vmem>> -> memref<1x128xi32, #tpu.memory_space<vmem>>
      %dma_wait3A_56 = tpu.memref_squeeze %dma_wait3A_55 : memref<1x128xi32, #tpu.memory_space<vmem>> -> memref<128xi32, #tpu.memory_space<vmem>>
      %dma_wait3A_57 = arith.constant 0 : i32
      %dma_wait3A_58 = arith.constant 0 : i32
      %dma_wait3A_59 = tpu.memref_slice %arg10[%dma_wait3A_57, %dma_wait3A_58] : memref<10016x64xf32, #tpu.memory_space<vmem_shared>> -> memref<10016x64xf32, #tpu.memory_space<vmem_shared>>
      tpu.wait_indirect_dma semaphore(%run_scoped3A_47 : memref<!tpu.dma_semaphore, #tpu.memory_space<semaphore_mem>>) src(%arg14 : memref<128x64xf32, #tpu.memory_space<vmem>>) dst(%dma_wait3A_59 : memref<10016x64xf32, #tpu.memory_space<vmem_shared>>)
      tpu.yield
    }) : () -> ()
    %run_scoped3A_31 = arith.constant 78 : i32
    "tpu.region"() ({
      %run_scoped3A_47 = tpu.sem_alloc : memref<!tpu.dma_semaphore, #tpu.memory_space<semaphore_mem>>
      %dma_start3A_48 = arith.constant 0 : i32
      %dma_start3A_49 = tpu.memref_slice %arg13[%run_scoped3A_31, %dma_start3A_48] : memref<80x128xi32, #tpu.memory_space<vmem>> -> memref<1x128xi32, #tpu.memory_space<vmem>>
      %dma_start3A_50 = tpu.memref_squeeze %dma_start3A_49 : memref<1x128xi32, #tpu.memory_space<vmem>> -> memref<128xi32, #tpu.memory_space<vmem>>
      %dma_start3A_51 = arith.constant 0 : i32
      %dma_start3A_52 = arith.constant 0 : i32
      %dma_start3A_53 = tpu.memref_slice %arg11[%dma_start3A_51, %dma_start3A_52] : memref<10016x16xf32, #tpu.memory_space<vmem_shared>> -> memref<10016x16xf32, #tpu.memory_space<vmem_shared>>
      tpu.enqueue_indirect_dma source(%arg16 : memref<128x16xf32, #tpu.memory_space<vmem>>) target(%dma_start3A_53 : memref<10016x16xf32, #tpu.memory_space<vmem_shared>>) offsets(%dma_start3A_50 : memref<128xi32, #tpu.memory_space<vmem>>) semaphore(%run_scoped3A_47 : memref<!tpu.dma_semaphore, #tpu.memory_space<semaphore_mem>>) {add = true}
      %dma_wait3A_54 = arith.constant 0 : i32
      %dma_wait3A_55 = tpu.memref_slice %arg13[%run_scoped3A_31, %dma_wait3A_54] : memref<80x128xi32, #tpu.memory_space<vmem>> -> memref<1x128xi32, #tpu.memory_space<vmem>>
      %dma_wait3A_56 = tpu.memref_squeeze %dma_wait3A_55 : memref<1x128xi32, #tpu.memory_space<vmem>> -> memref<128xi32, #tpu.memory_space<vmem>>
      %dma_wait3A_57 = arith.constant 0 : i32
      %dma_wait3A_58 = arith.constant 0 : i32
      %dma_wait3A_59 = tpu.memref_slice %arg11[%dma_wait3A_57, %dma_wait3A_58] : memref<10016x16xf32, #tpu.memory_space<vmem_shared>> -> memref<10016x16xf32, #tpu.memory_space<vmem_shared>>
      tpu.wait_indirect_dma semaphore(%run_scoped3A_47 : memref<!tpu.dma_semaphore, #tpu.memory_space<semaphore_mem>>) src(%arg16 : memref<128x16xf32, #tpu.memory_space<vmem>>) dst(%dma_wait3A_59 : memref<10016x16xf32, #tpu.memory_space<vmem_shared>>)
      tpu.yield
    }) : () -> ()
    %dma_wait3A_32 = arith.constant 79 : i32
    %dma_wait3A_33 = arith.constant 0 : i32
    %dma_wait3A_34 = tpu.memref_slice %arg12[%dma_wait3A_32, %dma_wait3A_33] : memref<80x128xi32, #tpu.memory_space<vmem>> -> memref<1x128xi32, #tpu.memory_space<vmem>>
    %dma_wait3A_35 = tpu.memref_squeeze %dma_wait3A_34 : memref<1x128xi32, #tpu.memory_space<vmem>> -> memref<128xi32, #tpu.memory_space<vmem>>
    %dma_wait3A_36 = arith.constant 0 : i32
    %dma_wait3A_37 = arith.constant 0 : i32
    %dma_wait3A_38 = tpu.memref_slice %arg2[%dma_wait3A_36, %dma_wait3A_37] : memref<10000x64xf32, #tpu.memory_space<hbm>> -> memref<10000x64xf32, #tpu.memory_space<hbm>>
    tpu.wait_indirect_dma semaphore(%arg18 : memref<!tpu.dma_semaphore, #tpu.memory_space<semaphore_mem>>) src(%dma_wait3A_38 : memref<10000x64xf32, #tpu.memory_space<hbm>>) dst(%arg15 : memref<128x64xf32, #tpu.memory_space<vmem>>)
    %run_scoped3A_39 = arith.constant 79 : i32
    "tpu.region"() ({
      %run_scoped3A_47 = tpu.sem_alloc : memref<!tpu.dma_semaphore, #tpu.memory_space<semaphore_mem>>
      %dma_start3A_48 = arith.constant 0 : i32
      %dma_start3A_49 = tpu.memref_slice %arg13[%run_scoped3A_39, %dma_start3A_48] : memref<80x128xi32, #tpu.memory_space<vmem>> -> memref<1x128xi32, #tpu.memory_space<vmem>>
      %dma_start3A_50 = tpu.memref_squeeze %dma_start3A_49 : memref<1x128xi32, #tpu.memory_space<vmem>> -> memref<128xi32, #tpu.memory_space<vmem>>
      %dma_start3A_51 = arith.constant 0 : i32
      %dma_start3A_52 = arith.constant 0 : i32
      %dma_start3A_53 = tpu.memref_slice %arg10[%dma_start3A_51, %dma_start3A_52] : memref<10016x64xf32, #tpu.memory_space<vmem_shared>> -> memref<10016x64xf32, #tpu.memory_space<vmem_shared>>
      tpu.enqueue_indirect_dma source(%arg15 : memref<128x64xf32, #tpu.memory_space<vmem>>) target(%dma_start3A_53 : memref<10016x64xf32, #tpu.memory_space<vmem_shared>>) offsets(%dma_start3A_50 : memref<128xi32, #tpu.memory_space<vmem>>) semaphore(%run_scoped3A_47 : memref<!tpu.dma_semaphore, #tpu.memory_space<semaphore_mem>>) {add = true}
      %dma_wait3A_54 = arith.constant 0 : i32
      %dma_wait3A_55 = tpu.memref_slice %arg13[%run_scoped3A_39, %dma_wait3A_54] : memref<80x128xi32, #tpu.memory_space<vmem>> -> memref<1x128xi32, #tpu.memory_space<vmem>>
      %dma_wait3A_56 = tpu.memref_squeeze %dma_wait3A_55 : memref<1x128xi32, #tpu.memory_space<vmem>> -> memref<128xi32, #tpu.memory_space<vmem>>
      %dma_wait3A_57 = arith.constant 0 : i32
      %dma_wait3A_58 = arith.constant 0 : i32
      %dma_wait3A_59 = tpu.memref_slice %arg10[%dma_wait3A_57, %dma_wait3A_58] : memref<10016x64xf32, #tpu.memory_space<vmem_shared>> -> memref<10016x64xf32, #tpu.memory_space<vmem_shared>>
      tpu.wait_indirect_dma semaphore(%run_scoped3A_47 : memref<!tpu.dma_semaphore, #tpu.memory_space<semaphore_mem>>) src(%arg15 : memref<128x64xf32, #tpu.memory_space<vmem>>) dst(%dma_wait3A_59 : memref<10016x64xf32, #tpu.memory_space<vmem_shared>>)
      tpu.yield
    }) : () -> ()
    %run_scoped3A_40 = arith.constant 79 : i32
    "tpu.region"() ({
      %run_scoped3A_47 = tpu.sem_alloc : memref<!tpu.dma_semaphore, #tpu.memory_space<semaphore_mem>>
      %dma_start3A_48 = arith.constant 0 : i32
      %dma_start3A_49 = tpu.memref_slice %arg13[%run_scoped3A_40, %dma_start3A_48] : memref<80x128xi32, #tpu.memory_space<vmem>> -> memref<1x128xi32, #tpu.memory_space<vmem>>
      %dma_start3A_50 = tpu.memref_squeeze %dma_start3A_49 : memref<1x128xi32, #tpu.memory_space<vmem>> -> memref<128xi32, #tpu.memory_space<vmem>>
      %dma_start3A_51 = arith.constant 0 : i32
      %dma_start3A_52 = arith.constant 0 : i32
      %dma_start3A_53 = tpu.memref_slice %arg11[%dma_start3A_51, %dma_start3A_52] : memref<10016x16xf32, #tpu.memory_space<vmem_shared>> -> memref<10016x16xf32, #tpu.memory_space<vmem_shared>>
      tpu.enqueue_indirect_dma source(%arg16 : memref<128x16xf32, #tpu.memory_space<vmem>>) target(%dma_start3A_53 : memref<10016x16xf32, #tpu.memory_space<vmem_shared>>) offsets(%dma_start3A_50 : memref<128xi32, #tpu.memory_space<vmem>>) semaphore(%run_scoped3A_47 : memref<!tpu.dma_semaphore, #tpu.memory_space<semaphore_mem>>) {add = true}
      %dma_wait3A_54 = arith.constant 0 : i32
      %dma_wait3A_55 = tpu.memref_slice %arg13[%run_scoped3A_40, %dma_wait3A_54] : memref<80x128xi32, #tpu.memory_space<vmem>> -> memref<1x128xi32, #tpu.memory_space<vmem>>
      %dma_wait3A_56 = tpu.memref_squeeze %dma_wait3A_55 : memref<1x128xi32, #tpu.memory_space<vmem>> -> memref<128xi32, #tpu.memory_space<vmem>>
      %dma_wait3A_57 = arith.constant 0 : i32
      %dma_wait3A_58 = arith.constant 0 : i32
      %dma_wait3A_59 = tpu.memref_slice %arg11[%dma_wait3A_57, %dma_wait3A_58] : memref<10016x16xf32, #tpu.memory_space<vmem_shared>> -> memref<10016x16xf32, #tpu.memory_space<vmem_shared>>
      tpu.wait_indirect_dma semaphore(%run_scoped3A_47 : memref<!tpu.dma_semaphore, #tpu.memory_space<semaphore_mem>>) src(%arg16 : memref<128x16xf32, #tpu.memory_space<vmem>>) dst(%dma_wait3A_59 : memref<10016x16xf32, #tpu.memory_space<vmem_shared>>)
      tpu.yield
    }) : () -> ()
    %barrier3A_41 = arith.constant 0 : index
    tpu.barrier barrier_id(%barrier3A_41)
    "tpu.region"() ({
      %run_scoped3A_47 = tpu.sem_alloc : memref<!tpu.dma_semaphore, #tpu.memory_space<semaphore_mem>>
      %dma_start3A_48 = arith.constant 0 : i32
      %dma_start3A_49 = arith.constant 0 : i32
      %dma_start3A_50 = tpu.memref_slice %arg8[%arg0, %dma_start3A_48, %dma_start3A_49] : memref<2x10000x64xf32, #tpu.memory_space<hbm>> -> memref<1x10000x64xf32, #tpu.memory_space<hbm>>
      %dma_start3A_51 = tpu.memref_squeeze %dma_start3A_50 : memref<1x10000x64xf32, #tpu.memory_space<hbm>> -> memref<10000x64xf32, #tpu.memory_space<hbm>>
      %dma_start3A_52 = arith.constant 0 : i32
      %dma_start3A_53 = tpu.memref_slice %dma_start3A_51[%mul3A_2, %dma_start3A_52] : memref<10000x64xf32, #tpu.memory_space<hbm>> -> memref<624x64xf32, #tpu.memory_space<hbm>>
      %dma_start3A_54 = arith.constant 0 : i32
      %dma_start3A_55 = tpu.memref_slice %arg10[%mul3A_2, %dma_start3A_54] : memref<10016x64xf32, #tpu.memory_space<vmem_shared>> -> memref<624x64xf32, #tpu.memory_space<vmem_shared>>
      tpu.enqueue_dma source(%dma_start3A_55 : memref<624x64xf32, #tpu.memory_space<vmem_shared>>) target(%dma_start3A_53 : memref<624x64xf32, #tpu.memory_space<hbm>>) target_semaphore(%run_scoped3A_47 : memref<!tpu.dma_semaphore, #tpu.memory_space<semaphore_mem>>)
      %dma_wait3A_56 = arith.constant 0 : i32
      %dma_wait3A_57 = arith.constant 0 : i32
      %dma_wait3A_58 = tpu.memref_slice %arg8[%arg0, %dma_wait3A_56, %dma_wait3A_57] : memref<2x10000x64xf32, #tpu.memory_space<hbm>> -> memref<1x10000x64xf32, #tpu.memory_space<hbm>>
      %dma_wait3A_59 = tpu.memref_squeeze %dma_wait3A_58 : memref<1x10000x64xf32, #tpu.memory_space<hbm>> -> memref<10000x64xf32, #tpu.memory_space<hbm>>
      %dma_wait3A_60 = arith.constant 0 : i32
      %dma_wait3A_61 = tpu.memref_slice %dma_wait3A_59[%mul3A_2, %dma_wait3A_60] : memref<10000x64xf32, #tpu.memory_space<hbm>> -> memref<624x64xf32, #tpu.memory_space<hbm>>
      %dma_wait3A_62 = arith.constant 0 : i32
      %dma_wait3A_63 = tpu.memref_slice %arg10[%mul3A_2, %dma_wait3A_62] : memref<10016x64xf32, #tpu.memory_space<vmem_shared>> -> memref<624x64xf32, #tpu.memory_space<vmem_shared>>
      tpu.wait_dma2 semaphore(%run_scoped3A_47 : memref<!tpu.dma_semaphore, #tpu.memory_space<semaphore_mem>>) src(%dma_wait3A_63 : memref<624x64xf32, #tpu.memory_space<vmem_shared>>) dst(%dma_wait3A_61 : memref<624x64xf32, #tpu.memory_space<hbm>>)
      tpu.yield
    }) : () -> ()
    "tpu.region"() ({
      %run_scoped3A_47 = tpu.sem_alloc : memref<!tpu.dma_semaphore, #tpu.memory_space<semaphore_mem>>
      %dma_start3A_48 = arith.constant 0 : i32
      %dma_start3A_49 = arith.constant 0 : i32
      %dma_start3A_50 = tpu.memref_slice %arg9[%arg0, %dma_start3A_48, %dma_start3A_49] : memref<2x10000x16xf32, #tpu.memory_space<hbm>> -> memref<1x10000x16xf32, #tpu.memory_space<hbm>>
      %dma_start3A_51 = tpu.memref_squeeze %dma_start3A_50 : memref<1x10000x16xf32, #tpu.memory_space<hbm>> -> memref<10000x16xf32, #tpu.memory_space<hbm>>
      %dma_start3A_52 = arith.constant 0 : i32
      %dma_start3A_53 = tpu.memref_slice %dma_start3A_51[%mul3A_2, %dma_start3A_52] : memref<10000x16xf32, #tpu.memory_space<hbm>> -> memref<624x16xf32, #tpu.memory_space<hbm>>
      %dma_start3A_54 = arith.constant 0 : i32
      %dma_start3A_55 = tpu.memref_slice %arg11[%mul3A_2, %dma_start3A_54] : memref<10016x16xf32, #tpu.memory_space<vmem_shared>> -> memref<624x16xf32, #tpu.memory_space<vmem_shared>>
      tpu.enqueue_dma source(%dma_start3A_55 : memref<624x16xf32, #tpu.memory_space<vmem_shared>>) target(%dma_start3A_53 : memref<624x16xf32, #tpu.memory_space<hbm>>) target_semaphore(%run_scoped3A_47 : memref<!tpu.dma_semaphore, #tpu.memory_space<semaphore_mem>>)
      %dma_wait3A_56 = arith.constant 0 : i32
      %dma_wait3A_57 = arith.constant 0 : i32
      %dma_wait3A_58 = tpu.memref_slice %arg9[%arg0, %dma_wait3A_56, %dma_wait3A_57] : memref<2x10000x16xf32, #tpu.memory_space<hbm>> -> memref<1x10000x16xf32, #tpu.memory_space<hbm>>
      %dma_wait3A_59 = tpu.memref_squeeze %dma_wait3A_58 : memref<1x10000x16xf32, #tpu.memory_space<hbm>> -> memref<10000x16xf32, #tpu.memory_space<hbm>>
      %dma_wait3A_60 = arith.constant 0 : i32
      %dma_wait3A_61 = tpu.memref_slice %dma_wait3A_59[%mul3A_2, %dma_wait3A_60] : memref<10000x16xf32, #tpu.memory_space<hbm>> -> memref<624x16xf32, #tpu.memory_space<hbm>>
      %dma_wait3A_62 = arith.constant 0 : i32
      %dma_wait3A_63 = tpu.memref_slice %arg11[%mul3A_2, %dma_wait3A_62] : memref<10016x16xf32, #tpu.memory_space<vmem_shared>> -> memref<624x16xf32, #tpu.memory_space<vmem_shared>>
      tpu.wait_dma2 semaphore(%run_scoped3A_47 : memref<!tpu.dma_semaphore, #tpu.memory_space<semaphore_mem>>) src(%dma_wait3A_63 : memref<624x16xf32, #tpu.memory_space<vmem_shared>>) dst(%dma_wait3A_61 : memref<624x16xf32, #tpu.memory_space<hbm>>)
      tpu.yield
    }) : () -> ()
    %eq3A_42 = arith.constant 15 : i32
    %eq3A_43 = arith.cmpi eq, %arg1, %eq3A_42 : i32
    %convert_element_type3A_44 = arith.extui %eq3A_43 : i1 to i32
    %cond3A_45 = arith.constant 0 : i32
    %cond3A_46 = arith.cmpi ne, %convert_element_type3A_44, %cond3A_45 : i32
    scf.if %cond3A_46 {
      "tpu.region"() ({
        %run_scoped3A_47 = tpu.sem_alloc : memref<!tpu.dma_semaphore, #tpu.memory_space<semaphore_mem>>
        %dma_start3A_48 = arith.constant 0 : i32
        %dma_start3A_49 = arith.constant 0 : i32
        %dma_start3A_50 = tpu.memref_slice %arg8[%arg0, %dma_start3A_48, %dma_start3A_49] : memref<2x10000x64xf32, #tpu.memory_space<hbm>> -> memref<1x10000x64xf32, #tpu.memory_space<hbm>>
        %dma_start3A_51 = tpu.memref_squeeze %dma_start3A_50 : memref<1x10000x64xf32, #tpu.memory_space<hbm>> -> memref<10000x64xf32, #tpu.memory_space<hbm>>
        %dma_start3A_52 = arith.constant 9984 : i32
        %dma_start3A_53 = arith.constant 0 : i32
        %dma_start3A_54 = tpu.memref_slice %dma_start3A_51[%dma_start3A_52, %dma_start3A_53] : memref<10000x64xf32, #tpu.memory_space<hbm>> -> memref<16x64xf32, #tpu.memory_space<hbm>>
        %dma_start3A_55 = arith.constant 9984 : i32
        %dma_start3A_56 = arith.constant 0 : i32
        %dma_start3A_57 = tpu.memref_slice %arg10[%dma_start3A_55, %dma_start3A_56] : memref<10016x64xf32, #tpu.memory_space<vmem_shared>> -> memref<16x64xf32, #tpu.memory_space<vmem_shared>>
        tpu.enqueue_dma source(%dma_start3A_57 : memref<16x64xf32, #tpu.memory_space<vmem_shared>>) target(%dma_start3A_54 : memref<16x64xf32, #tpu.memory_space<hbm>>) target_semaphore(%run_scoped3A_47 : memref<!tpu.dma_semaphore, #tpu.memory_space<semaphore_mem>>)
        %dma_wait3A_58 = arith.constant 0 : i32
        %dma_wait3A_59 = arith.constant 0 : i32
        %dma_wait3A_60 = tpu.memref_slice %arg8[%arg0, %dma_wait3A_58, %dma_wait3A_59] : memref<2x10000x64xf32, #tpu.memory_space<hbm>> -> memref<1x10000x64xf32, #tpu.memory_space<hbm>>
        %dma_wait3A_61 = tpu.memref_squeeze %dma_wait3A_60 : memref<1x10000x64xf32, #tpu.memory_space<hbm>> -> memref<10000x64xf32, #tpu.memory_space<hbm>>
        %dma_wait3A_62 = arith.constant 9984 : i32
        %dma_wait3A_63 = arith.constant 0 : i32
        %dma_wait3A_64 = tpu.memref_slice %dma_wait3A_61[%dma_wait3A_62, %dma_wait3A_63] : memref<10000x64xf32, #tpu.memory_space<hbm>> -> memref<16x64xf32, #tpu.memory_space<hbm>>
        %dma_wait3A_65 = arith.constant 9984 : i32
        %dma_wait3A_66 = arith.constant 0 : i32
        %dma_wait3A_67 = tpu.memref_slice %arg10[%dma_wait3A_65, %dma_wait3A_66] : memref<10016x64xf32, #tpu.memory_space<vmem_shared>> -> memref<16x64xf32, #tpu.memory_space<vmem_shared>>
        tpu.wait_dma2 semaphore(%run_scoped3A_47 : memref<!tpu.dma_semaphore, #tpu.memory_space<semaphore_mem>>) src(%dma_wait3A_67 : memref<16x64xf32, #tpu.memory_space<vmem_shared>>) dst(%dma_wait3A_64 : memref<16x64xf32, #tpu.memory_space<hbm>>)
        tpu.yield
      }) : () -> ()
      "tpu.region"() ({
        %run_scoped3A_47 = tpu.sem_alloc : memref<!tpu.dma_semaphore, #tpu.memory_space<semaphore_mem>>
        %dma_start3A_48 = arith.constant 0 : i32
        %dma_start3A_49 = arith.constant 0 : i32
        %dma_start3A_50 = tpu.memref_slice %arg9[%arg0, %dma_start3A_48, %dma_start3A_49] : memref<2x10000x16xf32, #tpu.memory_space<hbm>> -> memref<1x10000x16xf32, #tpu.memory_space<hbm>>
        %dma_start3A_51 = tpu.memref_squeeze %dma_start3A_50 : memref<1x10000x16xf32, #tpu.memory_space<hbm>> -> memref<10000x16xf32, #tpu.memory_space<hbm>>
        %dma_start3A_52 = arith.constant 9984 : i32
        %dma_start3A_53 = arith.constant 0 : i32
        %dma_start3A_54 = tpu.memref_slice %dma_start3A_51[%dma_start3A_52, %dma_start3A_53] : memref<10000x16xf32, #tpu.memory_space<hbm>> -> memref<16x16xf32, #tpu.memory_space<hbm>>
        %dma_start3A_55 = arith.constant 9984 : i32
        %dma_start3A_56 = arith.constant 0 : i32
        %dma_start3A_57 = tpu.memref_slice %arg11[%dma_start3A_55, %dma_start3A_56] : memref<10016x16xf32, #tpu.memory_space<vmem_shared>> -> memref<16x16xf32, #tpu.memory_space<vmem_shared>>
        tpu.enqueue_dma source(%dma_start3A_57 : memref<16x16xf32, #tpu.memory_space<vmem_shared>>) target(%dma_start3A_54 : memref<16x16xf32, #tpu.memory_space<hbm>>) target_semaphore(%run_scoped3A_47 : memref<!tpu.dma_semaphore, #tpu.memory_space<semaphore_mem>>)
        %dma_wait3A_58 = arith.constant 0 : i32
        %dma_wait3A_59 = arith.constant 0 : i32
        %dma_wait3A_60 = tpu.memref_slice %arg9[%arg0, %dma_wait3A_58, %dma_wait3A_59] : memref<2x10000x16xf32, #tpu.memory_space<hbm>> -> memref<1x10000x16xf32, #tpu.memory_space<hbm>>
        %dma_wait3A_61 = tpu.memref_squeeze %dma_wait3A_60 : memref<1x10000x16xf32, #tpu.memory_space<hbm>> -> memref<10000x16xf32, #tpu.memory_space<hbm>>
        %dma_wait3A_62 = arith.constant 9984 : i32
        %dma_wait3A_63 = arith.constant 0 : i32
        %dma_wait3A_64 = tpu.memref_slice %dma_wait3A_61[%dma_wait3A_62, %dma_wait3A_63] : memref<10000x16xf32, #tpu.memory_space<hbm>> -> memref<16x16xf32, #tpu.memory_space<hbm>>
        %dma_wait3A_65 = arith.constant 9984 : i32
        %dma_wait3A_66 = arith.constant 0 : i32
        %dma_wait3A_67 = tpu.memref_slice %arg11[%dma_wait3A_65, %dma_wait3A_66] : memref<10016x16xf32, #tpu.memory_space<vmem_shared>> -> memref<16x16xf32, #tpu.memory_space<vmem_shared>>
        tpu.wait_dma2 semaphore(%run_scoped3A_47 : memref<!tpu.dma_semaphore, #tpu.memory_space<semaphore_mem>>) src(%dma_wait3A_67 : memref<16x16xf32, #tpu.memory_space<vmem_shared>>) dst(%dma_wait3A_64 : memref<16x16xf32, #tpu.memory_space<hbm>>)
        tpu.yield
      }) : () -> ()
    } else {
    }
    return
  }
}

#map = affine_map<(d0, d1) -> (0, 0)>
#map1 = affine_map<(d0, d1) -> (0, 0, 0)>
module attributes {stable_mosaic.version = 14 : i64} {
  func.func @sc_segsum(%arg0: i32, %arg1: i32, %arg2: memref<10000x64xf32, #tpu.memory_space<hbm>>, %arg3: memref<2560x128xi32, #tpu.memory_space<hbm>>, %arg4: memref<2560x128xi32, #tpu.memory_space<hbm>>, %arg5: memref<10000x64xf32, #tpu.memory_space<hbm>>, %arg6: memref<2x10000x64xf32, #tpu.memory_space<hbm>>, %arg7: memref<10016x64xf32, #tpu.memory_space<vmem_shared>>, %arg8: memref<80x128xi32, #tpu.memory_space<vmem>>, %arg9: memref<80x128xi32, #tpu.memory_space<vmem>>, %arg10: memref<128x64xf32, #tpu.memory_space<vmem>>, %arg11: memref<128x64xf32, #tpu.memory_space<vmem>>, %arg12: memref<!tpu.dma_semaphore, #tpu.memory_space<semaphore_mem>>, %arg13: memref<!tpu.dma_semaphore, #tpu.memory_space<semaphore_mem>>) attributes {dimension_semantics = [#tpu.dimension_semantics<core_parallel>, #tpu.dimension_semantics<subcore_parallel>], iteration_bounds = array<i64: 2, 16>, scalar_prefetch = 0 : i64, scratch_operands = 7 : i64, tpu.core_type = #tpu.core_type<sc_vector_subcore>, window_params = [{transform_indices = #map}, {transform_indices = #map}, {transform_indices = #map}, {transform_indices = #map}, {transform_indices = #map1}]} {
    %mul3A = arith.constant 2 : i32
    %mul3A_0 = arith.muli %arg1, %mul3A : i32
    %add3A = arith.addi %mul3A_0, %arg0 : i32
    %mul3A_1 = arith.constant 624 : i32
    %mul3A_2 = arith.muli %arg1, %mul3A_1 : i32
    "tpu.region"() ({
      %run_scoped3A_45 = tpu.sem_alloc : memref<!tpu.dma_semaphore, #tpu.memory_space<semaphore_mem>>
      %dma_start3A_46 = arith.constant 0 : i32
      %dma_start3A_47 = tpu.memref_slice %arg7[%mul3A_2, %dma_start3A_46] : memref<10016x64xf32, #tpu.memory_space<vmem_shared>> -> memref<624x64xf32, #tpu.memory_space<vmem_shared>>
      %dma_start3A_48 = arith.constant 0 : i32
      %dma_start3A_49 = tpu.memref_slice %arg5[%mul3A_2, %dma_start3A_48] : memref<10000x64xf32, #tpu.memory_space<hbm>> -> memref<624x64xf32, #tpu.memory_space<hbm>>
      tpu.enqueue_dma source(%dma_start3A_49 : memref<624x64xf32, #tpu.memory_space<hbm>>) target(%dma_start3A_47 : memref<624x64xf32, #tpu.memory_space<vmem_shared>>) target_semaphore(%run_scoped3A_45 : memref<!tpu.dma_semaphore, #tpu.memory_space<semaphore_mem>>)
      %dma_wait3A_50 = arith.constant 0 : i32
      %dma_wait3A_51 = tpu.memref_slice %arg7[%mul3A_2, %dma_wait3A_50] : memref<10016x64xf32, #tpu.memory_space<vmem_shared>> -> memref<624x64xf32, #tpu.memory_space<vmem_shared>>
      %dma_wait3A_52 = arith.constant 0 : i32
      %dma_wait3A_53 = tpu.memref_slice %arg5[%mul3A_2, %dma_wait3A_52] : memref<10000x64xf32, #tpu.memory_space<hbm>> -> memref<624x64xf32, #tpu.memory_space<hbm>>
      tpu.wait_dma2 semaphore(%run_scoped3A_45 : memref<!tpu.dma_semaphore, #tpu.memory_space<semaphore_mem>>) src(%dma_wait3A_53 : memref<624x64xf32, #tpu.memory_space<hbm>>) dst(%dma_wait3A_51 : memref<624x64xf32, #tpu.memory_space<vmem_shared>>)
      tpu.yield
    }) : () -> ()
    %eq3A = arith.constant 15 : i32
    %eq3A_3 = arith.cmpi eq, %arg1, %eq3A : i32
    %convert_element_type3A = arith.extui %eq3A_3 : i1 to i32
    %cond3A = arith.constant 0 : i32
    %cond3A_4 = arith.cmpi ne, %convert_element_type3A, %cond3A : i32
    scf.if %cond3A_4 {
      "tpu.region"() ({
        %run_scoped3A_45 = tpu.sem_alloc : memref<!tpu.dma_semaphore, #tpu.memory_space<semaphore_mem>>
        %dma_start3A_46 = arith.constant 9984 : i32
        %dma_start3A_47 = arith.constant 0 : i32
        %dma_start3A_48 = tpu.memref_slice %arg7[%dma_start3A_46, %dma_start3A_47] : memref<10016x64xf32, #tpu.memory_space<vmem_shared>> -> memref<16x64xf32, #tpu.memory_space<vmem_shared>>
        %dma_start3A_49 = arith.constant 9984 : i32
        %dma_start3A_50 = arith.constant 0 : i32
        %dma_start3A_51 = tpu.memref_slice %arg5[%dma_start3A_49, %dma_start3A_50] : memref<10000x64xf32, #tpu.memory_space<hbm>> -> memref<16x64xf32, #tpu.memory_space<hbm>>
        tpu.enqueue_dma source(%dma_start3A_51 : memref<16x64xf32, #tpu.memory_space<hbm>>) target(%dma_start3A_48 : memref<16x64xf32, #tpu.memory_space<vmem_shared>>) target_semaphore(%run_scoped3A_45 : memref<!tpu.dma_semaphore, #tpu.memory_space<semaphore_mem>>)
        %dma_wait3A_52 = arith.constant 9984 : i32
        %dma_wait3A_53 = arith.constant 0 : i32
        %dma_wait3A_54 = tpu.memref_slice %arg7[%dma_wait3A_52, %dma_wait3A_53] : memref<10016x64xf32, #tpu.memory_space<vmem_shared>> -> memref<16x64xf32, #tpu.memory_space<vmem_shared>>
        %dma_wait3A_55 = arith.constant 9984 : i32
        %dma_wait3A_56 = arith.constant 0 : i32
        %dma_wait3A_57 = tpu.memref_slice %arg5[%dma_wait3A_55, %dma_wait3A_56] : memref<10000x64xf32, #tpu.memory_space<hbm>> -> memref<16x64xf32, #tpu.memory_space<hbm>>
        tpu.wait_dma2 semaphore(%run_scoped3A_45 : memref<!tpu.dma_semaphore, #tpu.memory_space<semaphore_mem>>) src(%dma_wait3A_57 : memref<16x64xf32, #tpu.memory_space<hbm>>) dst(%dma_wait3A_54 : memref<16x64xf32, #tpu.memory_space<vmem_shared>>)
        tpu.yield
      }) : () -> ()
    } else {
    }
    %barrier3A = arith.constant 0 : index
    tpu.barrier barrier_id(%barrier3A)
    %mul3A_5 = arith.constant 80 : i32
    %mul3A_6 = arith.muli %add3A, %mul3A_5 : i32
    "tpu.region"() ({
      %run_scoped3A_45 = tpu.sem_alloc : memref<!tpu.dma_semaphore, #tpu.memory_space<semaphore_mem>>
      %dma_start3A_46 = arith.constant 0 : i32
      %dma_start3A_47 = tpu.memref_slice %arg3[%mul3A_6, %dma_start3A_46] : memref<2560x128xi32, #tpu.memory_space<hbm>> -> memref<80x128xi32, #tpu.memory_space<hbm>>
      %dma_start3A_48 = arith.constant 0 : i32
      %dma_start3A_49 = tpu.memref_slice %arg3[%mul3A_6, %dma_start3A_48] : memref<2560x128xi32, #tpu.memory_space<hbm>> -> memref<80x128xi32, #tpu.memory_space<hbm>>
      tpu.enqueue_dma source(%dma_start3A_49 : memref<80x128xi32, #tpu.memory_space<hbm>>) target(%arg8 : memref<80x128xi32, #tpu.memory_space<vmem>>) target_semaphore(%run_scoped3A_45 : memref<!tpu.dma_semaphore, #tpu.memory_space<semaphore_mem>>)
      %dma_wait3A_50 = arith.constant 0 : i32
      %dma_wait3A_51 = tpu.memref_slice %arg3[%mul3A_6, %dma_wait3A_50] : memref<2560x128xi32, #tpu.memory_space<hbm>> -> memref<80x128xi32, #tpu.memory_space<hbm>>
      %dma_wait3A_52 = arith.constant 0 : i32
      %dma_wait3A_53 = tpu.memref_slice %arg3[%mul3A_6, %dma_wait3A_52] : memref<2560x128xi32, #tpu.memory_space<hbm>> -> memref<80x128xi32, #tpu.memory_space<hbm>>
      tpu.wait_dma2 semaphore(%run_scoped3A_45 : memref<!tpu.dma_semaphore, #tpu.memory_space<semaphore_mem>>) src(%dma_wait3A_53 : memref<80x128xi32, #tpu.memory_space<hbm>>) dst(%arg8 : memref<80x128xi32, #tpu.memory_space<vmem>>)
      tpu.yield
    }) : () -> ()
    "tpu.region"() ({
      %run_scoped3A_45 = tpu.sem_alloc : memref<!tpu.dma_semaphore, #tpu.memory_space<semaphore_mem>>
      %dma_start3A_46 = arith.constant 0 : i32
      %dma_start3A_47 = tpu.memref_slice %arg4[%mul3A_6, %dma_start3A_46] : memref<2560x128xi32, #tpu.memory_space<hbm>> -> memref<80x128xi32, #tpu.memory_space<hbm>>
      %dma_start3A_48 = arith.constant 0 : i32
      %dma_start3A_49 = tpu.memref_slice %arg4[%mul3A_6, %dma_start3A_48] : memref<2560x128xi32, #tpu.memory_space<hbm>> -> memref<80x128xi32, #tpu.memory_space<hbm>>
      tpu.enqueue_dma source(%dma_start3A_49 : memref<80x128xi32, #tpu.memory_space<hbm>>) target(%arg9 : memref<80x128xi32, #tpu.memory_space<vmem>>) target_semaphore(%run_scoped3A_45 : memref<!tpu.dma_semaphore, #tpu.memory_space<semaphore_mem>>)
      %dma_wait3A_50 = arith.constant 0 : i32
      %dma_wait3A_51 = tpu.memref_slice %arg4[%mul3A_6, %dma_wait3A_50] : memref<2560x128xi32, #tpu.memory_space<hbm>> -> memref<80x128xi32, #tpu.memory_space<hbm>>
      %dma_wait3A_52 = arith.constant 0 : i32
      %dma_wait3A_53 = tpu.memref_slice %arg4[%mul3A_6, %dma_wait3A_52] : memref<2560x128xi32, #tpu.memory_space<hbm>> -> memref<80x128xi32, #tpu.memory_space<hbm>>
      tpu.wait_dma2 semaphore(%run_scoped3A_45 : memref<!tpu.dma_semaphore, #tpu.memory_space<semaphore_mem>>) src(%dma_wait3A_53 : memref<80x128xi32, #tpu.memory_space<hbm>>) dst(%arg9 : memref<80x128xi32, #tpu.memory_space<vmem>>)
      tpu.yield
    }) : () -> ()
    %dma_start3A = arith.constant 0 : i32
    %dma_start3A_7 = arith.constant 0 : i32
    %dma_start3A_8 = tpu.memref_slice %arg8[%dma_start3A, %dma_start3A_7] : memref<80x128xi32, #tpu.memory_space<vmem>> -> memref<1x128xi32, #tpu.memory_space<vmem>>
    %dma_start3A_9 = tpu.memref_squeeze %dma_start3A_8 : memref<1x128xi32, #tpu.memory_space<vmem>> -> memref<128xi32, #tpu.memory_space<vmem>>
    %dma_start3A_10 = arith.constant 0 : i32
    %dma_start3A_11 = arith.constant 0 : i32
    %dma_start3A_12 = tpu.memref_slice %arg2[%dma_start3A_10, %dma_start3A_11] : memref<10000x64xf32, #tpu.memory_space<hbm>> -> memref<10000x64xf32, #tpu.memory_space<hbm>>
    tpu.enqueue_indirect_dma source(%dma_start3A_12 : memref<10000x64xf32, #tpu.memory_space<hbm>>) target(%arg10 : memref<128x64xf32, #tpu.memory_space<vmem>>) offsets(%dma_start3A_9 : memref<128xi32, #tpu.memory_space<vmem>>) semaphore(%arg12 : memref<!tpu.dma_semaphore, #tpu.memory_space<semaphore_mem>>)
    %dma_start3A_13 = arith.constant 1 : i32
    %dma_start3A_14 = arith.constant 0 : i32
    %dma_start3A_15 = tpu.memref_slice %arg8[%dma_start3A_13, %dma_start3A_14] : memref<80x128xi32, #tpu.memory_space<vmem>> -> memref<1x128xi32, #tpu.memory_space<vmem>>
    %dma_start3A_16 = tpu.memref_squeeze %dma_start3A_15 : memref<1x128xi32, #tpu.memory_space<vmem>> -> memref<128xi32, #tpu.memory_space<vmem>>
    %dma_start3A_17 = arith.constant 0 : i32
    %dma_start3A_18 = arith.constant 0 : i32
    %dma_start3A_19 = tpu.memref_slice %arg2[%dma_start3A_17, %dma_start3A_18] : memref<10000x64xf32, #tpu.memory_space<hbm>> -> memref<10000x64xf32, #tpu.memory_space<hbm>>
    tpu.enqueue_indirect_dma source(%dma_start3A_19 : memref<10000x64xf32, #tpu.memory_space<hbm>>) target(%arg11 : memref<128x64xf32, #tpu.memory_space<vmem>>) offsets(%dma_start3A_16 : memref<128xi32, #tpu.memory_space<vmem>>) semaphore(%arg13 : memref<!tpu.dma_semaphore, #tpu.memory_space<semaphore_mem>>)
    %scan3A = arith.constant 0 : i32
    %scan3A_20 = arith.constant 0 : i32
    %scan3A_21 = arith.constant 39 : i32
    %scan3A_22 = arith.addi %scan3A_20, %scan3A_21 : i32
    %scan3A_23 = arith.constant 1 : i32
    scf.for %scan3A_45 = %scan3A_20 to %scan3A_22 step %scan3A_23  : i32 {
      %mul3A_46 = arith.constant 2 : i32
      %mul3A_47 = arith.muli %mul3A_46, %scan3A_45 : i32
      %dma_wait3A_48 = arith.constant 0 : i32
      %dma_wait3A_49 = tpu.memref_slice %arg8[%mul3A_47, %dma_wait3A_48] : memref<80x128xi32, #tpu.memory_space<vmem>> -> memref<1x128xi32, #tpu.memory_space<vmem>>
      %dma_wait3A_50 = tpu.memref_squeeze %dma_wait3A_49 : memref<1x128xi32, #tpu.memory_space<vmem>> -> memref<128xi32, #tpu.memory_space<vmem>>
      %dma_wait3A_51 = arith.constant 0 : i32
      %dma_wait3A_52 = arith.constant 0 : i32
      %dma_wait3A_53 = tpu.memref_slice %arg2[%dma_wait3A_51, %dma_wait3A_52] : memref<10000x64xf32, #tpu.memory_space<hbm>> -> memref<10000x64xf32, #tpu.memory_space<hbm>>
      tpu.wait_indirect_dma semaphore(%arg12 : memref<!tpu.dma_semaphore, #tpu.memory_space<semaphore_mem>>) src(%dma_wait3A_53 : memref<10000x64xf32, #tpu.memory_space<hbm>>) dst(%arg10 : memref<128x64xf32, #tpu.memory_space<vmem>>)
      "tpu.region"() ({
        %run_scoped3A_80 = tpu.sem_alloc : memref<!tpu.dma_semaphore, #tpu.memory_space<semaphore_mem>>
        %dma_start3A_81 = arith.constant 0 : i32
        %dma_start3A_82 = tpu.memref_slice %arg9[%mul3A_47, %dma_start3A_81] : memref<80x128xi32, #tpu.memory_space<vmem>> -> memref<1x128xi32, #tpu.memory_space<vmem>>
        %dma_start3A_83 = tpu.memref_squeeze %dma_start3A_82 : memref<1x128xi32, #tpu.memory_space<vmem>> -> memref<128xi32, #tpu.memory_space<vmem>>
        %dma_start3A_84 = arith.constant 0 : i32
        %dma_start3A_85 = arith.constant 0 : i32
        %dma_start3A_86 = tpu.memref_slice %arg7[%dma_start3A_84, %dma_start3A_85] : memref<10016x64xf32, #tpu.memory_space<vmem_shared>> -> memref<10016x64xf32, #tpu.memory_space<vmem_shared>>
        tpu.enqueue_indirect_dma source(%arg10 : memref<128x64xf32, #tpu.memory_space<vmem>>) target(%dma_start3A_86 : memref<10016x64xf32, #tpu.memory_space<vmem_shared>>) offsets(%dma_start3A_83 : memref<128xi32, #tpu.memory_space<vmem>>) semaphore(%run_scoped3A_80 : memref<!tpu.dma_semaphore, #tpu.memory_space<semaphore_mem>>) {add = true}
        %dma_wait3A_87 = arith.constant 0 : i32
        %dma_wait3A_88 = tpu.memref_slice %arg9[%mul3A_47, %dma_wait3A_87] : memref<80x128xi32, #tpu.memory_space<vmem>> -> memref<1x128xi32, #tpu.memory_space<vmem>>
        %dma_wait3A_89 = tpu.memref_squeeze %dma_wait3A_88 : memref<1x128xi32, #tpu.memory_space<vmem>> -> memref<128xi32, #tpu.memory_space<vmem>>
        %dma_wait3A_90 = arith.constant 0 : i32
        %dma_wait3A_91 = arith.constant 0 : i32
        %dma_wait3A_92 = tpu.memref_slice %arg7[%dma_wait3A_90, %dma_wait3A_91] : memref<10016x64xf32, #tpu.memory_space<vmem_shared>> -> memref<10016x64xf32, #tpu.memory_space<vmem_shared>>
        tpu.wait_indirect_dma semaphore(%run_scoped3A_80 : memref<!tpu.dma_semaphore, #tpu.memory_space<semaphore_mem>>) src(%arg10 : memref<128x64xf32, #tpu.memory_space<vmem>>) dst(%dma_wait3A_92 : memref<10016x64xf32, #tpu.memory_space<vmem_shared>>)
        tpu.yield
      }) : () -> ()
      %add3A_54 = arith.constant 2 : i32
      %add3A_55 = arith.addi %mul3A_47, %add3A_54 : i32
      %dma_start3A_56 = arith.constant 0 : i32
      %dma_start3A_57 = tpu.memref_slice %arg8[%add3A_55, %dma_start3A_56] : memref<80x128xi32, #tpu.memory_space<vmem>> -> memref<1x128xi32, #tpu.memory_space<vmem>>
      %dma_start3A_58 = tpu.memref_squeeze %dma_start3A_57 : memref<1x128xi32, #tpu.memory_space<vmem>> -> memref<128xi32, #tpu.memory_space<vmem>>
      %dma_start3A_59 = arith.constant 0 : i32
      %dma_start3A_60 = arith.constant 0 : i32
      %dma_start3A_61 = tpu.memref_slice %arg2[%dma_start3A_59, %dma_start3A_60] : memref<10000x64xf32, #tpu.memory_space<hbm>> -> memref<10000x64xf32, #tpu.memory_space<hbm>>
      tpu.enqueue_indirect_dma source(%dma_start3A_61 : memref<10000x64xf32, #tpu.memory_space<hbm>>) target(%arg10 : memref<128x64xf32, #tpu.memory_space<vmem>>) offsets(%dma_start3A_58 : memref<128xi32, #tpu.memory_space<vmem>>) semaphore(%arg12 : memref<!tpu.dma_semaphore, #tpu.memory_space<semaphore_mem>>)
      %add3A_62 = arith.constant 1 : i32
      %add3A_63 = arith.addi %mul3A_47, %add3A_62 : i32
      %dma_wait3A_64 = arith.constant 0 : i32
      %dma_wait3A_65 = tpu.memref_slice %arg8[%add3A_63, %dma_wait3A_64] : memref<80x128xi32, #tpu.memory_space<vmem>> -> memref<1x128xi32, #tpu.memory_space<vmem>>
      %dma_wait3A_66 = tpu.memref_squeeze %dma_wait3A_65 : memref<1x128xi32, #tpu.memory_space<vmem>> -> memref<128xi32, #tpu.memory_space<vmem>>
      %dma_wait3A_67 = arith.constant 0 : i32
      %dma_wait3A_68 = arith.constant 0 : i32
      %dma_wait3A_69 = tpu.memref_slice %arg2[%dma_wait3A_67, %dma_wait3A_68] : memref<10000x64xf32, #tpu.memory_space<hbm>> -> memref<10000x64xf32, #tpu.memory_space<hbm>>
      tpu.wait_indirect_dma semaphore(%arg13 : memref<!tpu.dma_semaphore, #tpu.memory_space<semaphore_mem>>) src(%dma_wait3A_69 : memref<10000x64xf32, #tpu.memory_space<hbm>>) dst(%arg11 : memref<128x64xf32, #tpu.memory_space<vmem>>)
      %add3A_70 = arith.constant 1 : i32
      %add3A_71 = arith.addi %mul3A_47, %add3A_70 : i32
      "tpu.region"() ({
        %run_scoped3A_80 = tpu.sem_alloc : memref<!tpu.dma_semaphore, #tpu.memory_space<semaphore_mem>>
        %dma_start3A_81 = arith.constant 0 : i32
        %dma_start3A_82 = tpu.memref_slice %arg9[%add3A_71, %dma_start3A_81] : memref<80x128xi32, #tpu.memory_space<vmem>> -> memref<1x128xi32, #tpu.memory_space<vmem>>
        %dma_start3A_83 = tpu.memref_squeeze %dma_start3A_82 : memref<1x128xi32, #tpu.memory_space<vmem>> -> memref<128xi32, #tpu.memory_space<vmem>>
        %dma_start3A_84 = arith.constant 0 : i32
        %dma_start3A_85 = arith.constant 0 : i32
        %dma_start3A_86 = tpu.memref_slice %arg7[%dma_start3A_84, %dma_start3A_85] : memref<10016x64xf32, #tpu.memory_space<vmem_shared>> -> memref<10016x64xf32, #tpu.memory_space<vmem_shared>>
        tpu.enqueue_indirect_dma source(%arg11 : memref<128x64xf32, #tpu.memory_space<vmem>>) target(%dma_start3A_86 : memref<10016x64xf32, #tpu.memory_space<vmem_shared>>) offsets(%dma_start3A_83 : memref<128xi32, #tpu.memory_space<vmem>>) semaphore(%run_scoped3A_80 : memref<!tpu.dma_semaphore, #tpu.memory_space<semaphore_mem>>) {add = true}
        %dma_wait3A_87 = arith.constant 0 : i32
        %dma_wait3A_88 = tpu.memref_slice %arg9[%add3A_71, %dma_wait3A_87] : memref<80x128xi32, #tpu.memory_space<vmem>> -> memref<1x128xi32, #tpu.memory_space<vmem>>
        %dma_wait3A_89 = tpu.memref_squeeze %dma_wait3A_88 : memref<1x128xi32, #tpu.memory_space<vmem>> -> memref<128xi32, #tpu.memory_space<vmem>>
        %dma_wait3A_90 = arith.constant 0 : i32
        %dma_wait3A_91 = arith.constant 0 : i32
        %dma_wait3A_92 = tpu.memref_slice %arg7[%dma_wait3A_90, %dma_wait3A_91] : memref<10016x64xf32, #tpu.memory_space<vmem_shared>> -> memref<10016x64xf32, #tpu.memory_space<vmem_shared>>
        tpu.wait_indirect_dma semaphore(%run_scoped3A_80 : memref<!tpu.dma_semaphore, #tpu.memory_space<semaphore_mem>>) src(%arg11 : memref<128x64xf32, #tpu.memory_space<vmem>>) dst(%dma_wait3A_92 : memref<10016x64xf32, #tpu.memory_space<vmem_shared>>)
        tpu.yield
      }) : () -> ()
      %add3A_72 = arith.constant 3 : i32
      %add3A_73 = arith.addi %mul3A_47, %add3A_72 : i32
      %dma_start3A_74 = arith.constant 0 : i32
      %dma_start3A_75 = tpu.memref_slice %arg8[%add3A_73, %dma_start3A_74] : memref<80x128xi32, #tpu.memory_space<vmem>> -> memref<1x128xi32, #tpu.memory_space<vmem>>
      %dma_start3A_76 = tpu.memref_squeeze %dma_start3A_75 : memref<1x128xi32, #tpu.memory_space<vmem>> -> memref<128xi32, #tpu.memory_space<vmem>>
      %dma_start3A_77 = arith.constant 0 : i32
      %dma_start3A_78 = arith.constant 0 : i32
      %dma_start3A_79 = tpu.memref_slice %arg2[%dma_start3A_77, %dma_start3A_78] : memref<10000x64xf32, #tpu.memory_space<hbm>> -> memref<10000x64xf32, #tpu.memory_space<hbm>>
      tpu.enqueue_indirect_dma source(%dma_start3A_79 : memref<10000x64xf32, #tpu.memory_space<hbm>>) target(%arg11 : memref<128x64xf32, #tpu.memory_space<vmem>>) offsets(%dma_start3A_76 : memref<128xi32, #tpu.memory_space<vmem>>) semaphore(%arg13 : memref<!tpu.dma_semaphore, #tpu.memory_space<semaphore_mem>>)
    }
    %scan3A_24 = arith.constant 39 : i32
    %dma_wait3A = arith.constant 78 : i32
    %dma_wait3A_25 = arith.constant 0 : i32
    %dma_wait3A_26 = tpu.memref_slice %arg8[%dma_wait3A, %dma_wait3A_25] : memref<80x128xi32, #tpu.memory_space<vmem>> -> memref<1x128xi32, #tpu.memory_space<vmem>>
    %dma_wait3A_27 = tpu.memref_squeeze %dma_wait3A_26 : memref<1x128xi32, #tpu.memory_space<vmem>> -> memref<128xi32, #tpu.memory_space<vmem>>
    %dma_wait3A_28 = arith.constant 0 : i32
    %dma_wait3A_29 = arith.constant 0 : i32
    %dma_wait3A_30 = tpu.memref_slice %arg2[%dma_wait3A_28, %dma_wait3A_29] : memref<10000x64xf32, #tpu.memory_space<hbm>> -> memref<10000x64xf32, #tpu.memory_space<hbm>>
    tpu.wait_indirect_dma semaphore(%arg12 : memref<!tpu.dma_semaphore, #tpu.memory_space<semaphore_mem>>) src(%dma_wait3A_30 : memref<10000x64xf32, #tpu.memory_space<hbm>>) dst(%arg10 : memref<128x64xf32, #tpu.memory_space<vmem>>)
    %run_scoped3A = arith.constant 78 : i32
    "tpu.region"() ({
      %run_scoped3A_45 = tpu.sem_alloc : memref<!tpu.dma_semaphore, #tpu.memory_space<semaphore_mem>>
      %dma_start3A_46 = arith.constant 0 : i32
      %dma_start3A_47 = tpu.memref_slice %arg9[%run_scoped3A, %dma_start3A_46] : memref<80x128xi32, #tpu.memory_space<vmem>> -> memref<1x128xi32, #tpu.memory_space<vmem>>
      %dma_start3A_48 = tpu.memref_squeeze %dma_start3A_47 : memref<1x128xi32, #tpu.memory_space<vmem>> -> memref<128xi32, #tpu.memory_space<vmem>>
      %dma_start3A_49 = arith.constant 0 : i32
      %dma_start3A_50 = arith.constant 0 : i32
      %dma_start3A_51 = tpu.memref_slice %arg7[%dma_start3A_49, %dma_start3A_50] : memref<10016x64xf32, #tpu.memory_space<vmem_shared>> -> memref<10016x64xf32, #tpu.memory_space<vmem_shared>>
      tpu.enqueue_indirect_dma source(%arg10 : memref<128x64xf32, #tpu.memory_space<vmem>>) target(%dma_start3A_51 : memref<10016x64xf32, #tpu.memory_space<vmem_shared>>) offsets(%dma_start3A_48 : memref<128xi32, #tpu.memory_space<vmem>>) semaphore(%run_scoped3A_45 : memref<!tpu.dma_semaphore, #tpu.memory_space<semaphore_mem>>) {add = true}
      %dma_wait3A_52 = arith.constant 0 : i32
      %dma_wait3A_53 = tpu.memref_slice %arg9[%run_scoped3A, %dma_wait3A_52] : memref<80x128xi32, #tpu.memory_space<vmem>> -> memref<1x128xi32, #tpu.memory_space<vmem>>
      %dma_wait3A_54 = tpu.memref_squeeze %dma_wait3A_53 : memref<1x128xi32, #tpu.memory_space<vmem>> -> memref<128xi32, #tpu.memory_space<vmem>>
      %dma_wait3A_55 = arith.constant 0 : i32
      %dma_wait3A_56 = arith.constant 0 : i32
      %dma_wait3A_57 = tpu.memref_slice %arg7[%dma_wait3A_55, %dma_wait3A_56] : memref<10016x64xf32, #tpu.memory_space<vmem_shared>> -> memref<10016x64xf32, #tpu.memory_space<vmem_shared>>
      tpu.wait_indirect_dma semaphore(%run_scoped3A_45 : memref<!tpu.dma_semaphore, #tpu.memory_space<semaphore_mem>>) src(%arg10 : memref<128x64xf32, #tpu.memory_space<vmem>>) dst(%dma_wait3A_57 : memref<10016x64xf32, #tpu.memory_space<vmem_shared>>)
      tpu.yield
    }) : () -> ()
    %dma_wait3A_31 = arith.constant 79 : i32
    %dma_wait3A_32 = arith.constant 0 : i32
    %dma_wait3A_33 = tpu.memref_slice %arg8[%dma_wait3A_31, %dma_wait3A_32] : memref<80x128xi32, #tpu.memory_space<vmem>> -> memref<1x128xi32, #tpu.memory_space<vmem>>
    %dma_wait3A_34 = tpu.memref_squeeze %dma_wait3A_33 : memref<1x128xi32, #tpu.memory_space<vmem>> -> memref<128xi32, #tpu.memory_space<vmem>>
    %dma_wait3A_35 = arith.constant 0 : i32
    %dma_wait3A_36 = arith.constant 0 : i32
    %dma_wait3A_37 = tpu.memref_slice %arg2[%dma_wait3A_35, %dma_wait3A_36] : memref<10000x64xf32, #tpu.memory_space<hbm>> -> memref<10000x64xf32, #tpu.memory_space<hbm>>
    tpu.wait_indirect_dma semaphore(%arg13 : memref<!tpu.dma_semaphore, #tpu.memory_space<semaphore_mem>>) src(%dma_wait3A_37 : memref<10000x64xf32, #tpu.memory_space<hbm>>) dst(%arg11 : memref<128x64xf32, #tpu.memory_space<vmem>>)
    %run_scoped3A_38 = arith.constant 79 : i32
    "tpu.region"() ({
      %run_scoped3A_45 = tpu.sem_alloc : memref<!tpu.dma_semaphore, #tpu.memory_space<semaphore_mem>>
      %dma_start3A_46 = arith.constant 0 : i32
      %dma_start3A_47 = tpu.memref_slice %arg9[%run_scoped3A_38, %dma_start3A_46] : memref<80x128xi32, #tpu.memory_space<vmem>> -> memref<1x128xi32, #tpu.memory_space<vmem>>
      %dma_start3A_48 = tpu.memref_squeeze %dma_start3A_47 : memref<1x128xi32, #tpu.memory_space<vmem>> -> memref<128xi32, #tpu.memory_space<vmem>>
      %dma_start3A_49 = arith.constant 0 : i32
      %dma_start3A_50 = arith.constant 0 : i32
      %dma_start3A_51 = tpu.memref_slice %arg7[%dma_start3A_49, %dma_start3A_50] : memref<10016x64xf32, #tpu.memory_space<vmem_shared>> -> memref<10016x64xf32, #tpu.memory_space<vmem_shared>>
      tpu.enqueue_indirect_dma source(%arg11 : memref<128x64xf32, #tpu.memory_space<vmem>>) target(%dma_start3A_51 : memref<10016x64xf32, #tpu.memory_space<vmem_shared>>) offsets(%dma_start3A_48 : memref<128xi32, #tpu.memory_space<vmem>>) semaphore(%run_scoped3A_45 : memref<!tpu.dma_semaphore, #tpu.memory_space<semaphore_mem>>) {add = true}
      %dma_wait3A_52 = arith.constant 0 : i32
      %dma_wait3A_53 = tpu.memref_slice %arg9[%run_scoped3A_38, %dma_wait3A_52] : memref<80x128xi32, #tpu.memory_space<vmem>> -> memref<1x128xi32, #tpu.memory_space<vmem>>
      %dma_wait3A_54 = tpu.memref_squeeze %dma_wait3A_53 : memref<1x128xi32, #tpu.memory_space<vmem>> -> memref<128xi32, #tpu.memory_space<vmem>>
      %dma_wait3A_55 = arith.constant 0 : i32
      %dma_wait3A_56 = arith.constant 0 : i32
      %dma_wait3A_57 = tpu.memref_slice %arg7[%dma_wait3A_55, %dma_wait3A_56] : memref<10016x64xf32, #tpu.memory_space<vmem_shared>> -> memref<10016x64xf32, #tpu.memory_space<vmem_shared>>
      tpu.wait_indirect_dma semaphore(%run_scoped3A_45 : memref<!tpu.dma_semaphore, #tpu.memory_space<semaphore_mem>>) src(%arg11 : memref<128x64xf32, #tpu.memory_space<vmem>>) dst(%dma_wait3A_57 : memref<10016x64xf32, #tpu.memory_space<vmem_shared>>)
      tpu.yield
    }) : () -> ()
    %barrier3A_39 = arith.constant 0 : index
    tpu.barrier barrier_id(%barrier3A_39)
    "tpu.region"() ({
      %run_scoped3A_45 = tpu.sem_alloc : memref<!tpu.dma_semaphore, #tpu.memory_space<semaphore_mem>>
      %dma_start3A_46 = arith.constant 0 : i32
      %dma_start3A_47 = arith.constant 0 : i32
      %dma_start3A_48 = tpu.memref_slice %arg6[%arg0, %dma_start3A_46, %dma_start3A_47] : memref<2x10000x64xf32, #tpu.memory_space<hbm>> -> memref<1x10000x64xf32, #tpu.memory_space<hbm>>
      %dma_start3A_49 = tpu.memref_squeeze %dma_start3A_48 : memref<1x10000x64xf32, #tpu.memory_space<hbm>> -> memref<10000x64xf32, #tpu.memory_space<hbm>>
      %dma_start3A_50 = arith.constant 0 : i32
      %dma_start3A_51 = tpu.memref_slice %dma_start3A_49[%mul3A_2, %dma_start3A_50] : memref<10000x64xf32, #tpu.memory_space<hbm>> -> memref<624x64xf32, #tpu.memory_space<hbm>>
      %dma_start3A_52 = arith.constant 0 : i32
      %dma_start3A_53 = tpu.memref_slice %arg7[%mul3A_2, %dma_start3A_52] : memref<10016x64xf32, #tpu.memory_space<vmem_shared>> -> memref<624x64xf32, #tpu.memory_space<vmem_shared>>
      tpu.enqueue_dma source(%dma_start3A_53 : memref<624x64xf32, #tpu.memory_space<vmem_shared>>) target(%dma_start3A_51 : memref<624x64xf32, #tpu.memory_space<hbm>>) target_semaphore(%run_scoped3A_45 : memref<!tpu.dma_semaphore, #tpu.memory_space<semaphore_mem>>)
      %dma_wait3A_54 = arith.constant 0 : i32
      %dma_wait3A_55 = arith.constant 0 : i32
      %dma_wait3A_56 = tpu.memref_slice %arg6[%arg0, %dma_wait3A_54, %dma_wait3A_55] : memref<2x10000x64xf32, #tpu.memory_space<hbm>> -> memref<1x10000x64xf32, #tpu.memory_space<hbm>>
      %dma_wait3A_57 = tpu.memref_squeeze %dma_wait3A_56 : memref<1x10000x64xf32, #tpu.memory_space<hbm>> -> memref<10000x64xf32, #tpu.memory_space<hbm>>
      %dma_wait3A_58 = arith.constant 0 : i32
      %dma_wait3A_59 = tpu.memref_slice %dma_wait3A_57[%mul3A_2, %dma_wait3A_58] : memref<10000x64xf32, #tpu.memory_space<hbm>> -> memref<624x64xf32, #tpu.memory_space<hbm>>
      %dma_wait3A_60 = arith.constant 0 : i32
      %dma_wait3A_61 = tpu.memref_slice %arg7[%mul3A_2, %dma_wait3A_60] : memref<10016x64xf32, #tpu.memory_space<vmem_shared>> -> memref<624x64xf32, #tpu.memory_space<vmem_shared>>
      tpu.wait_dma2 semaphore(%run_scoped3A_45 : memref<!tpu.dma_semaphore, #tpu.memory_space<semaphore_mem>>) src(%dma_wait3A_61 : memref<624x64xf32, #tpu.memory_space<vmem_shared>>) dst(%dma_wait3A_59 : memref<624x64xf32, #tpu.memory_space<hbm>>)
      tpu.yield
    }) : () -> ()
    %eq3A_40 = arith.constant 15 : i32
    %eq3A_41 = arith.cmpi eq, %arg1, %eq3A_40 : i32
    %convert_element_type3A_42 = arith.extui %eq3A_41 : i1 to i32
    %cond3A_43 = arith.constant 0 : i32
    %cond3A_44 = arith.cmpi ne, %convert_element_type3A_42, %cond3A_43 : i32
    scf.if %cond3A_44 {
      "tpu.region"() ({
        %run_scoped3A_45 = tpu.sem_alloc : memref<!tpu.dma_semaphore, #tpu.memory_space<semaphore_mem>>
        %dma_start3A_46 = arith.constant 0 : i32
        %dma_start3A_47 = arith.constant 0 : i32
        %dma_start3A_48 = tpu.memref_slice %arg6[%arg0, %dma_start3A_46, %dma_start3A_47] : memref<2x10000x64xf32, #tpu.memory_space<hbm>> -> memref<1x10000x64xf32, #tpu.memory_space<hbm>>
        %dma_start3A_49 = tpu.memref_squeeze %dma_start3A_48 : memref<1x10000x64xf32, #tpu.memory_space<hbm>> -> memref<10000x64xf32, #tpu.memory_space<hbm>>
        %dma_start3A_50 = arith.constant 9984 : i32
        %dma_start3A_51 = arith.constant 0 : i32
        %dma_start3A_52 = tpu.memref_slice %dma_start3A_49[%dma_start3A_50, %dma_start3A_51] : memref<10000x64xf32, #tpu.memory_space<hbm>> -> memref<16x64xf32, #tpu.memory_space<hbm>>
        %dma_start3A_53 = arith.constant 9984 : i32
        %dma_start3A_54 = arith.constant 0 : i32
        %dma_start3A_55 = tpu.memref_slice %arg7[%dma_start3A_53, %dma_start3A_54] : memref<10016x64xf32, #tpu.memory_space<vmem_shared>> -> memref<16x64xf32, #tpu.memory_space<vmem_shared>>
        tpu.enqueue_dma source(%dma_start3A_55 : memref<16x64xf32, #tpu.memory_space<vmem_shared>>) target(%dma_start3A_52 : memref<16x64xf32, #tpu.memory_space<hbm>>) target_semaphore(%run_scoped3A_45 : memref<!tpu.dma_semaphore, #tpu.memory_space<semaphore_mem>>)
        %dma_wait3A_56 = arith.constant 0 : i32
        %dma_wait3A_57 = arith.constant 0 : i32
        %dma_wait3A_58 = tpu.memref_slice %arg6[%arg0, %dma_wait3A_56, %dma_wait3A_57] : memref<2x10000x64xf32, #tpu.memory_space<hbm>> -> memref<1x10000x64xf32, #tpu.memory_space<hbm>>
        %dma_wait3A_59 = tpu.memref_squeeze %dma_wait3A_58 : memref<1x10000x64xf32, #tpu.memory_space<hbm>> -> memref<10000x64xf32, #tpu.memory_space<hbm>>
        %dma_wait3A_60 = arith.constant 9984 : i32
        %dma_wait3A_61 = arith.constant 0 : i32
        %dma_wait3A_62 = tpu.memref_slice %dma_wait3A_59[%dma_wait3A_60, %dma_wait3A_61] : memref<10000x64xf32, #tpu.memory_space<hbm>> -> memref<16x64xf32, #tpu.memory_space<hbm>>
        %dma_wait3A_63 = arith.constant 9984 : i32
        %dma_wait3A_64 = arith.constant 0 : i32
        %dma_wait3A_65 = tpu.memref_slice %arg7[%dma_wait3A_63, %dma_wait3A_64] : memref<10016x64xf32, #tpu.memory_space<vmem_shared>> -> memref<16x64xf32, #tpu.memory_space<vmem_shared>>
        tpu.wait_dma2 semaphore(%run_scoped3A_45 : memref<!tpu.dma_semaphore, #tpu.memory_space<semaphore_mem>>) src(%dma_wait3A_65 : memref<16x64xf32, #tpu.memory_space<vmem_shared>>) dst(%dma_wait3A_62 : memref<16x64xf32, #tpu.memory_space<hbm>>)
        tpu.yield
      }) : () -> ()
    } else {
    }
    return
  }
}

module attributes {stable_mosaic.version = 14 : i64} {
  func.func @_tc1_body(%arg0: i32, %arg1: memref<1000x128xf32, #tpu.memory_space<vmem>>, %arg2: memref<128x64xf32, #tpu.memory_space<vmem>>, %arg3: memref<128x64xf32, #tpu.memory_space<vmem>>, %arg4: memref<1000x64xf32, #tpu.memory_space<vmem>>, %arg5: memref<1000x64xf32, #tpu.memory_space<vmem>>) attributes {dimension_semantics = [#tpu.dimension_semantics<arbitrary>], iteration_bounds = array<i64: 10>, scalar_prefetch = 0 : i64, scratch_operands = 0 : i64, tpu.core_type = #tpu.core_type<tc>, window_params = [{transform_indices = @transform_0, window_bounds = array<i64: 1000, 128>}, {pipeline_mode = #tpu.pipeline_mode<synchronous>, transform_indices = @transform_1, window_bounds = array<i64: 128, 64>}, {pipeline_mode = #tpu.pipeline_mode<synchronous>, transform_indices = @transform_2, window_bounds = array<i64: 128, 64>}, {transform_indices = @transform_3, window_bounds = array<i64: 1000, 64>}, {transform_indices = @transform_4, window_bounds = array<i64: 1000, 64>}]} {
    %get3A = arith.constant 0 : index
    %get3A_0 = arith.constant 0 : index
    %get3A_1 = vector.load %arg1[%get3A, %get3A_0] : memref<1000x128xf32, #tpu.memory_space<vmem>>, vector<1000x128xf32>
    %get3A_2 = arith.constant 0 : index
    %get3A_3 = arith.constant 0 : index
    %get3A_4 = vector.load %arg2[%get3A_2, %get3A_3] : memref<128x64xf32, #tpu.memory_space<vmem>>, vector<128x64xf32>
    %dot_general3A = arith.constant dense<0.000000e+00> : vector<1000x64xf32>
    %dot_general3A_5 = tpu.matmul %get3A_1, %get3A_4, %dot_general3A {dimension_numbers = #tpu.dot_dimension_numbers<[1], [0], [0], [1], [0, 0, 1, 1], [], []>, transpose_lhs_hint = false} : vector<1000x128xf32>, vector<128x64xf32>, vector<1000x64xf32> -> vector<1000x64xf32>
    %swap3A = arith.constant 0 : index
    %swap3A_6 = arith.constant 0 : index
    %swap3A_7 = vector.load %arg4[%swap3A, %swap3A_6] : memref<1000x64xf32, #tpu.memory_space<vmem>>, vector<1000x64xf32>
    tpu.vector_store %arg4[%swap3A, %swap3A_6], %dot_general3A_5 {strides = array<i32>} : memref<1000x64xf32, #tpu.memory_space<vmem>>, vector<1000x64xf32>,
    %get3A_8 = arith.constant 0 : index
    %get3A_9 = arith.constant 0 : index
    %get3A_10 = vector.load %arg3[%get3A_8, %get3A_9] : memref<128x64xf32, #tpu.memory_space<vmem>>, vector<128x64xf32>
    %dot_general3A_11 = arith.constant dense<0.000000e+00> : vector<1000x64xf32>
    %dot_general3A_12 = tpu.matmul %get3A_1, %get3A_10, %dot_general3A_11 {dimension_numbers = #tpu.dot_dimension_numbers<[1], [0], [0], [1], [0, 0, 1, 1], [], []>, transpose_lhs_hint = false} : vector<1000x128xf32>, vector<128x64xf32>, vector<1000x64xf32> -> vector<1000x64xf32>
    %swap3A_13 = arith.constant 0 : index
    %swap3A_14 = arith.constant 0 : index
    %swap3A_15 = vector.load %arg5[%swap3A_13, %swap3A_14] : memref<1000x64xf32, #tpu.memory_space<vmem>>, vector<1000x64xf32>
    tpu.vector_store %arg5[%swap3A_13, %swap3A_14], %dot_general3A_12 {strides = array<i32>} : memref<1000x64xf32, #tpu.memory_space<vmem>>, vector<1000x64xf32>,
    return
  }
  func.func @transform_0(%arg0: i32) -> (i32, i32) {
    %c0_i32 = arith.constant 0 : i32
    %c0_i32_0 = arith.constant 0 : i32
    return %arg0, %c0_i32 : i32, i32
  }
  func.func @transform_1(%arg0: i32) -> (i32, i32) {
    %c0_i32 = arith.constant 0 : i32
    %c0_i32_0 = arith.constant 0 : i32
    %c0_i32_1 = arith.constant 0 : i32
    return %c0_i32, %c0_i32_0 : i32, i32
  }
  func.func @transform_2(%arg0: i32) -> (i32, i32) {
    %c0_i32 = arith.constant 0 : i32
    %c0_i32_0 = arith.constant 0 : i32
    %c0_i32_1 = arith.constant 0 : i32
    return %c0_i32, %c0_i32_0 : i32, i32
  }
  func.func @transform_3(%arg0: i32) -> (i32, i32) {
    %c0_i32 = arith.constant 0 : i32
    %c0_i32_0 = arith.constant 0 : i32
    return %arg0, %c0_i32 : i32, i32
  }
  func.func @transform_4(%arg0: i32) -> (i32, i32) {
    %c0_i32 = arith.constant 0 : i32
    %c0_i32_0 = arith.constant 0 : i32
    return %arg0, %c0_i32 : i32, i32
  }
}

module attributes {stable_mosaic.version = 14 : i64} {
  func.func @_tc2_body(%arg0: i32, %arg1: memref<2x1000x64xf32, #tpu.memory_space<vmem>>, %arg2: memref<2x1000x16xf32, #tpu.memory_space<vmem>>, %arg3: memref<1000x64xf32, #tpu.memory_space<vmem>>, %arg4: memref<1x64xf32, #tpu.memory_space<vmem>>, %arg5: memref<1000x64xf32, #tpu.memory_space<vmem>>) attributes {dimension_semantics = [#tpu.dimension_semantics<arbitrary>], iteration_bounds = array<i64: 10>, scalar_prefetch = 0 : i64, scratch_operands = 0 : i64, tpu.core_type = #tpu.core_type<tc>, window_params = [{transform_indices = @transform_0, window_bounds = array<i64: 2, 1000, 64>}, {transform_indices = @transform_1, window_bounds = array<i64: 2, 1000, 16>}, {transform_indices = @transform_2, window_bounds = array<i64: 1000, 64>}, {pipeline_mode = #tpu.pipeline_mode<synchronous>, transform_indices = @transform_3, window_bounds = array<i64: 1, 64>}, {transform_indices = @transform_4, window_bounds = array<i64: 1000, 64>}]} {
    %get3A = arith.constant 0 : index
    %get3A_0 = arith.constant 0 : index
    %get3A_1 = arith.constant 0 : index
    %get3A_2 = vector.load %arg1[%get3A, %get3A_0, %get3A_1] : memref<2x1000x64xf32, #tpu.memory_space<vmem>>, vector<2x1000x64xf32>
    %get3A_3 = arith.constant 0 : index
    %get3A_4 = arith.constant 0 : index
    %get3A_5 = arith.constant 0 : index
    %get3A_6 = vector.load %arg2[%get3A_3, %get3A_4, %get3A_5] : memref<2x1000x16xf32, #tpu.memory_space<vmem>>, vector<2x1000x16xf32>
    %slice3A = vector.extract_strided_slice %get3A_6 {offsets = [0, 0, 0], sizes = [1, 1000, 16], strides = [1, 1, 1]} : vector<2x1000x16xf32> to vector<1x1000x16xf32>
    %squeeze3A = vector.shape_cast %slice3A : vector<1x1000x16xf32> to vector<1000x16xf32>
    %slice3A_7 = vector.extract_strided_slice %get3A_6 {offsets = [1, 0, 0], sizes = [1, 1000, 16], strides = [1, 1, 1]} : vector<2x1000x16xf32> to vector<1x1000x16xf32>
    %squeeze3A_8 = vector.shape_cast %slice3A_7 : vector<1x1000x16xf32> to vector<1000x16xf32>
    %add3A = arith.addf %squeeze3A, %squeeze3A_8 : vector<1000x16xf32>
    %slice3A_9 = vector.extract_strided_slice %add3A {offsets = [0, 0], sizes = [1000, 1], strides = [1, 1]} : vector<1000x16xf32> to vector<1000x1xf32>
    %max3A = arith.constant 1.000000e+00 : f32
    %max3A_10 = vector.broadcast %max3A : f32 to vector<1000x1xf32>
    %max3A_11 = arith.maximumf %slice3A_9, %max3A_10 : vector<1000x1xf32>
    %div3A = arith.constant 1.000000e+00 : f32
    %div3A_12 = vector.broadcast %div3A : f32 to vector<1000x1xf32>
    %div3A_13 = arith.divf %div3A_12, %max3A_11 : vector<1000x1xf32>
    %slice3A_14 = vector.extract_strided_slice %get3A_2 {offsets = [0, 0, 0], sizes = [1, 1000, 64], strides = [1, 1, 1]} : vector<2x1000x64xf32> to vector<1x1000x64xf32>
    %squeeze3A_15 = vector.shape_cast %slice3A_14 : vector<1x1000x64xf32> to vector<1000x64xf32>
    %slice3A_16 = vector.extract_strided_slice %get3A_2 {offsets = [1, 0, 0], sizes = [1, 1000, 64], strides = [1, 1, 1]} : vector<2x1000x64xf32> to vector<1x1000x64xf32>
    %squeeze3A_17 = vector.shape_cast %slice3A_16 : vector<1x1000x64xf32> to vector<1000x64xf32>
    %add3A_18 = arith.addf %squeeze3A_15, %squeeze3A_17 : vector<1000x64xf32>
    %mul3A = vector.broadcast %div3A_13 : vector<1000x1xf32> to vector<1000x64xf32>
    %mul3A_19 = arith.mulf %add3A_18, %mul3A : vector<1000x64xf32>
    %get3A_20 = arith.constant 0 : index
    %get3A_21 = arith.constant 0 : index
    %get3A_22 = vector.load %arg3[%get3A_20, %get3A_21] : memref<1000x64xf32, #tpu.memory_space<vmem>>, vector<1000x64xf32>
    %add3A_23 = arith.addf %mul3A_19, %get3A_22 : vector<1000x64xf32>
    %get3A_24 = arith.constant 0 : index
    %get3A_25 = arith.constant 0 : index
    %get3A_26 = vector.load %arg4[%get3A_24, %get3A_25] : memref<1x64xf32, #tpu.memory_space<vmem>>, vector<1x64xf32>
    %add3A_27 = vector.broadcast %get3A_26 : vector<1x64xf32> to vector<1000x64xf32>
    %add3A_28 = arith.addf %add3A_23, %add3A_27 : vector<1000x64xf32>
    %max3A_29 = arith.constant 0.000000e+00 : f32
    %max3A_30 = vector.broadcast %max3A_29 : f32 to vector<1000x64xf32>
    %max3A_31 = arith.maximumf %add3A_28, %max3A_30 : vector<1000x64xf32>
    %swap3A = arith.constant 0 : index
    %swap3A_32 = arith.constant 0 : index
    %swap3A_33 = vector.load %arg5[%swap3A, %swap3A_32] : memref<1000x64xf32, #tpu.memory_space<vmem>>, vector<1000x64xf32>
    tpu.vector_store %arg5[%swap3A, %swap3A_32], %max3A_31 {strides = array<i32>} : memref<1000x64xf32, #tpu.memory_space<vmem>>, vector<1000x64xf32>,
    return
  }
  func.func @transform_0(%arg0: i32) -> (i32, i32, i32) {
    %c0_i32 = arith.constant 0 : i32
    %c0_i32_0 = arith.constant 0 : i32
    %c0_i32_1 = arith.constant 0 : i32
    return %c0_i32, %arg0, %c0_i32_0 : i32, i32, i32
  }
  func.func @transform_1(%arg0: i32) -> (i32, i32, i32) {
    %c0_i32 = arith.constant 0 : i32
    %c0_i32_0 = arith.constant 0 : i32
    %c0_i32_1 = arith.constant 0 : i32
    return %c0_i32, %arg0, %c0_i32_0 : i32, i32, i32
  }
  func.func @transform_2(%arg0: i32) -> (i32, i32) {
    %c0_i32 = arith.constant 0 : i32
    %c0_i32_0 = arith.constant 0 : i32
    return %arg0, %c0_i32 : i32, i32
  }
  func.func @transform_3(%arg0: i32) -> (i32, i32) {
    %c0_i32 = arith.constant 0 : i32
    %c0_i32_0 = arith.constant 0 : i32
    %c0_i32_1 = arith.constant 0 : i32
    return %c0_i32, %c0_i32_0 : i32, i32
  }
  func.func @transform_4(%arg0: i32) -> (i32, i32) {
    %c0_i32 = arith.constant 0 : i32
    %c0_i32_0 = arith.constant 0 : i32
    return %arg0, %c0_i32 : i32, i32
  }
}

module attributes {stable_mosaic.version = 14 : i64} {
  func.func @_tc3_body(%arg0: i32, %arg1: memref<2x1000x64xf32, #tpu.memory_space<vmem>>, %arg2: memref<2x1000x16xf32, #tpu.memory_space<vmem>>, %arg3: memref<1000x64xf32, #tpu.memory_space<vmem>>, %arg4: memref<64x128xf32, #tpu.memory_space<vmem>>, %arg5: memref<64x128xf32, #tpu.memory_space<vmem>>, %arg6: memref<1x128xf32, #tpu.memory_space<vmem>>, %arg7: memref<128x64xf32, #tpu.memory_space<vmem>>, %arg8: memref<128x64xf32, #tpu.memory_space<vmem>>, %arg9: memref<1000x64xf32, #tpu.memory_space<vmem>>, %arg10: memref<1000x64xf32, #tpu.memory_space<vmem>>) attributes {dimension_semantics = [#tpu.dimension_semantics<arbitrary>], iteration_bounds = array<i64: 10>, scalar_prefetch = 0 : i64, scratch_operands = 0 : i64, tpu.core_type = #tpu.core_type<tc>, window_params = [{transform_indices = @transform_0, window_bounds = array<i64: 2, 1000, 64>}, {transform_indices = @transform_1, window_bounds = array<i64: 2, 1000, 16>}, {transform_indices = @transform_2, window_bounds = array<i64: 1000, 64>}, {pipeline_mode = #tpu.pipeline_mode<synchronous>, transform_indices = @transform_3, window_bounds = array<i64: 64, 128>}, {pipeline_mode = #tpu.pipeline_mode<synchronous>, transform_indices = @transform_4, window_bounds = array<i64: 64, 128>}, {pipeline_mode = #tpu.pipeline_mode<synchronous>, transform_indices = @transform_5, window_bounds = array<i64: 1, 128>}, {pipeline_mode = #tpu.pipeline_mode<synchronous>, transform_indices = @transform_6, window_bounds = array<i64: 128, 64>}, {pipeline_mode = #tpu.pipeline_mode<synchronous>, transform_indices = @transform_7, window_bounds = array<i64: 128, 64>}, {transform_indices = @transform_8, window_bounds = array<i64: 1000, 64>}, {transform_indices = @transform_9, window_bounds = array<i64: 1000, 64>}]} {
    %get3A = arith.constant 0 : index
    %get3A_0 = arith.constant 0 : index
    %get3A_1 = arith.constant 0 : index
    %get3A_2 = vector.load %arg1[%get3A, %get3A_0, %get3A_1] : memref<2x1000x64xf32, #tpu.memory_space<vmem>>, vector<2x1000x64xf32>
    %get3A_3 = arith.constant 0 : index
    %get3A_4 = arith.constant 0 : index
    %get3A_5 = arith.constant 0 : index
    %get3A_6 = vector.load %arg2[%get3A_3, %get3A_4, %get3A_5] : memref<2x1000x16xf32, #tpu.memory_space<vmem>>, vector<2x1000x16xf32>
    %slice3A = vector.extract_strided_slice %get3A_6 {offsets = [0, 0, 0], sizes = [1, 1000, 16], strides = [1, 1, 1]} : vector<2x1000x16xf32> to vector<1x1000x16xf32>
    %squeeze3A = vector.shape_cast %slice3A : vector<1x1000x16xf32> to vector<1000x16xf32>
    %slice3A_7 = vector.extract_strided_slice %get3A_6 {offsets = [1, 0, 0], sizes = [1, 1000, 16], strides = [1, 1, 1]} : vector<2x1000x16xf32> to vector<1x1000x16xf32>
    %squeeze3A_8 = vector.shape_cast %slice3A_7 : vector<1x1000x16xf32> to vector<1000x16xf32>
    %add3A = arith.addf %squeeze3A, %squeeze3A_8 : vector<1000x16xf32>
    %slice3A_9 = vector.extract_strided_slice %add3A {offsets = [0, 0], sizes = [1000, 1], strides = [1, 1]} : vector<1000x16xf32> to vector<1000x1xf32>
    %max3A = arith.constant 1.000000e+00 : f32
    %max3A_10 = vector.broadcast %max3A : f32 to vector<1000x1xf32>
    %max3A_11 = arith.maximumf %slice3A_9, %max3A_10 : vector<1000x1xf32>
    %div3A = arith.constant 1.000000e+00 : f32
    %div3A_12 = vector.broadcast %div3A : f32 to vector<1000x1xf32>
    %div3A_13 = arith.divf %div3A_12, %max3A_11 : vector<1000x1xf32>
    %slice3A_14 = vector.extract_strided_slice %get3A_2 {offsets = [0, 0, 0], sizes = [1, 1000, 64], strides = [1, 1, 1]} : vector<2x1000x64xf32> to vector<1x1000x64xf32>
    %squeeze3A_15 = vector.shape_cast %slice3A_14 : vector<1x1000x64xf32> to vector<1000x64xf32>
    %slice3A_16 = vector.extract_strided_slice %get3A_2 {offsets = [1, 0, 0], sizes = [1, 1000, 64], strides = [1, 1, 1]} : vector<2x1000x64xf32> to vector<1x1000x64xf32>
    %squeeze3A_17 = vector.shape_cast %slice3A_16 : vector<1x1000x64xf32> to vector<1000x64xf32>
    %add3A_18 = arith.addf %squeeze3A_15, %squeeze3A_17 : vector<1000x64xf32>
    %mul3A = vector.broadcast %div3A_13 : vector<1000x1xf32> to vector<1000x64xf32>
    %mul3A_19 = arith.mulf %add3A_18, %mul3A : vector<1000x64xf32>
    %get3A_20 = arith.constant 0 : index
    %get3A_21 = arith.constant 0 : index
    %get3A_22 = vector.load %arg4[%get3A_20, %get3A_21] : memref<64x128xf32, #tpu.memory_space<vmem>>, vector<64x128xf32>
    %dot_general3A = arith.constant dense<0.000000e+00> : vector<1000x128xf32>
    %dot_general3A_23 = tpu.matmul %mul3A_19, %get3A_22, %dot_general3A {dimension_numbers = #tpu.dot_dimension_numbers<[1], [0], [0], [1], [0, 0, 1, 1], [], []>, transpose_lhs_hint = false} : vector<1000x64xf32>, vector<64x128xf32>, vector<1000x128xf32> -> vector<1000x128xf32>
    %get3A_24 = arith.constant 0 : index
    %get3A_25 = arith.constant 0 : index
    %get3A_26 = vector.load %arg3[%get3A_24, %get3A_25] : memref<1000x64xf32, #tpu.memory_space<vmem>>, vector<1000x64xf32>
    %get3A_27 = arith.constant 0 : index
    %get3A_28 = arith.constant 0 : index
    %get3A_29 = vector.load %arg5[%get3A_27, %get3A_28] : memref<64x128xf32, #tpu.memory_space<vmem>>, vector<64x128xf32>
    %dot_general3A_30 = arith.constant dense<0.000000e+00> : vector<1000x128xf32>
    %dot_general3A_31 = tpu.matmul %get3A_26, %get3A_29, %dot_general3A_30 {dimension_numbers = #tpu.dot_dimension_numbers<[1], [0], [0], [1], [0, 0, 1, 1], [], []>, transpose_lhs_hint = false} : vector<1000x64xf32>, vector<64x128xf32>, vector<1000x128xf32> -> vector<1000x128xf32>
    %add3A_32 = arith.addf %dot_general3A_23, %dot_general3A_31 : vector<1000x128xf32>
    %get3A_33 = arith.constant 0 : index
    %get3A_34 = arith.constant 0 : index
    %get3A_35 = vector.load %arg6[%get3A_33, %get3A_34] : memref<1x128xf32, #tpu.memory_space<vmem>>, vector<1x128xf32>
    %add3A_36 = vector.broadcast %get3A_35 : vector<1x128xf32> to vector<1000x128xf32>
    %add3A_37 = arith.addf %add3A_32, %add3A_36 : vector<1000x128xf32>
    %max3A_38 = arith.constant 0.000000e+00 : f32
    %max3A_39 = vector.broadcast %max3A_38 : f32 to vector<1000x128xf32>
    %max3A_40 = arith.maximumf %add3A_37, %max3A_39 : vector<1000x128xf32>
    %get3A_41 = arith.constant 0 : index
    %get3A_42 = arith.constant 0 : index
    %get3A_43 = vector.load %arg7[%get3A_41, %get3A_42] : memref<128x64xf32, #tpu.memory_space<vmem>>, vector<128x64xf32>
    %dot_general3A_44 = arith.constant dense<0.000000e+00> : vector<1000x64xf32>
    %dot_general3A_45 = tpu.matmul %max3A_40, %get3A_43, %dot_general3A_44 {dimension_numbers = #tpu.dot_dimension_numbers<[1], [0], [0], [1], [0, 0, 1, 1], [], []>, transpose_lhs_hint = false} : vector<1000x128xf32>, vector<128x64xf32>, vector<1000x64xf32> -> vector<1000x64xf32>
    %swap3A = arith.constant 0 : index
    %swap3A_46 = arith.constant 0 : index
    %swap3A_47 = vector.load %arg9[%swap3A, %swap3A_46] : memref<1000x64xf32, #tpu.memory_space<vmem>>, vector<1000x64xf32>
    tpu.vector_store %arg9[%swap3A, %swap3A_46], %dot_general3A_45 {strides = array<i32>} : memref<1000x64xf32, #tpu.memory_space<vmem>>, vector<1000x64xf32>,
    %get3A_48 = arith.constant 0 : index
    %get3A_49 = arith.constant 0 : index
    %get3A_50 = vector.load %arg8[%get3A_48, %get3A_49] : memref<128x64xf32, #tpu.memory_space<vmem>>, vector<128x64xf32>
    %dot_general3A_51 = arith.constant dense<0.000000e+00> : vector<1000x64xf32>
    %dot_general3A_52 = tpu.matmul %max3A_40, %get3A_50, %dot_general3A_51 {dimension_numbers = #tpu.dot_dimension_numbers<[1], [0], [0], [1], [0, 0, 1, 1], [], []>, transpose_lhs_hint = false} : vector<1000x128xf32>, vector<128x64xf32>, vector<1000x64xf32> -> vector<1000x64xf32>
    %swap3A_53 = arith.constant 0 : index
    %swap3A_54 = arith.constant 0 : index
    %swap3A_55 = vector.load %arg10[%swap3A_53, %swap3A_54] : memref<1000x64xf32, #tpu.memory_space<vmem>>, vector<1000x64xf32>
    tpu.vector_store %arg10[%swap3A_53, %swap3A_54], %dot_general3A_52 {strides = array<i32>} : memref<1000x64xf32, #tpu.memory_space<vmem>>, vector<1000x64xf32>,
    return
  }
  func.func @transform_0(%arg0: i32) -> (i32, i32, i32) {
    %c0_i32 = arith.constant 0 : i32
    %c0_i32_0 = arith.constant 0 : i32
    %c0_i32_1 = arith.constant 0 : i32
    return %c0_i32, %arg0, %c0_i32_0 : i32, i32, i32
  }
  func.func @transform_1(%arg0: i32) -> (i32, i32, i32) {
    %c0_i32 = arith.constant 0 : i32
    %c0_i32_0 = arith.constant 0 : i32
    %c0_i32_1 = arith.constant 0 : i32
    return %c0_i32, %arg0, %c0_i32_0 : i32, i32, i32
  }
  func.func @transform_2(%arg0: i32) -> (i32, i32) {
    %c0_i32 = arith.constant 0 : i32
    %c0_i32_0 = arith.constant 0 : i32
    return %arg0, %c0_i32 : i32, i32
  }
  func.func @transform_3(%arg0: i32) -> (i32, i32) {
    %c0_i32 = arith.constant 0 : i32
    %c0_i32_0 = arith.constant 0 : i32
    %c0_i32_1 = arith.constant 0 : i32
    return %c0_i32, %c0_i32_0 : i32, i32
  }
  func.func @transform_4(%arg0: i32) -> (i32, i32) {
    %c0_i32 = arith.constant 0 : i32
    %c0_i32_0 = arith.constant 0 : i32
    %c0_i32_1 = arith.constant 0 : i32
    return %c0_i32, %c0_i32_0 : i32, i32
  }
  func.func @transform_5(%arg0: i32) -> (i32, i32) {
    %c0_i32 = arith.constant 0 : i32
    %c0_i32_0 = arith.constant 0 : i32
    %c0_i32_1 = arith.constant 0 : i32
    return %c0_i32, %c0_i32_0 : i32, i32
  }
  func.func @transform_6(%arg0: i32) -> (i32, i32) {
    %c0_i32 = arith.constant 0 : i32
    %c0_i32_0 = arith.constant 0 : i32
    %c0_i32_1 = arith.constant 0 : i32
    return %c0_i32, %c0_i32_0 : i32, i32
  }
  func.func @transform_7(%arg0: i32) -> (i32, i32) {
    %c0_i32 = arith.constant 0 : i32
    %c0_i32_0 = arith.constant 0 : i32
    %c0_i32_1 = arith.constant 0 : i32
    return %c0_i32, %c0_i32_0 : i32, i32
  }
  func.func @transform_8(%arg0: i32) -> (i32, i32) {
    %c0_i32 = arith.constant 0 : i32
    %c0_i32_0 = arith.constant 0 : i32
    return %arg0, %c0_i32 : i32, i32
  }
  func.func @transform_9(%arg0: i32) -> (i32, i32) {
    %c0_i32 = arith.constant 0 : i32
    %c0_i32_0 = arith.constant 0 : i32
    return %arg0, %c0_i32 : i32, i32
  }
}

module attributes {stable_mosaic.version = 14 : i64} {
  func.func @_tc4_body(%arg0: i32, %arg1: memref<2x1000x64xf32, #tpu.memory_space<vmem>>, %arg2: memref<2x1000x16xf32, #tpu.memory_space<vmem>>, %arg3: memref<1000x64xf32, #tpu.memory_space<vmem>>, %arg4: memref<1x64xf32, #tpu.memory_space<vmem>>, %arg5: memref<64x128xf32, #tpu.memory_space<vmem>>, %arg6: memref<1x128xf32, #tpu.memory_space<vmem>>, %arg7: memref<1000x128xf32, #tpu.memory_space<vmem>>) attributes {dimension_semantics = [#tpu.dimension_semantics<arbitrary>], iteration_bounds = array<i64: 10>, scalar_prefetch = 0 : i64, scratch_operands = 0 : i64, tpu.core_type = #tpu.core_type<tc>, window_params = [{transform_indices = @transform_0, window_bounds = array<i64: 2, 1000, 64>}, {transform_indices = @transform_1, window_bounds = array<i64: 2, 1000, 16>}, {transform_indices = @transform_2, window_bounds = array<i64: 1000, 64>}, {pipeline_mode = #tpu.pipeline_mode<synchronous>, transform_indices = @transform_3, window_bounds = array<i64: 1, 64>}, {pipeline_mode = #tpu.pipeline_mode<synchronous>, transform_indices = @transform_4, window_bounds = array<i64: 64, 128>}, {pipeline_mode = #tpu.pipeline_mode<synchronous>, transform_indices = @transform_5, window_bounds = array<i64: 1, 128>}, {transform_indices = @transform_6, window_bounds = array<i64: 1000, 128>}]} {
    %get3A = arith.constant 0 : index
    %get3A_0 = arith.constant 0 : index
    %get3A_1 = arith.constant 0 : index
    %get3A_2 = vector.load %arg1[%get3A, %get3A_0, %get3A_1] : memref<2x1000x64xf32, #tpu.memory_space<vmem>>, vector<2x1000x64xf32>
    %get3A_3 = arith.constant 0 : index
    %get3A_4 = arith.constant 0 : index
    %get3A_5 = arith.constant 0 : index
    %get3A_6 = vector.load %arg2[%get3A_3, %get3A_4, %get3A_5] : memref<2x1000x16xf32, #tpu.memory_space<vmem>>, vector<2x1000x16xf32>
    %slice3A = vector.extract_strided_slice %get3A_6 {offsets = [0, 0, 0], sizes = [1, 1000, 16], strides = [1, 1, 1]} : vector<2x1000x16xf32> to vector<1x1000x16xf32>
    %squeeze3A = vector.shape_cast %slice3A : vector<1x1000x16xf32> to vector<1000x16xf32>
    %slice3A_7 = vector.extract_strided_slice %get3A_6 {offsets = [1, 0, 0], sizes = [1, 1000, 16], strides = [1, 1, 1]} : vector<2x1000x16xf32> to vector<1x1000x16xf32>
    %squeeze3A_8 = vector.shape_cast %slice3A_7 : vector<1x1000x16xf32> to vector<1000x16xf32>
    %add3A = arith.addf %squeeze3A, %squeeze3A_8 : vector<1000x16xf32>
    %slice3A_9 = vector.extract_strided_slice %add3A {offsets = [0, 0], sizes = [1000, 1], strides = [1, 1]} : vector<1000x16xf32> to vector<1000x1xf32>
    %max3A = arith.constant 1.000000e+00 : f32
    %max3A_10 = vector.broadcast %max3A : f32 to vector<1000x1xf32>
    %max3A_11 = arith.maximumf %slice3A_9, %max3A_10 : vector<1000x1xf32>
    %div3A = arith.constant 1.000000e+00 : f32
    %div3A_12 = vector.broadcast %div3A : f32 to vector<1000x1xf32>
    %div3A_13 = arith.divf %div3A_12, %max3A_11 : vector<1000x1xf32>
    %slice3A_14 = vector.extract_strided_slice %get3A_2 {offsets = [0, 0, 0], sizes = [1, 1000, 64], strides = [1, 1, 1]} : vector<2x1000x64xf32> to vector<1x1000x64xf32>
    %squeeze3A_15 = vector.shape_cast %slice3A_14 : vector<1x1000x64xf32> to vector<1000x64xf32>
    %slice3A_16 = vector.extract_strided_slice %get3A_2 {offsets = [1, 0, 0], sizes = [1, 1000, 64], strides = [1, 1, 1]} : vector<2x1000x64xf32> to vector<1x1000x64xf32>
    %squeeze3A_17 = vector.shape_cast %slice3A_16 : vector<1x1000x64xf32> to vector<1000x64xf32>
    %add3A_18 = arith.addf %squeeze3A_15, %squeeze3A_17 : vector<1000x64xf32>
    %mul3A = vector.broadcast %div3A_13 : vector<1000x1xf32> to vector<1000x64xf32>
    %mul3A_19 = arith.mulf %add3A_18, %mul3A : vector<1000x64xf32>
    %get3A_20 = arith.constant 0 : index
    %get3A_21 = arith.constant 0 : index
    %get3A_22 = vector.load %arg3[%get3A_20, %get3A_21] : memref<1000x64xf32, #tpu.memory_space<vmem>>, vector<1000x64xf32>
    %add3A_23 = arith.addf %mul3A_19, %get3A_22 : vector<1000x64xf32>
    %get3A_24 = arith.constant 0 : index
    %get3A_25 = arith.constant 0 : index
    %get3A_26 = vector.load %arg4[%get3A_24, %get3A_25] : memref<1x64xf32, #tpu.memory_space<vmem>>, vector<1x64xf32>
    %add3A_27 = vector.broadcast %get3A_26 : vector<1x64xf32> to vector<1000x64xf32>
    %add3A_28 = arith.addf %add3A_23, %add3A_27 : vector<1000x64xf32>
    %max3A_29 = arith.constant 0.000000e+00 : f32
    %max3A_30 = vector.broadcast %max3A_29 : f32 to vector<1000x64xf32>
    %max3A_31 = arith.maximumf %add3A_28, %max3A_30 : vector<1000x64xf32>
    %get3A_32 = arith.constant 0 : index
    %get3A_33 = arith.constant 0 : index
    %get3A_34 = vector.load %arg5[%get3A_32, %get3A_33] : memref<64x128xf32, #tpu.memory_space<vmem>>, vector<64x128xf32>
    %dot_general3A = arith.constant dense<0.000000e+00> : vector<1000x128xf32>
    %dot_general3A_35 = tpu.matmul %max3A_31, %get3A_34, %dot_general3A {dimension_numbers = #tpu.dot_dimension_numbers<[1], [0], [0], [1], [0, 0, 1, 1], [], []>, transpose_lhs_hint = false} : vector<1000x64xf32>, vector<64x128xf32>, vector<1000x128xf32> -> vector<1000x128xf32>
    %get3A_36 = arith.constant 0 : index
    %get3A_37 = arith.constant 0 : index
    %get3A_38 = vector.load %arg6[%get3A_36, %get3A_37] : memref<1x128xf32, #tpu.memory_space<vmem>>, vector<1x128xf32>
    %add3A_39 = vector.broadcast %get3A_38 : vector<1x128xf32> to vector<1000x128xf32>
    %add3A_40 = arith.addf %dot_general3A_35, %add3A_39 : vector<1000x128xf32>
    %swap3A = arith.constant 0 : index
    %swap3A_41 = arith.constant 0 : index
    %swap3A_42 = vector.load %arg7[%swap3A, %swap3A_41] : memref<1000x128xf32, #tpu.memory_space<vmem>>, vector<1000x128xf32>
    tpu.vector_store %arg7[%swap3A, %swap3A_41], %add3A_40 {strides = array<i32>} : memref<1000x128xf32, #tpu.memory_space<vmem>>, vector<1000x128xf32>,
    return
  }
  func.func @transform_0(%arg0: i32) -> (i32, i32, i32) {
    %c0_i32 = arith.constant 0 : i32
    %c0_i32_0 = arith.constant 0 : i32
    %c0_i32_1 = arith.constant 0 : i32
    return %c0_i32, %arg0, %c0_i32_0 : i32, i32, i32
  }
  func.func @transform_1(%arg0: i32) -> (i32, i32, i32) {
    %c0_i32 = arith.constant 0 : i32
    %c0_i32_0 = arith.constant 0 : i32
    %c0_i32_1 = arith.constant 0 : i32
    return %c0_i32, %arg0, %c0_i32_0 : i32, i32, i32
  }
  func.func @transform_2(%arg0: i32) -> (i32, i32) {
    %c0_i32 = arith.constant 0 : i32
    %c0_i32_0 = arith.constant 0 : i32
    return %arg0, %c0_i32 : i32, i32
  }
  func.func @transform_3(%arg0: i32) -> (i32, i32) {
    %c0_i32 = arith.constant 0 : i32
    %c0_i32_0 = arith.constant 0 : i32
    %c0_i32_1 = arith.constant 0 : i32
    return %c0_i32, %c0_i32_0 : i32, i32
  }
  func.func @transform_4(%arg0: i32) -> (i32, i32) {
    %c0_i32 = arith.constant 0 : i32
    %c0_i32_0 = arith.constant 0 : i32
    %c0_i32_1 = arith.constant 0 : i32
    return %c0_i32, %c0_i32_0 : i32, i32
  }
  func.func @transform_5(%arg0: i32) -> (i32, i32) {
    %c0_i32 = arith.constant 0 : i32
    %c0_i32_0 = arith.constant 0 : i32
    %c0_i32_1 = arith.constant 0 : i32
    return %c0_i32, %c0_i32_0 : i32, i32
  }
  func.func @transform_6(%arg0: i32) -> (i32, i32) {
    %c0_i32 = arith.constant 0 : i32
    %c0_i32_0 = arith.constant 0 : i32
    return %arg0, %c0_i32 : i32, i32
  }
}

</mosaic_0001>

<sc_bundles>
// kernel: sc_segsum.4.cloned.1.call-start
scs
__scs_entry_jumppad:
0x0: {  	(pc) =	sbr.rel $0x88, $3  }
0x1: {  	(tag) =	ssettag $0x0;
	lr =	simm.s32 $0x1  }
0x2: {  	[smem:$0x3F94] =	sst lr;
	_ =	strace $0xD0000000  }
0x3: {  	_ = 	snop  }
0x4: {  	_ = 	snop  }
0x5: {  	_ = 	snop  }
0x6: {  	_ = 	snop  }
0x7: {  	_ = 	snop  }
__scs_overlays_trampoline_lowered:
0x8: {  	[smem:$0x3FA3] =	sst s0  }
0x9: {  	[smem:$0x3FA4] =	sst s1  }
0xa: {  	[smem:$0x3FA5] =	sst s2  }
0xb: {  	[smem:$0x3FA6] =	sst s3  }
0xc: {  	[smem:$0x3FA7] =	sst s4  }
0xd: {  	[smem:$0x3FA8] =	sst s5  }
0xe: {  	[smem:$0x3FA9] =	sst s6  }
0xf: {  	[smem:$0x3FAA] =	sst s7  }
0x10: {  	[smem:$0x3FAB] =	sst s8  }
0x11: {  	[smem:$0x3FAC] =	sst s9;
	s0 =	simm.s32 @!p0 $0x0  }
0x12: {  	s1 =	sld [smem:$0x3F92];
	s0 =	simm.s32 @p0 $0x1  }
0x13: {  	[smem:$0x3FAD] =	sst s0;
	s0 =	simm.s32 @!p1 $0x0  }
0x14: {  	s2 =	sld [smem:$0x3F91];
	s0 =	simm.s32 @p1 $0x1  }
0x15: {  	[smem:$0x3FAE] =	sst s0;
	s0 =	simm.s32 @!p2 $0x0  }
0x16: {  	s3 =	sld [smem:$0x3FDB];
	s0 =	simm.s32 @p2 $0x1  }
0x17: {  	s4 =	simm.s32 $0x1BF5;
	[smem:$0x3FB0] =	sst s0  }
0x18: {  	s0 =	sld [smem:$0x3F93];
	_ =	swait.ge [sflag:s4], $0x0  }
0x19: {  	s7 =	sld [smem:$0x3F94]  }
0x1a: {  	s8 =	sadd.s32 $0xFFFFE003, lr  }
0x1b: {  	s9 =	sadd.s32 $0xFFFFFEF7, lr;
	s5 =	simm.s32 $0xFFFFFFFF;
	p2 =	slt.u32 s8, $0xFFFFF086  }
0x1c: {  	p1 =	slt.u32 s9, $0xF7A;
	s5 =	simm.s32 @!p2 $0x0  }
0x1d: {  	s5 =	simm.s32 @p1 $0x1;
	p0 =	seq.s32 s7, s2  }
0x1e: {  	s7 =	smul.u32 @!p0 $0xF7A, s2;
	p2 =	seq.s32 @!p0 s5, $0x0  }
0x1f: {  	s9 =	smul.u32 $0xF7A, s1;
	s8 =	simm.s32 @!p0 $0x1BF5;
	p2 =	por !p2, p0  }
0x20: {  	[sflag:s8] =	ssyncset.s32 @!p0 $0xFFFFF086;
	s6 =	sadd.s32 @!p0 s3, s7;
	s7 =	simm.s32 @!p0 $0x108  }
0x21: {  	s3 =	sadd.s32 s3, s9;
	s6 =	sadd.s32 @!p0 $0x88, s6;
	s7 =	simm.s32 @p2 $0x1082  }
0x22: {  	[simem:s7], [sflag:s8] =	dma.local @!p0 [hbm:s6], $0xF7A  }
0x23: {  	s9 =	sor.u32 $0xD0000000, s2;
	s6 =	simm.s32 $0x108;
	_ =	swait.ge @!p0 [sflag:s8], $0x0  }
0x24: {  	s3 =	sadd.s32 $0x88, s3;
	s6 =	simm.s32 @!p1 $0x1082;
	[sflag:s4] =	ssyncset.s32 $0xFFFFF086  }
0x25: {  	[simem:s6], [sflag:s4] =	dma.local [hbm:s3], $0xF7A  }
0x26: {  	[smem:$0x3F94] =	sst s1;
	(tag) =	ssettag s2;
	_ =	strace s9  }
0x27: {  	s1 =	sld [smem:$0x3FA4]  }
0x28: {  	s2 =	sld [smem:$0x3FA5]  }
0x29: {  	s4 =	sld [smem:$0x3FA7]  }
0x2a: {  	p0 =	seq.s32 s5, $0x0;
	s5 =	sld [smem:$0x3FA8]  }
0x2b: {  	s6 =	sld [smem:$0x3FA9]  }
0x2c: {  	s7 =	sld [smem:$0x3FAA]  }
0x2d: {  	s3 =	simm.s32 $0x108;
	s8 =	sld [smem:$0x3FAB]  }
0x2e: {  	s3 =	simm.s32 @!p0 $0x1082;
	s9 =	sld [smem:$0x3FAC]  }
0x2f: {  	lr =	sadd.s32 s0, s3;
	s0 =	sld [smem:$0x3FA3]  }
0x30: {  	s3 =	sld [smem:$0x3FA6]  }
0x31: {  	[smem:$0x3FAF] =	sst s10  }
0x32: {  	s10 =	sld [smem:$0x3FAD];
	_ =	sdelay $0x3  }
0x33: {  	p0 =	seq.s32 s10, $0x1;
	s10 =	sld [smem:$0x3FAF];
	_ =	sdelay $0x3  }
0x34: {  	[smem:$0x3FAF] =	sst s10  }
0x35: {  	s10 =	sld [smem:$0x3FAE];
	_ =	sdelay $0x3  }
0x36: {  	p1 =	seq.s32 s10, $0x1;
	s10 =	sld [smem:$0x3FAF];
	_ =	sdelay $0x3  }
0x37: {  	[smem:$0x3FAF] =	sst s10  }
0x38: {  	s10 =	sld [smem:$0x3FB0]  }
0x39: {  	_ = 	snop;
	(pc) =	sbr.ind lr, $3  }
0x3a: {  	_ = 	snop  }
0x3b: {  	_ = 	snop  }
0x3c: {  	p2 =	seq.s32 s10, $0x1;
	s10 =	sld [smem:$0x3FAF]  }
0x3d: {  	_ =	shalt  }
0x3e: {  	_ =	shalt  }
0x3f: {  	_ =	shalt  }
0x40: {  	_ =	shalt  }
0x41: {  	_ =	shalt  }
0x42: {  	_ =	shalt  }
0x43: {  	_ =	shalt  }
0x44: {  	_ =	shalt  }
0x45: {  	_ =	shalt  }
0x46: {  	_ =	shalt  }
0x47: {  	_ =	shalt  }
0x48: {  	_ =	shalt  }
0x49: {  	_ =	shalt  }
0x4a: {  	_ =	shalt  }
0x4b: {  	_ =	shalt  }
0x4c: {  	_ =	shalt  }
0x4d: {  	_ =	shalt  }
0x4e: {  	_ =	shalt  }
0x4f: {  	_ =	shalt  }
0x50: {  	_ =	shalt  }
0x51: {  	_ =	shalt  }
0x52: {  	_ =	shalt  }
0x53: {  	_ =	shalt  }
0x54: {  	_ =	shalt  }
0x55: {  	_ =	shalt  }
0x56: {  	_ =	shalt  }
0x57: {  	_ =	shalt  }
0x58: {  	_ =	shalt  }
0x59: {  	_ =	shalt  }
0x5a: {  	_ =	shalt  }
0x5b: {  	_ =	shalt  }
0x5c: {  	_ =	shalt  }
0x5d: {  	_ =	shalt  }
0x5e: {  	_ =	shalt  }
0x5f: {  	_ =	shalt  }
0x60: {  	_ =	shalt  }
0x61: {  	_ =	shalt  }
0x62: {  	_ =	shalt  }
0x63: {  	_ =	shalt  }
0x64: {  	_ =	shalt  }
0x65: {  	_ =	shalt  }
0x66: {  	_ =	shalt  }
0x67: {  	_ =	shalt  }
0x68: {  	_ =	shalt  }
0x69: {  	_ =	shalt  }
0x6a: {  	_ =	shalt  }
0x6b: {  	_ =	shalt  }
0x6c: {  	_ =	shalt  }
0x6d: {  	_ =	shalt  }
0x6e: {  	_ =	shalt  }
0x6f: {  	_ =	shalt  }
0x70: {  	_ =	shalt  }
0x71: {  	_ =	shalt  }
0x72: {  	_ =	shalt  }
0x73: {  	_ =	shalt  }
0x74: {  	_ =	shalt  }
0x75: {  	_ =	shalt  }
0x76: {  	_ =	shalt  }
0x77: {  	_ =	shalt  }
0x78: {  	_ =	shalt  }
0x79: {  	_ =	shalt  }
0x7a: {  	_ =	shalt  }
0x7b: {  	_ =	shalt  }
0x7c: {  	_ =	shalt  }
0x7d: {  	_ =	shalt  }
0x7e: {  	_ =	shalt  }
0x7f: {  	_ =	shalt  }
0x80: {  	_ =	shalt  }
0x81: {  	_ =	shalt  }
0x82: {  	_ =	shalt  }
0x83: {  	_ =	shalt  }
0x84: {  	_ =	shalt  }
0x85: {  	_ =	shalt  }
0x86: {  	_ =	shalt  }
0x87: {  	_ =	shalt  }
.Lfunc_end0:
.L_simem_size_0:
called_computation.1_lowered:
.L_overlay_start_0:
0x88: {  	s2 =	sld [smem:$0x3FD9]  }
0x89: {  	s3 =	sld [smem:$0x3FFE];
	_ =	sdelay $0x1  }
0x8a: {  	s1 =	srdreg.scid  }
0x8b: {  	s0 =	sand.u32 $0x1, s1  }
0x8c: {  	s16 =	sshll.u32 s0, $0xA;
	s2 =	sadd.s32 s3, s2  }
0x8d: {  	s2 =	sadd.s32 s2, s16  }
0x8e: {  	[smem:$0x3FBB] =	sst s2  }
0x8f: {  	_ = 	snop  }
0x90: {  	(tm) =	ssettm $0x1  }
0x91: {  	s17 =	sld [smem:$0x3FFB];
	_ =	sdelay $0x3  }
0x92: {  	_ =	strace s17  }
0x93: {  	s2 =	sld [smem:$0x3FFC];
	_ =	sdelay $0x3  }
0x94: {  	_ =	strace s2  }
0x95: {  	s2 =	sld [smem:$0x3FFD];
	_ =	sdelay $0x3  }
0x96: {  	_ =	strace s2  }
0x97: {  	_ =	strace $0x8FFFFFFF  }
0x98: {  	s18 =	sld [smem:$0x3FDB];
	_ =	sdelay $0x1  }
0x99: {  	s19 =	simm.s32 $_scs_section_size  }
0x9a: {  	s4 =	simm.s32 $_size__tile_overlayer_lowered;
	s5 =	simm.s32 $_tile_overlayer_lowered  }
0x9b: {  	s22 =	simm.s32 $0x1BFF;
	s21 =	sshll.u32 s5, $0x1;
	s2 =	sadd.s32 s19, s18  }
0x9c: {  	s6 =	simm.s32 $0x0;
	s20 =	sshll.u32 s4, $0x1;
	s4 =	sadd.s32 s21, s2  }
0x9d: {  	[timem:s6], [sflag:s22] =	dma.local [hbm:s4], s20  }
0x9e: {  	_ =	swait.ge [sflag:s22], s20  }
0x9f: {  	s3 =	ssub.s32 $0x0, s20;
	[sflag:s22] =	ssyncset.done $0x0  }
0xa0: {  	[sflag:s22] =	ssyncadd.s32 s3;
	_ =	sdelay $0x1  }
0xa1: {  	s23 =	simm.s32 $0x1B8B  }
0xa2: {  	_ =	swait.ge [sflag:s23], $0x1  }
0xa3: {  	[sflag:s23] =	ssyncset.done $0x0  }
0xa4: {  	s25 =	simm.s32 $0x1B8E;
	s24 =	sld [smem:$0x3FFE];
	[sflag:s23] =	ssyncadd.s32 $0xFFFFFFFF  }
0xa5: {  	s26 =	simm.s32 $execute0_lowered;
	[smem:$0x3FD2] =	sst s25  }
0xa6: {  	s4 =	sshll.u32 s26, $0x1;
	_ =	strace $0x80000049;
	[dreg:$0x1] =	wrdreg $0xFFFFFFFF  }
0xa7: {  	s28 =	simm.s32 $_size_execute0_lowered;
	s2 =	sadd.s32 s2, s4;
	[dreg:$0x0] =	wrdreg $0x0  }
0xa8: {  	s4 =	sshll.u32 s28, $0x1;
	[dreg:$0x2] =	wrdreg s2  }
0xa9: {  	[dreg:$0x3] =	wrdreg s4  }
0xaa: {  	[dreg:$0x4] =	wrdreg $0xC0  }
0xab: {  	_ =	task [dreg:s6], $0x5FFFF  }
0xac: {  	[dreg:$0x1] =	wrdreg $0xFFFFFFFF  }
0xad: {  	[dreg:$0x0] =	wrdreg $0x60  }
0xae: {  	[dreg:$0x2] =	wrdreg s24  }
0xaf: {  	[dreg:$0x3] =	wrdreg $0x0  }
0xb0: {  	[dreg:$0x4] =	wrdreg $0x9  }
0xb1: {  	_ =	task.clear_ibuf [dreg:s6], $0x5FFFF;
	_ =	strace $0x90000049  }
0xb2: {  	s29 =	simm.s32 $0x9;
	_ =	strace $0x8000004B  }
0xb3: {  	_ =	swait.ge [sflag:s29], $0x1  }
0xb4: {  	[sflag:s29] =	ssyncadd.s32 $0xFFFFFFFF  }
0xb5: {  	_ =	strace $0x9000004B  }
0xb6: {  	_ =	sfence  }
0xb7: {  	s30 =	sld [smem:$0x0];
	_ =	sdelay $0x2  }
0xb8: {  	s31 =	sshll.u32 s1, $0xD;
	s1 =	sshrl.u32 s1, $0x2  }
0xb9: {  	s3 =	sand.u32 $0x4000, s31;
	s1 =	sadd.s32 s1, s30  }
0xba: {  	s0 =	sor.u32 s3, s0;
	s1 =	sshll.u32 s1, $0x11  }
0xbb: {  	s0 =	sor.u32 s1, s0  }
0xbc: {  	s0 =	sadd.s32 $0x8F2B, s0  }
0xbd: {  	[sflag:s0] =	ssyncadd.remote.s32 $0x1  }
0xbe: {  	_ =	sfence.sel $0xFFFF  }
0xbf: {  	[dreg:$0x0] =	wrdreg $0xFFFFFFFF;
	(pc) =	sbr.abs _section_cstart, $3  }
0xc0: {  	[dreg:$0x1] =	wrdreg $0xFFFFFFFF  }
0xc1: {  	_ =	task.clear_ibuf [dreg:s6], $0x2FFFF;
	_ =	strace $0x9FFFFFFF  }
0xc2: {  	(tm) =	ssettm $0x7FFFFFFF  }
0xc3: {  	_ =	shalt  }
tec
execute0_lowered:
.L_overlay_start_1:
0x0: {  	(tag) =	ssettag $0x1  }
0x1: {  	s8 =	rddreg [dreg:$0x0]  }
0x2: {  	s2 =	rddreg [dreg:$0x1]  }
0x3: {  	s0 =	rddreg [dreg:$0x2]  }
0x4: {  	s4 =	srdreg.scid;
	s1 =	stileid.u32  }
0x5: {  	s3 =	simm.s32 $0x0;
	s16 =	simm.s32 $0x9C80;
	s17 =	simm.s32 $0xC480  }
0x6: {  	s18 =	simm.s32 $0x80;
	s19 =	simm.s32 $0xEC80;
	s20 =	simm.s32 $0x9D00  }
0x7: {  	s21 =	simm.s32 $0x10C80;
	s22 =	simm.s32 $0x1;
	s23 =	simm.s32 $0x2  }
0x8: {  	s24 =	simm.s32 $0xEB80;
	s25 =	simm.s32 $0xEC00;
	s26 =	simm.s32 $0x0  }
0x9: {  	s6 =	sand.u32 $0x1, s4;
	s29 =	sshll.u32 s1, $0x1;
	[smem:$0x7FF] =	sst s3  }
0xa: {  	s7 =	smul.u32 $0x9C00, s1;
	s4 =	sadd.s32 $0x1E00, s8;
	s31 =	sshll.u32 s1, $0x6  }
0xb: {  	s15 =	sadd.s32 $0x9C000, s2;
	p0 =	sne.s32 s1, $0xF;
	s5 =	sor.u32 s6, s29  }
0xc: {  	_ =	strace $0x8000004A;
	s10 =	smul.u32 $0x13880, s6;
	s6 =	ssub.s32 $0x2, s6  }
0xd: {  	s15 =	sshrl.u32 @!p0 s15, $0x3;
	s9 =	smul.u32 $0x500, s5;
	s5 =	sshrl.u32 s7, $0x3  }
0xe: {  	s12 =	sshrl.u32 s6, $0x1;
	s14 =	sadd.s32 s7, s2;
	s7 =	sor.u32 $0x1C03, s31  }
0xf: {  	s30 =	sadd.s32 s5, s8;
	s13 =	sadd.s32 s10, s8;
	s12 =	ssub.s32 s6, s12  }
0x10: {  	s11 =	sadd.s32 s9, s8;
	s6 =	sadd.s32 $0x29800, s30;
	s8 =	sadd.s32 $0x3D000, s8  }
0x11: {  	s12 =	smax.u32 s12, $0x1;
	s9 =	sadd.s32 $0x1F800, s11;
	s10 =	sadd.s32 $0x15800, s11  }
0x12: {  	s11 =	sadd.s32 $0x3D200, s13;
	s13 =	sshrl.u32 s14, $0x3;
	s14 =	simm.s32 $0x3  }
.LBB2_1:
0x13: {  	[spmem:s13], [sflag:s7] =	dma.local [hbm:s6], $0x1380  }
0x14: {  	_ =	swait.ge [sflag:s14], $0x1380  }
0x15: {  	[sflag:s14] =	ssyncset.done $0x0  }
0x16: {  	s28 =	simm.s32 @!p0 $0x3;
	[sflag:s14] =	ssyncadd.s32 $0xFFFFEC80  }
0x17: {  	[spmem:s15], [sflag:s7] =	dma.local @!p0 [hbm:s8], $0x80  }
0x18: {  	_ =	swait.ge @!p0 [sflag:s28], $0x80  }
0x19: {  	[sflag:s28] =	ssyncset.done @!p0 $0x0  }
0x1a: {  	[sflag:s28] =	ssyncadd.s32 @!p0 $0xFFFFFF80  }
0x1b: {  	[bflag:$0x0] =	sbarrier.arrive $0xFFFF  }
0x1c: {  	[tilespmem:s16], [sflag:$0x3] =	stream.linear.gather [hbm4b:s9+s3], $0x2800, $0x38;
	[tilespmem:$0x12C80] =	vst v63  }
0x1d: {  	_ =	swait.ge [sflag:s14], $0x2800  }
0x1e: {  	[sflag:s14] =	ssyncset.done $0x0  }
0x1f: {  	[sflag:s14] =	ssyncadd.s32 $0xFFFFD800  }
0x20: {  	[tilespmem:s17], [sflag:$0x3] =	stream.linear.gather [hbm4b:s10+s3], $0x2800, $0x38;
	[tilespmem:$0x12C80] =	vst v63  }
0x21: {  	_ =	swait.ge [sflag:s14], $0x2800  }
0x22: {  	[sflag:s14] =	ssyncset.done $0x0  }
0x23: {  	[sflag:s14] =	ssyncadd.s32 $0xFFFFD800  }
0x24: {  	[tilespmem:s19], [sflag:$0x1] =	stream.indirect.gather [hbm4b:s4+s18], $0x40, s16, s18, $0xb8;
	[tilespmem:$0x12C80] =	vst v63  }
0x25: {  	_ = 	snop  }
0x26: {  	[tilespmem:s21], [sflag:$0x2] =	stream.indirect.gather [hbm4b:s4+s18], $0x40, s20, s18, $0xb8;
	[tilespmem:$0x12C80] =	vst v63  }
0x27: {  	_ =	swait.ge [sflag:s22], $0x2000  }
0x28: {  	[sflag:s22] =	ssyncset.done $0x0  }
0x29: {  	s28 =	simm.s32 $0xC480;
	[sflag:s22] =	ssyncadd.s32 $0xFFFFE000  }
0x2a: {  	[spmem:s2] =	stream.indirect.scatter.add.f32 [tilespmem:s19], [sflag:$0x3], $0x40, s28, s18, $0xb8;
	[tilespmem:$0x12C80] =	vst v63  }
0x2b: {  	_ =	swait.ge [sflag:s14], $0x2000  }
0x2c: {  	[sflag:s14] =	ssyncset.done $0x0  }
0x2d: {  	s28 =	simm.s32 $0x9D80;
	[sflag:s14] =	ssyncadd.s32 $0xFFFFE000  }
0x2e: {  	[tilespmem:s19], [sflag:$0x1] =	stream.indirect.gather [hbm4b:s4+s18], $0x40, s28, s18, $0xb8;
	[tilespmem:$0x12C80] =	vst v63  }
0x2f: {  	_ =	swait.ge [sflag:s23], $0x2000  }
0x30: {  	[sflag:s23] =	ssyncset.done $0x0  }
0x31: {  	s28 =	simm.s32 $0xC500;
	[sflag:s23] =	ssyncadd.s32 $0xFFFFE000  }
0x32: {  	[spmem:s2] =	stream.indirect.scatter.add.f32 [tilespmem:s21], [sflag:$0x3], $0x40, s28, s18, $0xb8;
	[tilespmem:$0x12C80] =	vst v63  }
0x33: {  	_ =	swait.ge [sflag:s14], $0x2000  }
0x34: {  	[sflag:s14] =	ssyncset.done $0x0  }
0x35: {  	s29 =	simm.s32 $0x9E00;
	s28 =	simm.s32 $0x400;
	[sflag:s14] =	ssyncadd.s32 $0xFFFFE000  }
.LBB2_2:
0x36: {  	[tilespmem:s21], [sflag:$0x2] =	stream.indirect.gather [hbm4b:s4+s18], $0x40, s29, s18, $0xb8;
	[tilespmem:$0x12C80] =	vst v63  }
0x37: {  	s29 =	smov.u32 s28  }
0x38: {  	p1 =	sne.s32 s28, $0x9800;
	s28 =	sadd.s32 $0x400, s28;
	_ =	swait.ge [sflag:s22], $0x2000  }
0x39: {  	s29 =	sshra.s32 s29, $0x2;
	[sflag:s22] =	ssyncset.done $0x0  }
0x3a: {  	s30 =	sadd.s32 $0xC480, s29;
	[sflag:s22] =	ssyncadd.s32 $0xFFFFE000  }
0x3b: {  	[spmem:s2] =	stream.indirect.scatter.add.f32 [tilespmem:s19], [sflag:$0x3], $0x40, s30, s18, $0xb8;
	[tilespmem:$0x12C80] =	vst v63  }
0x3c: {  	_ =	swait.ge [sflag:s14], $0x2000  }
0x3d: {  	[sflag:s14] =	ssyncset.done $0x0  }
0x3e: {  	s30 =	sadd.s32 $0x9D80, s29;
	[sflag:s14] =	ssyncadd.s32 $0xFFFFE000  }
0x3f: {  	[tilespmem:s19], [sflag:$0x1] =	stream.indirect.gather [hbm4b:s4+s18], $0x40, s30, s18, $0xb8;
	[tilespmem:$0x12C80] =	vst v63  }
0x40: {  	_ =	swait.ge [sflag:s23], $0x2000  }
0x41: {  	[sflag:s23] =	ssyncset.done $0x0  }
.Ltmp0:
0x42: {  	s30 =	sadd.s32 $0xC500, s29;
	[sflag:s23] =	ssyncadd.s32 $0xFFFFE000;
	(pc) =	sbr.rel @p1 .LBB2_2-.Ltmp0, $4  }
0x43: {  	[spmem:s2] =	stream.indirect.scatter.add.f32 [tilespmem:s21], [sflag:$0x3], $0x40, s30, s18, $0xb8;
	[tilespmem:$0x12C80] =	vst v63  }
0x44: {  	_ =	swait.ge [sflag:s14], $0x2000  }
0x45: {  	[sflag:s14] =	ssyncset.done $0x0  }
0x46: {  	s29 =	sadd.s32 $0x9E00, s29;
	[sflag:s14] =	ssyncadd.s32 $0xFFFFE000  }
0x47: {  	[tilespmem:s21], [sflag:$0x2] =	stream.indirect.gather [hbm4b:s4+s18], $0x40, s29, s18, $0xb8;
	[tilespmem:$0x12C80] =	vst v63  }
0x48: {  	_ =	swait.ge [sflag:s22], $0x2000  }
0x49: {  	[sflag:s22] =	ssyncset.done $0x0  }
0x4a: {  	[sflag:s22] =	ssyncadd.s32 $0xFFFFE000  }
0x4b: {  	[spmem:s2] =	stream.indirect.scatter.add.f32 [tilespmem:s19], [sflag:$0x3], $0x40, s24, s18, $0xb8;
	[tilespmem:$0x12C80] =	vst v63  }
0x4c: {  	_ =	swait.ge [sflag:s14], $0x2000  }
0x4d: {  	[sflag:s14] =	ssyncset.done $0x0  }
0x4e: {  	[sflag:s14] =	ssyncadd.s32 $0xFFFFE000  }
0x4f: {  	_ =	swait.ge [sflag:s23], $0x2000  }
0x50: {  	[sflag:s23] =	ssyncset.done $0x0  }
0x51: {  	[sflag:s23] =	ssyncadd.s32 $0xFFFFE000  }
0x52: {  	[spmem:s2] =	stream.indirect.scatter.add.f32 [tilespmem:s21], [sflag:$0x3], $0x40, s25, s18, $0xb8;
	[tilespmem:$0x12C80] =	vst v63  }
0x53: {  	_ =	swait.ge [sflag:s14], $0x2000  }
0x54: {  	[sflag:s14] =	ssyncset.done $0x0  }
0x55: {  	[sflag:s14] =	ssyncadd.s32 $0xFFFFE000  }
0x56: {  	s28 =	sadd.s32 s5, s11;
	[bflag:$0x0] =	sbarrier.arrive $0xFFFF  }
0x57: {  	[hbm:s28], [sflag:s7] =	dma.local [spmem:s13], $0x1380  }
0x58: {  	_ =	swait.ge [sflag:s14], $0x1380  }
0x59: {  	s26 =	sadd.s32 $0x1, s26;
	[sflag:s14] =	ssyncset.done $0x0  }
0x5a: {  	p1 =	sne.s32 s26, s12;
	s28 =	sadd.s32 @!p0 $0x13800, s11;
	[sflag:s14] =	ssyncadd.s32 $0xFFFFEC80  }
0x5b: {  	[hbm:s28], [sflag:s7] =	dma.local @!p0 [spmem:s15], $0x80  }
.Ltmp1:
0x5c: {  	_ = 	snop;
	(pc) =	sbr.rel @p1 .LBB2_1-.Ltmp1, $4  }
0x5d: {  	s28 =	simm.s32 @!p0 $0x3  }
0x5e: {  	_ =	swait.ge @!p0 [sflag:s28], $0x80  }
0x5f: {  	[sflag:s28] =	ssyncset.done @!p0 $0x0  }
0x60: {  	[sflag:s28] =	ssyncadd.s32 @!p0 $0xFFFFFF80  }
0x61: {  	_ =	sfence.sel $0x180000  }
0x62: {  	[bflag:$0x0] =	sbarrier.arrive $0xFFFF  }
0x63: {  	p0 =	sne.s32 s1, $0x0;
	_ =	strace $0x9000004A  }
0x64: {  	s0 =	sadd.s32 @!p0 $0x100000, s0;
	[bflag:$0x2] =	sbarrier.arrive $0xFFFF  }
0x65: {  	[sflag:s0] =	ssyncadd.tile.s32 @!p0 $0x1;
	_ =	shalt  }
.Lfunc_end2:
_tile_overlayer_lowered:
.L_overlay_start_2:
0x66: {  	(tag) =	ssettag $0x2  }
0x67: {  	s0 =	rddreg [dreg:$0x0];
	s2 =	stileid.u32  }
0x68: {  	s1 =	rddreg [dreg:$0x1];
	p0 =	sne.s32 s2, $0x0  }
0x69: {  	s3 =	rddreg [dreg:$0x2];
	[bflag:$0x3] =	sbarrier.arrive $0xFFFF;
	s2 =	simm.s32 @!p0 $0x1C03  }
0x6a: {  	[timem:s3], [sflag:s2] =	dma.local @!p0 [hbm:s0], s1  }
0x6b: {  	s0 =	simm.s32 @!p0 $0x3  }
0x6c: {  	_ =	swait.ge @!p0 [sflag:s0], s1  }
0x6d: {  	s1 =	ssub.s32 @!p0 $0x0, s1;
	[sflag:s0] =	ssyncset.done @!p0 $0x0  }
0x6e: {  	[sflag:s0] =	ssyncadd.s32 @!p0 s1  }
0x6f: {  	[bflag:$0x3] =	sbarrier.arrive $0xFFFF  }
0x70: {  	_ =	shalt  }

// kernel: sc_segsum.7.cloned.1.call-start
scs
__scs_entry_jumppad:
0x0: {  	(pc) =	sbr.rel $0x88, $3  }
0x1: {  	(tag) =	ssettag $0x0;
	lr =	simm.s32 $0x1  }
0x2: {  	[smem:$0x3F94] =	sst lr;
	_ =	strace $0xD0000000  }
0x3: {  	_ = 	snop  }
0x4: {  	_ = 	snop  }
0x5: {  	_ = 	snop  }
0x6: {  	_ = 	snop  }
0x7: {  	_ = 	snop  }
__scs_overlays_trampoline_lowered:
0x8: {  	[smem:$0x3FA3] =	sst s0  }
0x9: {  	[smem:$0x3FA4] =	sst s1  }
0xa: {  	[smem:$0x3FA5] =	sst s2  }
0xb: {  	[smem:$0x3FA6] =	sst s3  }
0xc: {  	[smem:$0x3FA7] =	sst s4  }
0xd: {  	[smem:$0x3FA8] =	sst s5  }
0xe: {  	[smem:$0x3FA9] =	sst s6  }
0xf: {  	[smem:$0x3FAA] =	sst s7  }
0x10: {  	[smem:$0x3FAB] =	sst s8  }
0x11: {  	[smem:$0x3FAC] =	sst s9;
	s0 =	simm.s32 @!p0 $0x0  }
0x12: {  	s1 =	sld [smem:$0x3F92];
	s0 =	simm.s32 @p0 $0x1  }
0x13: {  	[smem:$0x3FAD] =	sst s0;
	s0 =	simm.s32 @!p1 $0x0  }
0x14: {  	s2 =	sld [smem:$0x3F91];
	s0 =	simm.s32 @p1 $0x1  }
0x15: {  	[smem:$0x3FAE] =	sst s0;
	s0 =	simm.s32 @!p2 $0x0  }
0x16: {  	s3 =	sld [smem:$0x3FDB];
	s0 =	simm.s32 @p2 $0x1  }
0x17: {  	s4 =	simm.s32 $0x1BF5;
	[smem:$0x3FB0] =	sst s0  }
0x18: {  	s0 =	sld [smem:$0x3F93];
	_ =	swait.ge [sflag:s4], $0x0  }
0x19: {  	s7 =	sld [smem:$0x3F94]  }
0x1a: {  	s8 =	sadd.s32 $0xFFFFE003, lr  }
0x1b: {  	s9 =	sadd.s32 $0xFFFFFEF7, lr;
	s5 =	simm.s32 $0xFFFFFFFF;
	p2 =	slt.u32 s8, $0xFFFFF086  }
0x1c: {  	p1 =	slt.u32 s9, $0xF7A;
	s5 =	simm.s32 @!p2 $0x0  }
0x1d: {  	s5 =	simm.s32 @p1 $0x1;
	p0 =	seq.s32 s7, s2  }
0x1e: {  	s7 =	smul.u32 @!p0 $0xF7A, s2;
	p2 =	seq.s32 @!p0 s5, $0x0  }
0x1f: {  	s9 =	smul.u32 $0xF7A, s1;
	s8 =	simm.s32 @!p0 $0x1BF5;
	p2 =	por !p2, p0  }
0x20: {  	[sflag:s8] =	ssyncset.s32 @!p0 $0xFFFFF086;
	s6 =	sadd.s32 @!p0 s3, s7;
	s7 =	simm.s32 @!p0 $0x108  }
0x21: {  	s3 =	sadd.s32 s3, s9;
	s6 =	sadd.s32 @!p0 $0x88, s6;
	s7 =	simm.s32 @p2 $0x1082  }
0x22: {  	[simem:s7], [sflag:s8] =	dma.local @!p0 [hbm:s6], $0xF7A  }
0x23: {  	s9 =	sor.u32 $0xD0000000, s2;
	s6 =	simm.s32 $0x108;
	_ =	swait.ge @!p0 [sflag:s8], $0x0  }
0x24: {  	s3 =	sadd.s32 $0x88, s3;
	s6 =	simm.s32 @!p1 $0x1082;
	[sflag:s4] =	ssyncset.s32 $0xFFFFF086  }
0x25: {  	[simem:s6], [sflag:s4] =	dma.local [hbm:s3], $0xF7A  }
0x26: {  	[smem:$0x3F94] =	sst s1;
	(tag) =	ssettag s2;
	_ =	strace s9  }
0x27: {  	s1 =	sld [smem:$0x3FA4]  }
0x28: {  	s2 =	sld [smem:$0x3FA5]  }
0x29: {  	s4 =	sld [smem:$0x3FA7]  }
0x2a: {  	p0 =	seq.s32 s5, $0x0;
	s5 =	sld [smem:$0x3FA8]  }
0x2b: {  	s6 =	sld [smem:$0x3FA9]  }
0x2c: {  	s7 =	sld [smem:$0x3FAA]  }
0x2d: {  	s3 =	simm.s32 $0x108;
	s8 =	sld [smem:$0x3FAB]  }
0x2e: {  	s3 =	simm.s32 @!p0 $0x1082;
	s9 =	sld [smem:$0x3FAC]  }
0x2f: {  	lr =	sadd.s32 s0, s3;
	s0 =	sld [smem:$0x3FA3]  }
0x30: {  	s3 =	sld [smem:$0x3FA6]  }
0x31: {  	[smem:$0x3FAF] =	sst s10  }
0x32: {  	s10 =	sld [smem:$0x3FAD];
	_ =	sdelay $0x3  }
0x33: {  	p0 =	seq.s32 s10, $0x1;
	s10 =	sld [smem:$0x3FAF];
	_ =	sdelay $0x3  }
0x34: {  	[smem:$0x3FAF] =	sst s10  }
0x35: {  	s10 =	sld [smem:$0x3FAE];
	_ =	sdelay $0x3  }
0x36: {  	p1 =	seq.s32 s10, $0x1;
	s10 =	sld [smem:$0x3FAF];
	_ =	sdelay $0x3  }
0x37: {  	[smem:$0x3FAF] =	sst s10  }
0x38: {  	s10 =	sld [smem:$0x3FB0]  }
0x39: {  	_ = 	snop;
	(pc) =	sbr.ind lr, $3  }
0x3a: {  	_ = 	snop  }
0x3b: {  	_ = 	snop  }
0x3c: {  	p2 =	seq.s32 s10, $0x1;
	s10 =	sld [smem:$0x3FAF]  }
0x3d: {  	_ =	shalt  }
0x3e: {  	_ =	shalt  }
0x3f: {  	_ =	shalt  }
0x40: {  	_ =	shalt  }
0x41: {  	_ =	shalt  }
0x42: {  	_ =	shalt  }
0x43: {  	_ =	shalt  }
0x44: {  	_ =	shalt  }
0x45: {  	_ =	shalt  }
0x46: {  	_ =	shalt  }
0x47: {  	_ =	shalt  }
0x48: {  	_ =	shalt  }
0x49: {  	_ =	shalt  }
0x4a: {  	_ =	shalt  }
0x4b: {  	_ =	shalt  }
0x4c: {  	_ =	shalt  }
0x4d: {  	_ =	shalt  }
0x4e: {  	_ =	shalt  }
0x4f: {  	_ =	shalt  }
0x50: {  	_ =	shalt  }
0x51: {  	_ =	shalt  }
0x52: {  	_ =	shalt  }
0x53: {  	_ =	shalt  }
0x54: {  	_ =	shalt  }
0x55: {  	_ =	shalt  }
0x56: {  	_ =	shalt  }
0x57: {  	_ =	shalt  }
0x58: {  	_ =	shalt  }
0x59: {  	_ =	shalt  }
0x5a: {  	_ =	shalt  }
0x5b: {  	_ =	shalt  }
0x5c: {  	_ =	shalt  }
0x5d: {  	_ =	shalt  }
0x5e: {  	_ =	shalt  }
0x5f: {  	_ =	shalt  }
0x60: {  	_ =	shalt  }
0x61: {  	_ =	shalt  }
0x62: {  	_ =	shalt  }
0x63: {  	_ =	shalt  }
0x64: {  	_ =	shalt  }
0x65: {  	_ =	shalt  }
0x66: {  	_ =	shalt  }
0x67: {  	_ =	shalt  }
0x68: {  	_ =	shalt  }
0x69: {  	_ =	shalt  }
0x6a: {  	_ =	shalt  }
0x6b: {  	_ =	shalt  }
0x6c: {  	_ =	shalt  }
0x6d: {  	_ =	shalt  }
0x6e: {  	_ =	shalt  }
0x6f: {  	_ =	shalt  }
0x70: {  	_ =	shalt  }
0x71: {  	_ =	shalt  }
0x72: {  	_ =	shalt  }
0x73: {  	_ =	shalt  }
0x74: {  	_ =	shalt  }
0x75: {  	_ =	shalt  }
0x76: {  	_ =	shalt  }
0x77: {  	_ =	shalt  }
0x78: {  	_ =	shalt  }
0x79: {  	_ =	shalt  }
0x7a: {  	_ =	shalt  }
0x7b: {  	_ =	shalt  }
0x7c: {  	_ =	shalt  }
0x7d: {  	_ =	shalt  }
0x7e: {  	_ =	shalt  }
0x7f: {  	_ =	shalt  }
0x80: {  	_ =	shalt  }
0x81: {  	_ =	shalt  }
0x82: {  	_ =	shalt  }
0x83: {  	_ =	shalt  }
0x84: {  	_ =	shalt  }
0x85: {  	_ =	shalt  }
0x86: {  	_ =	shalt  }
0x87: {  	_ =	shalt  }
.Lfunc_end0:
.L_simem_size_0:
called_computation.2_lowered:
.L_overlay_start_0:
0x88: {  	s2 =	sld [smem:$0x3FD9]  }
0x89: {  	s3 =	sld [smem:$0x3FFE];
	_ =	sdelay $0x1  }
0x8a: {  	s1 =	srdreg.scid  }
0x8b: {  	s0 =	sand.u32 $0x1, s1  }
0x8c: {  	s16 =	sshll.u32 s0, $0xA;
	s2 =	sadd.s32 s3, s2  }
0x8d: {  	s2 =	sadd.s32 s2, s16  }
0x8e: {  	[smem:$0x3FBB] =	sst s2  }
0x8f: {  	_ = 	snop  }
0x90: {  	(tm) =	ssettm $0x1  }
0x91: {  	s17 =	sld [smem:$0x3FFB];
	_ =	sdelay $0x3  }
0x92: {  	_ =	strace s17  }
0x93: {  	s2 =	sld [smem:$0x3FFC];
	_ =	sdelay $0x3  }
0x94: {  	_ =	strace s2  }
0x95: {  	s2 =	sld [smem:$0x3FFD];
	_ =	sdelay $0x3  }
0x96: {  	_ =	strace s2  }
0x97: {  	_ =	strace $0x8FFFFFFF  }
0x98: {  	s18 =	sld [smem:$0x3FDB];
	_ =	sdelay $0x1  }
0x99: {  	s19 =	simm.s32 $_scs_section_size  }
0x9a: {  	s4 =	simm.s32 $_size__tile_overlayer_lowered;
	s5 =	simm.s32 $_tile_overlayer_lowered  }
0x9b: {  	s22 =	simm.s32 $0x1BFF;
	s21 =	sshll.u32 s5, $0x1;
	s2 =	sadd.s32 s19, s18  }
0x9c: {  	s6 =	simm.s32 $0x0;
	s20 =	sshll.u32 s4, $0x1;
	s4 =	sadd.s32 s21, s2  }
0x9d: {  	[timem:s6], [sflag:s22] =	dma.local [hbm:s4], s20  }
0x9e: {  	_ =	swait.ge [sflag:s22], s20  }
0x9f: {  	s3 =	ssub.s32 $0x0, s20;
	[sflag:s22] =	ssyncset.done $0x0  }
0xa0: {  	[sflag:s22] =	ssyncadd.s32 s3;
	_ =	sdelay $0x1  }
0xa1: {  	s23 =	simm.s32 $0x1B8B  }
0xa2: {  	_ =	swait.ge [sflag:s23], $0x1  }
0xa3: {  	[sflag:s23] =	ssyncset.done $0x0  }
0xa4: {  	s25 =	simm.s32 $0x1B8E;
	s24 =	sld [smem:$0x3FFE];
	[sflag:s23] =	ssyncadd.s32 $0xFFFFFFFF  }
0xa5: {  	s26 =	simm.s32 $execute0_lowered;
	[smem:$0x3FD2] =	sst s25  }
0xa6: {  	s4 =	sshll.u32 s26, $0x1;
	_ =	strace $0x8000004C;
	[dreg:$0x1] =	wrdreg $0xFFFFFFFF  }
0xa7: {  	s28 =	simm.s32 $_size_execute0_lowered;
	s2 =	sadd.s32 s2, s4;
	[dreg:$0x0] =	wrdreg $0x0  }
0xa8: {  	s4 =	sshll.u32 s28, $0x1;
	[dreg:$0x2] =	wrdreg s2  }
0xa9: {  	[dreg:$0x3] =	wrdreg s4  }
0xaa: {  	[dreg:$0x4] =	wrdreg $0xC0  }
0xab: {  	_ =	task [dreg:s6], $0x5FFFF  }
0xac: {  	[dreg:$0x1] =	wrdreg $0xFFFFFFFF  }
0xad: {  	[dreg:$0x0] =	wrdreg $0x60  }
0xae: {  	[dreg:$0x2] =	wrdreg s24  }
0xaf: {  	[dreg:$0x3] =	wrdreg $0x0  }
0xb0: {  	[dreg:$0x4] =	wrdreg $0x9  }
0xb1: {  	_ =	task.clear_ibuf [dreg:s6], $0x5FFFF;
	_ =	strace $0x9000004C  }
0xb2: {  	s29 =	simm.s32 $0x9;
	_ =	strace $0x8000004E  }
0xb3: {  	_ =	swait.ge [sflag:s29], $0x1  }
0xb4: {  	[sflag:s29] =	ssyncadd.s32 $0xFFFFFFFF  }
0xb5: {  	_ =	strace $0x9000004E  }
0xb6: {  	_ =	sfence  }
0xb7: {  	s30 =	sld [smem:$0x0];
	_ =	sdelay $0x2  }
0xb8: {  	s31 =	sshll.u32 s1, $0xD;
	s1 =	sshrl.u32 s1, $0x2  }
0xb9: {  	s3 =	sand.u32 $0x4000, s31;
	s1 =	sadd.s32 s1, s30  }
0xba: {  	s0 =	sor.u32 s3, s0;
	s1 =	sshll.u32 s1, $0x11  }
0xbb: {  	s0 =	sor.u32 s1, s0  }
0xbc: {  	s0 =	sadd.s32 $0x8F2B, s0  }
0xbd: {  	[sflag:s0] =	ssyncadd.remote.s32 $0x1  }
0xbe: {  	_ =	sfence.sel $0xFFFF  }
0xbf: {  	[dreg:$0x0] =	wrdreg $0xFFFFFFFF;
	(pc) =	sbr.abs _section_cstart, $3  }
0xc0: {  	[dreg:$0x1] =	wrdreg $0xFFFFFFFF  }
0xc1: {  	_ =	task.clear_ibuf [dreg:s6], $0x2FFFF;
	_ =	strace $0x9FFFFFFF  }
0xc2: {  	(tm) =	ssettm $0x7FFFFFFF  }
0xc3: {  	_ =	shalt  }
tec
execute0_lowered:
.L_overlay_start_1:
0x0: {  	(tag) =	ssettag $0x1  }
0x1: {  	s8 =	rddreg [dreg:$0x0]  }
0x2: {  	s2 =	rddreg [dreg:$0x1]  }
0x3: {  	s0 =	rddreg [dreg:$0x2]  }
0x4: {  	s4 =	srdreg.scid;
	s1 =	stileid.u32  }
0x5: {  	s3 =	simm.s32 $0x0;
	s16 =	simm.s32 $0x9C80;
	s17 =	simm.s32 $0xC480  }
0x6: {  	s18 =	simm.s32 $0x80;
	s19 =	simm.s32 $0xEC80;
	s20 =	simm.s32 $0x9D00  }
0x7: {  	s21 =	simm.s32 $0x10C80;
	s22 =	simm.s32 $0x1;
	s23 =	simm.s32 $0x2  }
0x8: {  	s24 =	simm.s32 $0xEB80;
	s25 =	simm.s32 $0xEC00;
	s26 =	simm.s32 $0x0  }
0x9: {  	s6 =	sand.u32 $0x1, s4;
	s29 =	sshll.u32 s1, $0x1;
	[smem:$0x7FF] =	sst s3  }
0xa: {  	s7 =	smul.u32 $0x9C00, s1;
	s4 =	sadd.s32 $0x1E00, s8;
	s31 =	sshll.u32 s1, $0x6  }
0xb: {  	s15 =	sadd.s32 $0x9C000, s2;
	p0 =	sne.s32 s1, $0xF;
	s5 =	sor.u32 s6, s29  }
0xc: {  	_ =	strace $0x8000004D;
	s10 =	smul.u32 $0x13880, s6;
	s6 =	ssub.s32 $0x2, s6  }
0xd: {  	s15 =	sshrl.u32 @!p0 s15, $0x3;
	s9 =	smul.u32 $0x500, s5;
	s5 =	sshrl.u32 s7, $0x3  }
0xe: {  	s12 =	sshrl.u32 s6, $0x1;
	s14 =	sadd.s32 s7, s2;
	s7 =	sor.u32 $0x1C03, s31  }
0xf: {  	s30 =	sadd.s32 s5, s8;
	s13 =	sadd.s32 s10, s8;
	s12 =	ssub.s32 s6, s12  }
0x10: {  	s11 =	sadd.s32 s9, s8;
	s6 =	sadd.s32 $0x29800, s30;
	s8 =	sadd.s32 $0x3D000, s8  }
0x11: {  	s12 =	smax.u32 s12, $0x1;
	s9 =	sadd.s32 $0x1F800, s11;
	s10 =	sadd.s32 $0x15800, s11  }
0x12: {  	s11 =	sadd.s32 $0x3D200, s13;
	s13 =	sshrl.u32 s14, $0x3;
	s14 =	simm.s32 $0x3  }
.LBB2_1:
0x13: {  	[spmem:s13], [sflag:s7] =	dma.local [hbm:s6], $0x1380  }
0x14: {  	_ =	swait.ge [sflag:s14], $0x1380  }
0x15: {  	[sflag:s14] =	ssyncset.done $0x0  }
0x16: {  	s28 =	simm.s32 @!p0 $0x3;
	[sflag:s14] =	ssyncadd.s32 $0xFFFFEC80  }
0x17: {  	[spmem:s15], [sflag:s7] =	dma.local @!p0 [hbm:s8], $0x80  }
0x18: {  	_ =	swait.ge @!p0 [sflag:s28], $0x80  }
0x19: {  	[sflag:s28] =	ssyncset.done @!p0 $0x0  }
0x1a: {  	[sflag:s28] =	ssyncadd.s32 @!p0 $0xFFFFFF80  }
0x1b: {  	[bflag:$0x0] =	sbarrier.arrive $0xFFFF  }
0x1c: {  	[tilespmem:s16], [sflag:$0x3] =	stream.linear.gather [hbm4b:s9+s3], $0x2800, $0x38;
	[tilespmem:$0x12C80] =	vst v63  }
0x1d: {  	_ =	swait.ge [sflag:s14], $0x2800  }
0x1e: {  	[sflag:s14] =	ssyncset.done $0x0  }
0x1f: {  	[sflag:s14] =	ssyncadd.s32 $0xFFFFD800  }
0x20: {  	[tilespmem:s17], [sflag:$0x3] =	stream.linear.gather [hbm4b:s10+s3], $0x2800, $0x38;
	[tilespmem:$0x12C80] =	vst v63  }
0x21: {  	_ =	swait.ge [sflag:s14], $0x2800  }
0x22: {  	[sflag:s14] =	ssyncset.done $0x0  }
0x23: {  	[sflag:s14] =	ssyncadd.s32 $0xFFFFD800  }
0x24: {  	[tilespmem:s19], [sflag:$0x1] =	stream.indirect.gather [hbm4b:s4+s18], $0x40, s16, s18, $0xb8;
	[tilespmem:$0x12C80] =	vst v63  }
0x25: {  	_ = 	snop  }
0x26: {  	[tilespmem:s21], [sflag:$0x2] =	stream.indirect.gather [hbm4b:s4+s18], $0x40, s20, s18, $0xb8;
	[tilespmem:$0x12C80] =	vst v63  }
0x27: {  	_ =	swait.ge [sflag:s22], $0x2000  }
0x28: {  	[sflag:s22] =	ssyncset.done $0x0  }
0x29: {  	s28 =	simm.s32 $0xC480;
	[sflag:s22] =	ssyncadd.s32 $0xFFFFE000  }
0x2a: {  	[spmem:s2] =	stream.indirect.scatter.add.f32 [tilespmem:s19], [sflag:$0x3], $0x40, s28, s18, $0xb8;
	[tilespmem:$0x12C80] =	vst v63  }
0x2b: {  	_ =	swait.ge [sflag:s14], $0x2000  }
0x2c: {  	[sflag:s14] =	ssyncset.done $0x0  }
0x2d: {  	s28 =	simm.s32 $0x9D80;
	[sflag:s14] =	ssyncadd.s32 $0xFFFFE000  }
0x2e: {  	[tilespmem:s19], [sflag:$0x1] =	stream.indirect.gather [hbm4b:s4+s18], $0x40, s28, s18, $0xb8;
	[tilespmem:$0x12C80] =	vst v63  }
0x2f: {  	_ =	swait.ge [sflag:s23], $0x2000  }
0x30: {  	[sflag:s23] =	ssyncset.done $0x0  }
0x31: {  	s28 =	simm.s32 $0xC500;
	[sflag:s23] =	ssyncadd.s32 $0xFFFFE000  }
0x32: {  	[spmem:s2] =	stream.indirect.scatter.add.f32 [tilespmem:s21], [sflag:$0x3], $0x40, s28, s18, $0xb8;
	[tilespmem:$0x12C80] =	vst v63  }
0x33: {  	_ =	swait.ge [sflag:s14], $0x2000  }
0x34: {  	[sflag:s14] =	ssyncset.done $0x0  }
0x35: {  	s29 =	simm.s32 $0x9E00;
	s28 =	simm.s32 $0x400;
	[sflag:s14] =	ssyncadd.s32 $0xFFFFE000  }
.LBB2_2:
0x36: {  	[tilespmem:s21], [sflag:$0x2] =	stream.indirect.gather [hbm4b:s4+s18], $0x40, s29, s18, $0xb8;
	[tilespmem:$0x12C80] =	vst v63  }
0x37: {  	s29 =	smov.u32 s28  }
0x38: {  	p1 =	sne.s32 s28, $0x9800;
	s28 =	sadd.s32 $0x400, s28;
	_ =	swait.ge [sflag:s22], $0x2000  }
0x39: {  	s29 =	sshra.s32 s29, $0x2;
	[sflag:s22] =	ssyncset.done $0x0  }
0x3a: {  	s30 =	sadd.s32 $0xC480, s29;
	[sflag:s22] =	ssyncadd.s32 $0xFFFFE000  }
0x3b: {  	[spmem:s2] =	stream.indirect.scatter.add.f32 [tilespmem:s19], [sflag:$0x3], $0x40, s30, s18, $0xb8;
	[tilespmem:$0x12C80] =	vst v63  }
0x3c: {  	_ =	swait.ge [sflag:s14], $0x2000  }
0x3d: {  	[sflag:s14] =	ssyncset.done $0x0  }
0x3e: {  	s30 =	sadd.s32 $0x9D80, s29;
	[sflag:s14] =	ssyncadd.s32 $0xFFFFE000  }
0x3f: {  	[tilespmem:s19], [sflag:$0x1] =	stream.indirect.gather [hbm4b:s4+s18], $0x40, s30, s18, $0xb8;
	[tilespmem:$0x12C80] =	vst v63  }
0x40: {  	_ =	swait.ge [sflag:s23], $0x2000  }
0x41: {  	[sflag:s23] =	ssyncset.done $0x0  }
.Ltmp0:
0x42: {  	s30 =	sadd.s32 $0xC500, s29;
	[sflag:s23] =	ssyncadd.s32 $0xFFFFE000;
	(pc) =	sbr.rel @p1 .LBB2_2-.Ltmp0, $4  }
0x43: {  	[spmem:s2] =	stream.indirect.scatter.add.f32 [tilespmem:s21], [sflag:$0x3], $0x40, s30, s18, $0xb8;
	[tilespmem:$0x12C80] =	vst v63  }
0x44: {  	_ =	swait.ge [sflag:s14], $0x2000  }
0x45: {  	[sflag:s14] =	ssyncset.done $0x0  }
0x46: {  	s29 =	sadd.s32 $0x9E00, s29;
	[sflag:s14] =	ssyncadd.s32 $0xFFFFE000  }
0x47: {  	[tilespmem:s21], [sflag:$0x2] =	stream.indirect.gather [hbm4b:s4+s18], $0x40, s29, s18, $0xb8;
	[tilespmem:$0x12C80] =	vst v63  }
0x48: {  	_ =	swait.ge [sflag:s22], $0x2000  }
0x49: {  	[sflag:s22] =	ssyncset.done $0x0  }
0x4a: {  	[sflag:s22] =	ssyncadd.s32 $0xFFFFE000  }
0x4b: {  	[spmem:s2] =	stream.indirect.scatter.add.f32 [tilespmem:s19], [sflag:$0x3], $0x40, s24, s18, $0xb8;
	[tilespmem:$0x12C80] =	vst v63  }
0x4c: {  	_ =	swait.ge [sflag:s14], $0x2000  }
0x4d: {  	[sflag:s14] =	ssyncset.done $0x0  }
0x4e: {  	[sflag:s14] =	ssyncadd.s32 $0xFFFFE000  }
0x4f: {  	_ =	swait.ge [sflag:s23], $0x2000  }
0x50: {  	[sflag:s23] =	ssyncset.done $0x0  }
0x51: {  	[sflag:s23] =	ssyncadd.s32 $0xFFFFE000  }
0x52: {  	[spmem:s2] =	stream.indirect.scatter.add.f32 [tilespmem:s21], [sflag:$0x3], $0x40, s25, s18, $0xb8;
	[tilespmem:$0x12C80] =	vst v63  }
0x53: {  	_ =	swait.ge [sflag:s14], $0x2000  }
0x54: {  	[sflag:s14] =	ssyncset.done $0x0  }
0x55: {  	[sflag:s14] =	ssyncadd.s32 $0xFFFFE000  }
0x56: {  	s28 =	sadd.s32 s5, s11;
	[bflag:$0x0] =	sbarrier.arrive $0xFFFF  }
0x57: {  	[hbm:s28], [sflag:s7] =	dma.local [spmem:s13], $0x1380  }
0x58: {  	_ =	swait.ge [sflag:s14], $0x1380  }
0x59: {  	s26 =	sadd.s32 $0x1, s26;
	[sflag:s14] =	ssyncset.done $0x0  }
0x5a: {  	p1 =	sne.s32 s26, s12;
	s28 =	sadd.s32 @!p0 $0x13800, s11;
	[sflag:s14] =	ssyncadd.s32 $0xFFFFEC80  }
0x5b: {  	[hbm:s28], [sflag:s7] =	dma.local @!p0 [spmem:s15], $0x80  }
.Ltmp1:
0x5c: {  	_ = 	snop;
	(pc) =	sbr.rel @p1 .LBB2_1-.Ltmp1, $4  }
0x5d: {  	s28 =	simm.s32 @!p0 $0x3  }
0x5e: {  	_ =	swait.ge @!p0 [sflag:s28], $0x80  }
0x5f: {  	[sflag:s28] =	ssyncset.done @!p0 $0x0  }
0x60: {  	[sflag:s28] =	ssyncadd.s32 @!p0 $0xFFFFFF80  }
0x61: {  	_ =	sfence.sel $0x180000  }
0x62: {  	[bflag:$0x0] =	sbarrier.arrive $0xFFFF  }
0x63: {  	p0 =	sne.s32 s1, $0x0;
	_ =	strace $0x9000004D  }
0x64: {  	s0 =	sadd.s32 @!p0 $0x100000, s0;
	[bflag:$0x2] =	sbarrier.arrive $0xFFFF  }
0x65: {  	[sflag:s0] =	ssyncadd.tile.s32 @!p0 $0x1;
	_ =	shalt  }
.Lfunc_end2:
_tile_overlayer_lowered:
.L_overlay_start_2:
0x66: {  	(tag) =	ssettag $0x2  }
0x67: {  	s0 =	rddreg [dreg:$0x0];
	s2 =	stileid.u32  }
0x68: {  	s1 =	rddreg [dreg:$0x1];
	p0 =	sne.s32 s2, $0x0  }
0x69: {  	s3 =	rddreg [dreg:$0x2];
	[bflag:$0x3] =	sbarrier.arrive $0xFFFF;
	s2 =	simm.s32 @!p0 $0x1C03  }
0x6a: {  	[timem:s3], [sflag:s2] =	dma.local @!p0 [hbm:s0], s1  }
0x6b: {  	s0 =	simm.s32 @!p0 $0x3  }
0x6c: {  	_ =	swait.ge @!p0 [sflag:s0], s1  }
0x6d: {  	s1 =	ssub.s32 @!p0 $0x0, s1;
	[sflag:s0] =	ssyncset.done @!p0 $0x0  }
0x6e: {  	[sflag:s0] =	ssyncadd.s32 @!p0 s1  }
0x6f: {  	[bflag:$0x3] =	sbarrier.arrive $0xFFFF  }
0x70: {  	_ =	shalt  }

// kernel: sc_segsum_deg.3.cloned.1.call-start
scs
__scs_entry_jumppad:
0x0: {  	(pc) =	sbr.rel $0x88, $3  }
0x1: {  	(tag) =	ssettag $0x0;
	lr =	simm.s32 $0x1  }
0x2: {  	[smem:$0x3F94] =	sst lr;
	_ =	strace $0xD0000000  }
0x3: {  	_ = 	snop  }
0x4: {  	_ = 	snop  }
0x5: {  	_ = 	snop  }
0x6: {  	_ = 	snop  }
0x7: {  	_ = 	snop  }
__scs_overlays_trampoline_lowered:
0x8: {  	[smem:$0x3FA3] =	sst s0  }
0x9: {  	[smem:$0x3FA4] =	sst s1  }
0xa: {  	[smem:$0x3FA5] =	sst s2  }
0xb: {  	[smem:$0x3FA6] =	sst s3  }
0xc: {  	[smem:$0x3FA7] =	sst s4  }
0xd: {  	[smem:$0x3FA8] =	sst s5  }
0xe: {  	[smem:$0x3FA9] =	sst s6  }
0xf: {  	[smem:$0x3FAA] =	sst s7  }
0x10: {  	[smem:$0x3FAB] =	sst s8  }
0x11: {  	[smem:$0x3FAC] =	sst s9;
	s0 =	simm.s32 @!p0 $0x0  }
0x12: {  	s1 =	sld [smem:$0x3F92];
	s0 =	simm.s32 @p0 $0x1  }
0x13: {  	[smem:$0x3FAD] =	sst s0;
	s0 =	simm.s32 @!p1 $0x0  }
0x14: {  	s2 =	sld [smem:$0x3F91];
	s0 =	simm.s32 @p1 $0x1  }
0x15: {  	[smem:$0x3FAE] =	sst s0;
	s0 =	simm.s32 @!p2 $0x0  }
0x16: {  	s3 =	sld [smem:$0x3FDB];
	s0 =	simm.s32 @p2 $0x1  }
0x17: {  	s4 =	simm.s32 $0x1BF5;
	[smem:$0x3FB0] =	sst s0  }
0x18: {  	s0 =	sld [smem:$0x3F93];
	_ =	swait.ge [sflag:s4], $0x0  }
0x19: {  	s7 =	sld [smem:$0x3F94]  }
0x1a: {  	s8 =	sadd.s32 $0xFFFFE003, lr  }
0x1b: {  	s9 =	sadd.s32 $0xFFFFFEF7, lr;
	s5 =	simm.s32 $0xFFFFFFFF;
	p2 =	slt.u32 s8, $0xFFFFF086  }
0x1c: {  	p1 =	slt.u32 s9, $0xF7A;
	s5 =	simm.s32 @!p2 $0x0  }
0x1d: {  	s5 =	simm.s32 @p1 $0x1;
	p0 =	seq.s32 s7, s2  }
0x1e: {  	s7 =	smul.u32 @!p0 $0xF7A, s2;
	p2 =	seq.s32 @!p0 s5, $0x0  }
0x1f: {  	s9 =	smul.u32 $0xF7A, s1;
	s8 =	simm.s32 @!p0 $0x1BF5;
	p2 =	por !p2, p0  }
0x20: {  	[sflag:s8] =	ssyncset.s32 @!p0 $0xFFFFF086;
	s6 =	sadd.s32 @!p0 s3, s7;
	s7 =	simm.s32 @!p0 $0x108  }
0x21: {  	s3 =	sadd.s32 s3, s9;
	s6 =	sadd.s32 @!p0 $0x88, s6;
	s7 =	simm.s32 @p2 $0x1082  }
0x22: {  	[simem:s7], [sflag:s8] =	dma.local @!p0 [hbm:s6], $0xF7A  }
0x23: {  	s9 =	sor.u32 $0xD0000000, s2;
	s6 =	simm.s32 $0x108;
	_ =	swait.ge @!p0 [sflag:s8], $0x0  }
0x24: {  	s3 =	sadd.s32 $0x88, s3;
	s6 =	simm.s32 @!p1 $0x1082;
	[sflag:s4] =	ssyncset.s32 $0xFFFFF086  }
0x25: {  	[simem:s6], [sflag:s4] =	dma.local [hbm:s3], $0xF7A  }
0x26: {  	[smem:$0x3F94] =	sst s1;
	(tag) =	ssettag s2;
	_ =	strace s9  }
0x27: {  	s1 =	sld [smem:$0x3FA4]  }
0x28: {  	s2 =	sld [smem:$0x3FA5]  }
0x29: {  	s4 =	sld [smem:$0x3FA7]  }
0x2a: {  	p0 =	seq.s32 s5, $0x0;
	s5 =	sld [smem:$0x3FA8]  }
0x2b: {  	s6 =	sld [smem:$0x3FA9]  }
0x2c: {  	s7 =	sld [smem:$0x3FAA]  }
0x2d: {  	s3 =	simm.s32 $0x108;
	s8 =	sld [smem:$0x3FAB]  }
0x2e: {  	s3 =	simm.s32 @!p0 $0x1082;
	s9 =	sld [smem:$0x3FAC]  }
0x2f: {  	lr =	sadd.s32 s0, s3;
	s0 =	sld [smem:$0x3FA3]  }
0x30: {  	s3 =	sld [smem:$0x3FA6]  }
0x31: {  	[smem:$0x3FAF] =	sst s10  }
0x32: {  	s10 =	sld [smem:$0x3FAD];
	_ =	sdelay $0x3  }
0x33: {  	p0 =	seq.s32 s10, $0x1;
	s10 =	sld [smem:$0x3FAF];
	_ =	sdelay $0x3  }
0x34: {  	[smem:$0x3FAF] =	sst s10  }
0x35: {  	s10 =	sld [smem:$0x3FAE];
	_ =	sdelay $0x3  }
0x36: {  	p1 =	seq.s32 s10, $0x1;
	s10 =	sld [smem:$0x3FAF];
	_ =	sdelay $0x3  }
0x37: {  	[smem:$0x3FAF] =	sst s10  }
0x38: {  	s10 =	sld [smem:$0x3FB0]  }
0x39: {  	_ = 	snop;
	(pc) =	sbr.ind lr, $3  }
0x3a: {  	_ = 	snop  }
0x3b: {  	_ = 	snop  }
0x3c: {  	p2 =	seq.s32 s10, $0x1;
	s10 =	sld [smem:$0x3FAF]  }
0x3d: {  	_ =	shalt  }
0x3e: {  	_ =	shalt  }
0x3f: {  	_ =	shalt  }
0x40: {  	_ =	shalt  }
0x41: {  	_ =	shalt  }
0x42: {  	_ =	shalt  }
0x43: {  	_ =	shalt  }
0x44: {  	_ =	shalt  }
0x45: {  	_ =	shalt  }
0x46: {  	_ =	shalt  }
0x47: {  	_ =	shalt  }
0x48: {  	_ =	shalt  }
0x49: {  	_ =	shalt  }
0x4a: {  	_ =	shalt  }
0x4b: {  	_ =	shalt  }
0x4c: {  	_ =	shalt  }
0x4d: {  	_ =	shalt  }
0x4e: {  	_ =	shalt  }
0x4f: {  	_ =	shalt  }
0x50: {  	_ =	shalt  }
0x51: {  	_ =	shalt  }
0x52: {  	_ =	shalt  }
0x53: {  	_ =	shalt  }
0x54: {  	_ =	shalt  }
0x55: {  	_ =	shalt  }
0x56: {  	_ =	shalt  }
0x57: {  	_ =	shalt  }
0x58: {  	_ =	shalt  }
0x59: {  	_ =	shalt  }
0x5a: {  	_ =	shalt  }
0x5b: {  	_ =	shalt  }
0x5c: {  	_ =	shalt  }
0x5d: {  	_ =	shalt  }
0x5e: {  	_ =	shalt  }
0x5f: {  	_ =	shalt  }
0x60: {  	_ =	shalt  }
0x61: {  	_ =	shalt  }
0x62: {  	_ =	shalt  }
0x63: {  	_ =	shalt  }
0x64: {  	_ =	shalt  }
0x65: {  	_ =	shalt  }
0x66: {  	_ =	shalt  }
0x67: {  	_ =	shalt  }
0x68: {  	_ =	shalt  }
0x69: {  	_ =	shalt  }
0x6a: {  	_ =	shalt  }
0x6b: {  	_ =	shalt  }
0x6c: {  	_ =	shalt  }
0x6d: {  	_ =	shalt  }
0x6e: {  	_ =	shalt  }
0x6f: {  	_ =	shalt  }
0x70: {  	_ =	shalt  }
0x71: {  	_ =	shalt  }
0x72: {  	_ =	shalt  }
0x73: {  	_ =	shalt  }
0x74: {  	_ =	shalt  }
0x75: {  	_ =	shalt  }
0x76: {  	_ =	shalt  }
0x77: {  	_ =	shalt  }
0x78: {  	_ =	shalt  }
0x79: {  	_ =	shalt  }
0x7a: {  	_ =	shalt  }
0x7b: {  	_ =	shalt  }
0x7c: {  	_ =	shalt  }
0x7d: {  	_ =	shalt  }
0x7e: {  	_ =	shalt  }
0x7f: {  	_ =	shalt  }
0x80: {  	_ =	shalt  }
0x81: {  	_ =	shalt  }
0x82: {  	_ =	shalt  }
0x83: {  	_ =	shalt  }
0x84: {  	_ =	shalt  }
0x85: {  	_ =	shalt  }
0x86: {  	_ =	shalt  }
0x87: {  	_ =	shalt  }
.Lfunc_end0:
.L_simem_size_0:
called_computation_lowered:
.L_overlay_start_0:
0x88: {  	s2 =	sld [smem:$0x3FD9]  }
0x89: {  	s3 =	sld [smem:$0x3FFE];
	_ =	sdelay $0x1  }
0x8a: {  	s1 =	srdreg.scid  }
0x8b: {  	s0 =	sand.u32 $0x1, s1  }
0x8c: {  	s17 =	sshll.u32 s0, $0xA;
	s2 =	sadd.s32 s3, s2  }
0x8d: {  	s2 =	sadd.s32 s2, s17  }
0x8e: {  	[smem:$0x3FBB] =	sst s2  }
0x8f: {  	_ = 	snop  }
0x90: {  	s2 =	sld [smem:$0x3FD0];
	(tm) =	ssettm $0x1  }
0x91: {  	s18 =	sld [smem:$0x3FFB];
	_ =	sdelay $0x3  }
0x92: {  	_ =	strace s18  }
0x93: {  	s3 =	sld [smem:$0x3FFC];
	_ =	sdelay $0x3  }
0x94: {  	_ =	strace s3  }
0x95: {  	s3 =	sld [smem:$0x3FFD];
	_ =	sdelay $0x3  }
0x96: {  	_ =	strace s3  }
0x97: {  	_ =	strace $0x8FFFFFFF  }
0x98: {  	s19 =	sld [smem:$0x3FDB];
	_ =	sdelay $0x1  }
0x99: {  	s4 =	simm.s32 $_scs_section_size  }
0x9a: {  	s5 =	simm.s32 $_size__tile_overlayer_lowered;
	s6 =	simm.s32 $_tile_overlayer_lowered  }
0x9b: {  	s22 =	simm.s32 $0x1BFF;
	s21 =	sshll.u32 s6, $0x1;
	s3 =	sadd.s32 s4, s19  }
0x9c: {  	s7 =	simm.s32 $0x0;
	s20 =	sshll.u32 s5, $0x1;
	s5 =	sadd.s32 s21, s3  }
0x9d: {  	[timem:s7], [sflag:s22] =	dma.local [hbm:s5], s20  }
0x9e: {  	_ =	swait.ge [sflag:s22], s20  }
0x9f: {  	s4 =	ssub.s32 $0x0, s20;
	[sflag:s22] =	ssyncset.done $0x0  }
0xa0: {  	[sflag:s22] =	ssyncadd.s32 s4;
	_ =	sdelay $0x1  }
0xa1: {  	s23 =	simm.s32 $0x1B8B  }
0xa2: {  	_ =	swait.ge [sflag:s23], $0x1  }
0xa3: {  	[sflag:s23] =	ssyncset.done $0x0  }
0xa4: {  	s25 =	simm.s32 $0x1B8E;
	s24 =	sld [smem:$0x3FFE];
	[sflag:s23] =	ssyncadd.s32 $0xFFFFFFFF  }
0xa5: {  	s26 =	simm.s32 $execute0_lowered;
	[smem:$0x3FD2] =	sst s25  }
0xa6: {  	s5 =	sshll.u32 s26, $0x1;
	_ =	strace $0x80000046;
	[dreg:$0x1] =	wrdreg $0xFFFFFFFF  }
0xa7: {  	s28 =	simm.s32 $_size_execute0_lowered;
	s3 =	sadd.s32 s3, s5;
	[dreg:$0x0] =	wrdreg $0x0  }
0xa8: {  	s5 =	sshll.u32 s28, $0x1;
	[dreg:$0x2] =	wrdreg s3  }
0xa9: {  	[dreg:$0x3] =	wrdreg s5  }
0xaa: {  	[dreg:$0x4] =	wrdreg $0xC0  }
0xab: {  	_ =	task [dreg:s7], $0x5FFFF  }
0xac: {  	[dreg:$0x1] =	wrdreg $0xFFFFFFFF  }
0xad: {  	[dreg:$0x0] =	wrdreg $0x60  }
0xae: {  	[dreg:$0x2] =	wrdreg s24  }
0xaf: {  	[dreg:$0x3] =	wrdreg s2  }
0xb0: {  	[dreg:$0x4] =	wrdreg $0x0  }
0xb1: {  	[dreg:$0x5] =	wrdreg $0x9C800  }
0xb2: {  	[dreg:$0x6] =	wrdreg $0x9  }
0xb3: {  	_ =	task.clear_ibuf [dreg:s7], $0x7FFFF;
	_ =	strace $0x90000046  }
0xb4: {  	s29 =	simm.s32 $0x9;
	_ =	strace $0x80000048  }
0xb5: {  	_ =	swait.ge [sflag:s29], $0x1  }
0xb6: {  	[sflag:s29] =	ssyncadd.s32 $0xFFFFFFFF  }
0xb7: {  	_ =	strace $0x90000048  }
0xb8: {  	_ =	sfence  }
0xb9: {  	s30 =	sld [smem:$0x0];
	_ =	sdelay $0x2  }
0xba: {  	s31 =	sshll.u32 s1, $0xD;
	s1 =	sshrl.u32 s1, $0x2  }
0xbb: {  	s3 =	sand.u32 $0x4000, s31;
	s1 =	sadd.s32 s1, s30  }
0xbc: {  	s0 =	sor.u32 s3, s0;
	s1 =	sshll.u32 s1, $0x11  }
0xbd: {  	s0 =	sor.u32 s1, s0  }
0xbe: {  	s0 =	sadd.s32 $0x8F2B, s0  }
0xbf: {  	[sflag:s0] =	ssyncadd.remote.s32 $0x1  }
0xc0: {  	_ =	sfence.sel $0xFFFF  }
0xc1: {  	[dreg:$0x0] =	wrdreg $0xFFFFFFFF;
	(pc) =	sbr.abs _section_cstart, $3  }
0xc2: {  	[dreg:$0x1] =	wrdreg $0xFFFFFFFF  }
0xc3: {  	_ =	task.clear_ibuf [dreg:s7], $0x2FFFF;
	_ =	strace $0x9FFFFFFF  }
0xc4: {  	(tm) =	ssettm $0x7FFFFFFF  }
0xc5: {  	_ =	shalt  }
tec
execute0_lowered:
.L_overlay_start_1:
0x0: {  	(tag) =	ssettag $0x1  }
0x1: {  	s0 =	rddreg [dreg:$0x0];
	s1 =	srdreg.scid  }
0x2: {  	s22 =	stileid.u32;
	s3 =	rddreg [dreg:$0x2]  }
0x3: {  	s4 =	rddreg [dreg:$0x3];
	s5 =	simm.s32 $0x0;
	s28 =	simm.s32 $0x80  }
0x4: {  	s29 =	simm.s32 $0x113A0;
	s31 =	simm.s32 $0x133A0;
	s30 =	simm.s32 $0x0  }
0x5: {  	s1 =	sand.u32 $0x1, s1;
	s2 =	sshll.u32 s22, $0x1;
	s7 =	smul.u32 $0x9C00, s22  }
0x6: {  	[smem:$0x7FF] =	sst s5;
	s6 =	sadd.s32 $0x1E00, s0;
	s8 =	smul.u32 $0x2700, s22  }
0x7: {  	s24 =	sshll.u32 s22, $0x6;
	s26 =	sadd.s32 $0x9C000, s3;
	s14 =	sadd.s32 $0x3D000, s0  }
0x8: {  	s15 =	sadd.s32 $0x27000, s4;
	s16 =	sadd.s32 $0x42000, s0;
	p0 =	sne.s32 s22, $0xF  }
0x9: {  	s2 =	sor.u32 s1, s2;
	_ =	strace $0x80000047;
	s9 =	smul.u32 $0x13880, s1  }
0xa: {  	s10 =	smul.u32 $0x4E20, s1;
	s1 =	ssub.s32 $0x2, s1;
	[dreg:$0xa] =	wrdreg s26  }
0xb: {  	s26 =	simm.s32 $0x11320;
	s2 =	smul.u32 $0x500, s2;
	s11 =	sshrl.u32 s7, $0x3  }
0xc: {  	s12 =	sshrl.u32 s8, $0x3;
	s13 =	sshrl.u32 s1, $0x1;
	s7 =	sadd.s32 s7, s3  }
0xd: {  	s8 =	sadd.s32 s8, s4;
	[dreg:$0x5] =	wrdreg s11;
	s11 =	sadd.s32 s11, s0  }
0xe: {  	[dreg:$0x6] =	wrdreg s12;
	s12 =	sadd.s32 s12, s0;
	s9 =	sadd.s32 s9, s0  }
0xf: {  	s20 =	sadd.s32 s10, s0;
	s1 =	ssub.s32 s1, s13;
	s10 =	sor.u32 $0x1C03, s24  }
0x10: {  	[dreg:$0x8] =	wrdreg s8;
	s22 =	sshrl.u32 s7, $0x3;
	s24 =	simm.s32 $0x153A0  }
0x11: {  	s2 =	sadd.s32 s2, s0;
	s23 =	sadd.s32 $0x29800, s11;
	s25 =	sadd.s32 $0x3D200, s12  }
0x12: {  	s19 =	sadd.s32 $0x4C000, s9;
	s20 =	sadd.s32 $0x42200, s20;
	s21 =	smax.u32 s1, $0x1  }
0x13: {  	s0 =	simm.s32 $0x2;
	s1 =	simm.s32 $0x112A0;
	[dreg:$0x7] =	wrdreg s23  }
0x14: {  	[dreg:$0x9] =	wrdreg s25;
	s17 =	sadd.s32 $0x1F800, s2;
	s18 =	sadd.s32 $0x15800, s2  }
0x15: {  	s23 =	simm.s32 $0x3;
	s25 =	simm.s32 $0xC3A0;
	s2 =	simm.s32 $0x1  }
.LBB2_1:
0x16: {  	s7 =	rddreg [dreg:$0x7]  }
0x17: {  	[spmem:s22], [sflag:s10] =	dma.local [hbm:s7], $0x1380  }
0x18: {  	_ =	swait.ge [sflag:s23], $0x1380  }
0x19: {  	[sflag:s23] =	ssyncset.done $0x0;
	s11 =	rddreg [dreg:$0x8]  }
0x1a: {  	s8 =	rddreg [dreg:$0x9];
	[sflag:s23] =	ssyncadd.s32 $0xFFFFEC80;
	s7 =	sshrl.u32 s11, $0x3  }
0x1b: {  	[spmem:s7], [sflag:s10] =	dma.local [hbm:s8], $0x4E0  }
0x1c: {  	_ =	swait.ge [sflag:s23], $0x4E0  }
0x1d: {  	[sflag:s23] =	ssyncset.done $0x0  }
0x1e: {  	[sflag:s23] =	ssyncadd.s32 $0xFFFFFB20  }
0x1f: {  	s12 =	rddreg [dreg:$0x1]  }
0x20: {  	[tilespmem:s24], [sflag:$0x3] =	stream.linear.gather [hbm4b:s12+s5], $0x800, $0x38;
	[tilespmem:$0x15BA0] =	vst v63  }
0x21: {  	_ =	swait.ge [sflag:s23], $0x800  }
0x22: {  	[sflag:s23] =	ssyncset.done $0x0;
	s8 =	rddreg [dreg:$0xa]  }
0x23: {  	s11 =	simm.s32 @!p0 $0x3;
	[sflag:s23] =	ssyncadd.s32 $0xFFFFF800;
	s8 =	sshrl.u32 @!p0 s8, $0x3  }
0x24: {  	[spmem:s8], [sflag:s10] =	dma.local @!p0 [hbm:s14], $0x80  }
0x25: {  	_ =	swait.ge @!p0 [sflag:s11], $0x80  }
0x26: {  	[sflag:s11] =	ssyncset.done @!p0 $0x0  }
0x27: {  	s9 =	sshrl.u32 @!p0 s15, $0x3;
	[sflag:s11] =	ssyncadd.s32 @!p0 $0xFFFFFF80  }
0x28: {  	[spmem:s9], [sflag:s10] =	dma.local @!p0 [hbm:s16], $0x20  }
0x29: {  	_ =	swait.ge @!p0 [sflag:s11], $0x20  }
0x2a: {  	[sflag:s11] =	ssyncset.done @!p0 $0x0  }
0x2b: {  	[sflag:s11] =	ssyncadd.s32 @!p0 $0xFFFFFFE0  }
0x2c: {  	[bflag:$0x0] =	sbarrier.arrive $0xFFFF  }
0x2d: {  	[tilespmem:s25], [sflag:$0x3] =	stream.linear.gather [hbm4b:s17+s5], $0x2800, $0x38;
	[tilespmem:$0x15BA0] =	vst v63  }
0x2e: {  	_ =	swait.ge [sflag:s23], $0x2800  }
0x2f: {  	[sflag:s23] =	ssyncset.done $0x0  }
0x30: {  	s13 =	simm.s32 $0xEBA0;
	[sflag:s23] =	ssyncadd.s32 $0xFFFFD800  }
0x31: {  	[tilespmem:s13], [sflag:$0x3] =	stream.linear.gather [hbm4b:s18+s5], $0x2800, $0x38;
	[tilespmem:$0x15BA0] =	vst v63  }
0x32: {  	_ =	swait.ge [sflag:s23], $0x2800  }
0x33: {  	[sflag:s23] =	ssyncset.done $0x0  }
0x34: {  	[sflag:s23] =	ssyncadd.s32 $0xFFFFD800  }
0x35: {  	[tilespmem:s29], [sflag:$0x1] =	stream.indirect.gather [hbm4b:s6+s28], $0x40, s25, s28, $0xb8;
	[tilespmem:$0x15BA0] =	vst v63  }
0x36: {  	s12 =	simm.s32 $0xC420  }
0x37: {  	[tilespmem:s31], [sflag:$0x2] =	stream.indirect.gather [hbm4b:s6+s28], $0x40, s12, s28, $0xb8;
	[tilespmem:$0x15BA0] =	vst v63  }
0x38: {  	_ =	swait.ge [sflag:s2], $0x2000  }
0x39: {  	[sflag:s2] =	ssyncset.done $0x0  }
0x3a: {  	s13 =	simm.s32 $0xEBA0;
	[sflag:s2] =	ssyncadd.s32 $0xFFFFE000  }
0x3b: {  	[spmem:s3] =	stream.indirect.scatter.add.f32 [tilespmem:s29], [sflag:$0x3], $0x40, s13, s28, $0xb8;
	[tilespmem:$0x15BA0] =	vst v63  }
0x3c: {  	_ =	swait.ge [sflag:s23], $0x2000  }
0x3d: {  	[sflag:s23] =	ssyncset.done $0x0  }
0x3e: {  	[sflag:s23] =	ssyncadd.s32 $0xFFFFE000  }
0x3f: {  	[spmem:s4] =	stream.indirect.scatter.add.f32 [tilespmem:s24], [sflag:$0x3], $0x10, s13, s28, $0xb8;
	[tilespmem:$0x15BA0] =	vst v63  }
0x40: {  	_ =	swait.ge [sflag:s23], $0x800  }
0x41: {  	[sflag:s23] =	ssyncset.done $0x0  }
0x42: {  	s12 =	simm.s32 $0xC4A0;
	[sflag:s23] =	ssyncadd.s32 $0xFFFFF800  }
0x43: {  	[tilespmem:s29], [sflag:$0x1] =	stream.indirect.gather [hbm4b:s6+s28], $0x40, s12, s28, $0xb8;
	[tilespmem:$0x15BA0] =	vst v63  }
0x44: {  	_ =	swait.ge [sflag:s0], $0x2000  }
0x45: {  	[sflag:s0] =	ssyncset.done $0x0  }
0x46: {  	s13 =	simm.s32 $0xEC20;
	[sflag:s0] =	ssyncadd.s32 $0xFFFFE000  }
0x47: {  	[spmem:s3] =	stream.indirect.scatter.add.f32 [tilespmem:s31], [sflag:$0x3], $0x40, s13, s28, $0xb8;
	[tilespmem:$0x15BA0] =	vst v63  }
0x48: {  	_ =	swait.ge [sflag:s23], $0x2000  }
0x49: {  	[sflag:s23] =	ssyncset.done $0x0  }
0x4a: {  	[sflag:s23] =	ssyncadd.s32 $0xFFFFE000  }
0x4b: {  	[spmem:s4] =	stream.indirect.scatter.add.f32 [tilespmem:s24], [sflag:$0x3], $0x10, s13, s28, $0xb8;
	[tilespmem:$0x15BA0] =	vst v63  }
0x4c: {  	_ =	swait.ge [sflag:s23], $0x800  }
0x4d: {  	[sflag:s23] =	ssyncset.done $0x0  }
0x4e: {  	s11 =	simm.s32 $0x400;
	s12 =	simm.s32 $0xC520;
	[sflag:s23] =	ssyncadd.s32 $0xFFFFF800  }
.LBB2_2:
0x4f: {  	[tilespmem:s31], [sflag:$0x2] =	stream.indirect.gather [hbm4b:s6+s28], $0x40, s12, s28, $0xb8;
	[tilespmem:$0x15BA0] =	vst v63  }
0x50: {  	s12 =	smov.u32 s11  }
0x51: {  	p1 =	sne.s32 s11, $0x9800;
	s11 =	sadd.s32 $0x400, s11;
	_ =	swait.ge [sflag:s2], $0x2000  }
0x52: {  	s12 =	sshra.s32 s12, $0x2;
	[sflag:s2] =	ssyncset.done $0x0  }
0x53: {  	s13 =	sadd.s32 $0xEBA0, s12;
	[sflag:s2] =	ssyncadd.s32 $0xFFFFE000  }
0x54: {  	[spmem:s3] =	stream.indirect.scatter.add.f32 [tilespmem:s29], [sflag:$0x3], $0x40, s13, s28, $0xb8;
	[tilespmem:$0x15BA0] =	vst v63  }
0x55: {  	_ =	swait.ge [sflag:s23], $0x2000  }
0x56: {  	[sflag:s23] =	ssyncset.done $0x0  }
0x57: {  	[sflag:s23] =	ssyncadd.s32 $0xFFFFE000  }
0x58: {  	[spmem:s4] =	stream.indirect.scatter.add.f32 [tilespmem:s24], [sflag:$0x3], $0x10, s13, s28, $0xb8;
	[tilespmem:$0x15BA0] =	vst v63  }
0x59: {  	_ =	swait.ge [sflag:s23], $0x800  }
0x5a: {  	[sflag:s23] =	ssyncset.done $0x0  }
0x5b: {  	s13 =	sadd.s32 $0xC4A0, s12;
	[sflag:s23] =	ssyncadd.s32 $0xFFFFF800  }
0x5c: {  	[tilespmem:s29], [sflag:$0x1] =	stream.indirect.gather [hbm4b:s6+s28], $0x40, s13, s28, $0xb8;
	[tilespmem:$0x15BA0] =	vst v63  }
0x5d: {  	_ =	swait.ge [sflag:s0], $0x2000  }
0x5e: {  	[sflag:s0] =	ssyncset.done $0x0  }
0x5f: {  	s13 =	sadd.s32 $0xEC20, s12;
	[sflag:s0] =	ssyncadd.s32 $0xFFFFE000  }
0x60: {  	[spmem:s3] =	stream.indirect.scatter.add.f32 [tilespmem:s31], [sflag:$0x3], $0x40, s13, s28, $0xb8;
	[tilespmem:$0x15BA0] =	vst v63  }
0x61: {  	_ =	swait.ge [sflag:s23], $0x2000  }
0x62: {  	[sflag:s23] =	ssyncset.done $0x0  }
.Ltmp0:
0x63: {  	[sflag:s23] =	ssyncadd.s32 $0xFFFFE000;
	(pc) =	sbr.rel @p1 .LBB2_2-.Ltmp0, $4  }
0x64: {  	[spmem:s4] =	stream.indirect.scatter.add.f32 [tilespmem:s24], [sflag:$0x3], $0x10, s13, s28, $0xb8;
	[tilespmem:$0x15BA0] =	vst v63  }
0x65: {  	_ =	swait.ge [sflag:s23], $0x800  }
0x66: {  	[sflag:s23] =	ssyncset.done $0x0  }
0x67: {  	s12 =	sadd.s32 $0xC520, s12;
	[sflag:s23] =	ssyncadd.s32 $0xFFFFF800  }
0x68: {  	[tilespmem:s31], [sflag:$0x2] =	stream.indirect.gather [hbm4b:s6+s28], $0x40, s12, s28, $0xb8;
	[tilespmem:$0x15BA0] =	vst v63  }
0x69: {  	_ =	swait.ge [sflag:s2], $0x2000  }
0x6a: {  	[sflag:s2] =	ssyncset.done $0x0  }
0x6b: {  	[sflag:s2] =	ssyncadd.s32 $0xFFFFE000  }
0x6c: {  	[spmem:s3] =	stream.indirect.scatter.add.f32 [tilespmem:s29], [sflag:$0x3], $0x40, s1, s28, $0xb8;
	[tilespmem:$0x15BA0] =	vst v63  }
0x6d: {  	_ =	swait.ge [sflag:s23], $0x2000  }
0x6e: {  	[sflag:s23] =	ssyncset.done $0x0  }
0x6f: {  	[sflag:s23] =	ssyncadd.s32 $0xFFFFE000  }
0x70: {  	[spmem:s4] =	stream.indirect.scatter.add.f32 [tilespmem:s24], [sflag:$0x3], $0x10, s1, s28, $0xb8;
	[tilespmem:$0x15BA0] =	vst v63  }
0x71: {  	_ =	swait.ge [sflag:s23], $0x800  }
0x72: {  	[sflag:s23] =	ssyncset.done $0x0  }
0x73: {  	[sflag:s23] =	ssyncadd.s32 $0xFFFFF800  }
0x74: {  	_ =	swait.ge [sflag:s0], $0x2000  }
0x75: {  	[sflag:s0] =	ssyncset.done $0x0  }
0x76: {  	[sflag:s0] =	ssyncadd.s32 $0xFFFFE000  }
0x77: {  	[spmem:s3] =	stream.indirect.scatter.add.f32 [tilespmem:s31], [sflag:$0x3], $0x40, s26, s28, $0xb8;
	[tilespmem:$0x15BA0] =	vst v63  }
0x78: {  	_ =	swait.ge [sflag:s23], $0x2000  }
0x79: {  	[sflag:s23] =	ssyncset.done $0x0  }
0x7a: {  	[sflag:s23] =	ssyncadd.s32 $0xFFFFE000  }
0x7b: {  	[spmem:s4] =	stream.indirect.scatter.add.f32 [tilespmem:s24], [sflag:$0x3], $0x10, s26, s28, $0xb8;
	[tilespmem:$0x15BA0] =	vst v63  }
0x7c: {  	_ =	swait.ge [sflag:s23], $0x800  }
0x7d: {  	[sflag:s23] =	ssyncset.done $0x0  }
0x7e: {  	[sflag:s23] =	ssyncadd.s32 $0xFFFFF800  }
0x7f: {  	[bflag:$0x0] =	sbarrier.arrive $0xFFFF  }
0x80: {  	s11 =	rddreg [dreg:$0x5]  }
0x81: {  	s11 =	sadd.s32 s11, s19  }
0x82: {  	[hbm:s11], [sflag:s10] =	dma.local [spmem:s22], $0x1380  }
0x83: {  	_ =	swait.ge [sflag:s23], $0x1380  }
0x84: {  	[sflag:s23] =	ssyncset.done $0x0;
	s13 =	rddreg [dreg:$0x6]  }
0x85: {  	[sflag:s23] =	ssyncadd.s32 $0xFFFFEC80;
	s11 =	sadd.s32 s13, s20  }
0x86: {  	[hbm:s11], [sflag:s10] =	dma.local [spmem:s7], $0x4E0  }
0x87: {  	_ =	swait.ge [sflag:s23], $0x4E0  }
0x88: {  	[sflag:s23] =	ssyncset.done $0x0  }
0x89: {  	s7 =	sadd.s32 @!p0 $0x13800, s19;
	[sflag:s23] =	ssyncadd.s32 $0xFFFFFB20  }
0x8a: {  	[hbm:s7], [sflag:s10] =	dma.local @!p0 [spmem:s8], $0x80  }
0x8b: {  	s7 =	simm.s32 @!p0 $0x3  }
0x8c: {  	s30 =	sadd.s32 $0x1, s30;
	_ =	swait.ge @!p0 [sflag:s7], $0x80  }
0x8d: {  	p1 =	sne.s32 s30, s21;
	[sflag:s7] =	ssyncset.done @!p0 $0x0  }
.Ltmp1:
0x8e: {  	s8 =	sadd.s32 @!p0 $0x4E00, s20;
	[sflag:s7] =	ssyncadd.s32 @!p0 $0xFFFFFF80;
	(pc) =	sbr.rel @p1 .LBB2_1-.Ltmp1, $4  }
0x8f: {  	[hbm:s8], [sflag:s10] =	dma.local @!p0 [spmem:s9], $0x20  }
0x90: {  	_ =	swait.ge @!p0 [sflag:s7], $0x20  }
0x91: {  	[sflag:s7] =	ssyncset.done @!p0 $0x0  }
0x92: {  	[sflag:s7] =	ssyncadd.s32 @!p0 $0xFFFFFFE0  }
0x93: {  	_ =	sfence.sel $0x180000  }
0x94: {  	[bflag:$0x0] =	sbarrier.arrive $0xFFFF  }
0x95: {  	_ =	strace $0x90000047  }
0x96: {  	s0 =	stileid.u32;
	[bflag:$0x2] =	sbarrier.arrive $0xFFFF  }
0x97: {  	p0 =	sne.s32 s0, $0x0;
	s0 =	rddreg [dreg:$0x4]  }
0x98: {  	s0 =	sadd.s32 @!p0 $0x100000, s0  }
0x99: {  	[sflag:s0] =	ssyncadd.tile.s32 @!p0 $0x1;
	_ =	shalt  }
.Lfunc_end2:
_tile_overlayer_lowered:
.L_overlay_start_2:
0x9a: {  	(tag) =	ssettag $0x2  }
0x9b: {  	s0 =	rddreg [dreg:$0x0];
	s2 =	stileid.u32  }
0x9c: {  	s1 =	rddreg [dreg:$0x1];
	p0 =	sne.s32 s2, $0x0  }
0x9d: {  	s3 =	rddreg [dreg:$0x2];
	[bflag:$0x3] =	sbarrier.arrive $0xFFFF;
	s2 =	simm.s32 @!p0 $0x1C03  }
0x9e: {  	[timem:s3], [sflag:s2] =	dma.local @!p0 [hbm:s0], s1  }
0x9f: {  	s0 =	simm.s32 @!p0 $0x3  }
0xa0: {  	_ =	swait.ge @!p0 [sflag:s0], s1  }
0xa1: {  	s1 =	ssub.s32 @!p0 $0x0, s1;
	[sflag:s0] =	ssyncset.done @!p0 $0x0  }
0xa2: {  	[sflag:s0] =	ssyncadd.s32 @!p0 s1  }
0xa3: {  	[bflag:$0x3] =	sbarrier.arrive $0xFFFF  }
0xa4: {  	_ =	shalt  }

</sc_bundles>
